<compile_context>
chip_gen: v7x
topology: tpu7x:2x2x1
jax: 0.10.2.dev20260603
libtpu: 0.0.44.dev20260713+nightly
codegen_flags: <defaults>
</compile_context>

<pallas_src>
import jax
import jax.numpy as jnp
from jax import lax
from jax.experimental import pallas as pl
from jax.experimental.pallas import tpu as pltpu
from jax.experimental.pallas import tpu_sc as plsc

SEQ_LEN = 200
NUM_HID = 128
BATCH = 4096

_info = plsc.get_sparse_core_info()
NC, NS, L = _info.num_cores, _info.num_subcores, _info.num_lanes
NW = NC * NS
SEQ_PER_W = BATCH // NW


def _pos_encode(seq_len, dim):
    range_even = jnp.arange(dim, dtype=jnp.float32)
    range_even = (range_even / 2.0).astype(jnp.int32).astype(jnp.float32)
    power = range_even / float(dim)
    denom = jnp.power(10000.0, power).reshape(1, dim)
    pos = jnp.arange(seq_len, dtype=jnp.float32).reshape(seq_len, 1)
    arg = pos / denom
    cos_mask = (jnp.arange(seq_len) % 2).astype(bool).reshape(seq_len, 1)
    sin = jnp.where(jnp.logical_not(cos_mask), jnp.sin(arg), 0.0)
    cos = jnp.where(cos_mask, jnp.cos(arg), 0.0)
    return sin + cos


def _sc_body(
    idx_hbm, table_hbm, pe_hbm, out_hbm,
    idx0, idx1, idx2, rows0, rows1, rows2, pe_v,
    g0, g1, g2, o0, o1, o2, i0, i1, i2,
):
    c = lax.axis_index("c")
    s = lax.axis_index("s")
    wid = s * NC + c
    base = wid * SEQ_PER_W

    idxs = (idx0, idx1, idx2)
    rows = (rows0, rows1, rows2)
    gsem = (g0, g1, g2)
    osem = (o0, o1, o2)
    isem = (i0, i1, i2)

    pltpu.sync_copy(pe_hbm, pe_v)
    for k in range(3):
        pltpu.sync_copy(idx_hbm.at[base + k], idxs[k])

    def idx_start(t, k):
        pltpu.async_copy(idx_hbm.at[base + t], idxs[k], isem[k])

    def idx_wait(k):
        pltpu.make_async_copy(idx_hbm.at[base], idxs[k], isem[k]).wait()

    def gather_start(t, k):
        pltpu.async_copy(table_hbm.at[idxs[k]], rows[k], gsem[k])

    def gather_wait(k):
        pltpu.make_async_copy(table_hbm.at[idxs[k]], rows[k], gsem[k]).wait()

    def out_start(t, k):
        pltpu.async_copy(rows[k], out_hbm.at[base + t], osem[k])

    def out_wait(k):
        pltpu.make_async_copy(rows[k], out_hbm.at[base], osem[k]).wait()

    def add_pe(k):
        def row_body(r, carry2):
            for j in range(NUM_HID // L):
                sl = pl.ds(j * L, L)
                plsc.addupdate(rows[k].at[r, sl], pe_v[r, sl])
            return carry2

        lax.fori_loop(0, SEQ_LEN, row_body, 0, unroll=4)

    gather_start(0, 0)
    gather_start(1, 1)

    def outer(g, carry):
        t0 = 3 * g
        for k in range(3):
            t = t0 + k
            gather_wait(k)

            @pl.when(t < SEQ_PER_W - 3)
            def _():
                idx_start(t + 3, k)

            add_pe(k)
            out_start(t, k)
            kk = (k + 2) % 3

            if k == 0:
                @pl.when(t >= 1)
                def _():
                    out_wait(kk)
                    idx_wait(kk)
            else:
                out_wait(kk)
                idx_wait(kk)
            gather_start(t + 2, kk)
        return carry

    lax.fori_loop(0, (SEQ_PER_W - 2) // 3, outer, 0)

    for k, t in ((0, SEQ_PER_W - 2), (1, SEQ_PER_W - 1)):
        gather_wait(k)
        add_pe(k)
        out_start(t, k)
    out_wait(2)
    out_wait(0)
    out_wait(1)


@jax.jit
def kernel(input, table):
    pe = _pos_encode(SEQ_LEN, NUM_HID)
    mesh = plsc.VectorSubcoreMesh(core_axis_name="c", subcore_axis_name="s")
    f = pl.kernel(
        _sc_body,
        out_type=jax.ShapeDtypeStruct((BATCH, SEQ_LEN, NUM_HID), jnp.float32),
        mesh=mesh,
        scratch_types=[
            pltpu.VMEM((SEQ_LEN,), jnp.int32),
            pltpu.VMEM((SEQ_LEN,), jnp.int32),
            pltpu.VMEM((SEQ_LEN,), jnp.int32),
            pltpu.VMEM((SEQ_LEN, NUM_HID), jnp.float32),
            pltpu.VMEM((SEQ_LEN, NUM_HID), jnp.float32),
            pltpu.VMEM((SEQ_LEN, NUM_HID), jnp.float32),
            pltpu.VMEM((SEQ_LEN, NUM_HID), jnp.float32),
        ] + [pltpu.SemaphoreType.DMA] * 9,
    )
    return f(input.astype(jnp.int32), table, pe)

# --- scband reference (transcript-rebuilt; emitter-appended) ---
"""Pipeline reference for scband-embedding1-d-32289564131502 (READ-ONLY COPY).

The authoritative reference and input builder live on the scoring server;
editing this copy changes nothing except your own understanding.
"""

import jax, jax.numpy as jnp
import numpy as np

SEQ_LEN = 200
NUM_CLASS = 100000
NUM_HID = 128
BATCH = 4096


def pos_encode(seq_len, dim):
    # Faithful translation of the TF pos_encode, including its quirks:
    # the sin/cos mask depends on the POSITION index parity (not dim parity).
    range_even = jnp.arange(dim, dtype=jnp.float32)
    range_even = range_even / 2.0
    range_even = range_even.astype(jnp.int32).astype(jnp.float32)
    power = range_even / float(dim)
    denom = jnp.power(10000.0, power)
    denom = jnp.reshape(denom, (1, dim))
    pos = jnp.arange(seq_len, dtype=jnp.float32)
    pos = jnp.reshape(pos, (seq_len, 1))
    arg = pos / denom
    cos_mask = (jnp.arange(seq_len) % 2).astype(bool)
    cos_mask = jnp.reshape(cos_mask, (seq_len, 1))
    sin_mask = jnp.logical_not(cos_mask)
    sin = jnp.where(sin_mask, jnp.sin(arg), 0.0)
    cos = jnp.where(cos_mask, jnp.cos(arg), 0.0)
    return sin + cos


def setup_inputs(seed: int = 0) -> dict:
    key = jax.random.key(seed)
    k_idx, k_tab = jax.random.split(key)
    input_ids = jax.random.randint(k_idx, (BATCH, SEQ_LEN), 0, NUM_CLASS, dtype=jnp.int64 if jax.config.read('jax_enable_x64') else jnp.int32)
    # Embedding table (keras Embedding default: uniform init)
    table = jax.random.uniform(k_tab, (NUM_CLASS, NUM_HID), dtype=jnp.float32, minval=-0.05, maxval=0.05)
    return {"input": input_ids, "table": table}


def reference(input, table):
    # Embedding lookup (SparseCore gather) + sinusoidal positional encoding
    x = jnp.take(table, input, axis=0)  # [B, S, H]
    pe = pos_encode(SEQ_LEN, NUM_HID)   # [S, H]
    return x + pe

if __name__ == "__main__":
    import jax
    _d = setup_inputs()
    print(jax.jit(kernel)(*tuple(_d.values())))

</pallas_src>

<mosaic_0001>
#map = affine_map<(d0, d1) -> (0, 0)>
#map1 = affine_map<(d0, d1) -> (0, 0, 0)>
module attributes {stable_mosaic.version = 14 : i64} {
  func.func @_sc_body(%arg0: i32, %arg1: i32, %arg2: memref<4096x200xi32, #tpu.memory_space<hbm>>, %arg3: memref<100000x128xf32, #tpu.memory_space<hbm>>, %arg4: memref<200x128xf32, #tpu.memory_space<hbm>>, %arg5: memref<4096x200x128xf32, #tpu.memory_space<hbm>>, %arg6: memref<200xi32, #tpu.memory_space<vmem>>, %arg7: memref<200xi32, #tpu.memory_space<vmem>>, %arg8: memref<200xi32, #tpu.memory_space<vmem>>, %arg9: memref<200x128xf32, #tpu.memory_space<vmem>>, %arg10: memref<200x128xf32, #tpu.memory_space<vmem>>, %arg11: memref<200x128xf32, #tpu.memory_space<vmem>>, %arg12: memref<200x128xf32, #tpu.memory_space<vmem>>, %arg13: memref<!tpu.dma_semaphore, #tpu.memory_space<semaphore_mem>>, %arg14: memref<!tpu.dma_semaphore, #tpu.memory_space<semaphore_mem>>, %arg15: memref<!tpu.dma_semaphore, #tpu.memory_space<semaphore_mem>>, %arg16: memref<!tpu.dma_semaphore, #tpu.memory_space<semaphore_mem>>, %arg17: memref<!tpu.dma_semaphore, #tpu.memory_space<semaphore_mem>>, %arg18: memref<!tpu.dma_semaphore, #tpu.memory_space<semaphore_mem>>, %arg19: memref<!tpu.dma_semaphore, #tpu.memory_space<semaphore_mem>>, %arg20: memref<!tpu.dma_semaphore, #tpu.memory_space<semaphore_mem>>, %arg21: memref<!tpu.dma_semaphore, #tpu.memory_space<semaphore_mem>>) attributes {dimension_semantics = [#tpu.dimension_semantics<core_parallel>, #tpu.dimension_semantics<subcore_parallel>], iteration_bounds = array<i64: 2, 16>, scalar_prefetch = 0 : i64, scratch_operands = 16 : i64, tpu.core_type = #tpu.core_type<sc_vector_subcore>, window_params = [{transform_indices = #map}, {transform_indices = #map}, {transform_indices = #map}, {transform_indices = #map1}]} {
    %mul3A = arith.constant 2 : i32
    %mul3A_0 = arith.muli %arg1, %mul3A : i32
    %add3A = arith.addi %mul3A_0, %arg0 : i32
    %mul3A_1 = arith.constant 128 : i32
    %mul3A_2 = arith.muli %add3A, %mul3A_1 : i32
    "tpu.region"() ({
      %run_scoped3A = tpu.sem_alloc : memref<!tpu.dma_semaphore, #tpu.memory_space<semaphore_mem>>
      tpu.enqueue_dma source(%arg4 : memref<200x128xf32, #tpu.memory_space<hbm>>) target(%arg12 : memref<200x128xf32, #tpu.memory_space<vmem>>) target_semaphore(%run_scoped3A : memref<!tpu.dma_semaphore, #tpu.memory_space<semaphore_mem>>)
      tpu.wait_dma2 semaphore(%run_scoped3A : memref<!tpu.dma_semaphore, #tpu.memory_space<semaphore_mem>>) src(%arg4 : memref<200x128xf32, #tpu.memory_space<hbm>>) dst(%arg12 : memref<200x128xf32, #tpu.memory_space<vmem>>)
      tpu.yield
    }) : () -> ()
    %add3A_3 = arith.constant 0 : i32
    %add3A_4 = arith.addi %mul3A_2, %add3A_3 : i32
    "tpu.region"() ({
      %run_scoped3A = tpu.sem_alloc : memref<!tpu.dma_semaphore, #tpu.memory_space<semaphore_mem>>
      %dma_start3A_80 = arith.constant 0 : i32
      %dma_start3A_81 = tpu.memref_slice %arg2[%add3A_4, %dma_start3A_80] : memref<4096x200xi32, #tpu.memory_space<hbm>> -> memref<1x200xi32, #tpu.memory_space<hbm>>
      %dma_start3A_82 = tpu.memref_squeeze %dma_start3A_81 : memref<1x200xi32, #tpu.memory_space<hbm>> -> memref<200xi32, #tpu.memory_space<hbm>>
      %dma_start3A_83 = arith.constant 0 : i32
      %dma_start3A_84 = tpu.memref_slice %arg2[%add3A_4, %dma_start3A_83] : memref<4096x200xi32, #tpu.memory_space<hbm>> -> memref<1x200xi32, #tpu.memory_space<hbm>>
      %dma_start3A_85 = tpu.memref_squeeze %dma_start3A_84 : memref<1x200xi32, #tpu.memory_space<hbm>> -> memref<200xi32, #tpu.memory_space<hbm>>
      tpu.enqueue_dma source(%dma_start3A_85 : memref<200xi32, #tpu.memory_space<hbm>>) target(%arg6 : memref<200xi32, #tpu.memory_space<vmem>>) target_semaphore(%run_scoped3A : memref<!tpu.dma_semaphore, #tpu.memory_space<semaphore_mem>>)
      %dma_wait3A_86 = arith.constant 0 : i32
      %dma_wait3A_87 = tpu.memref_slice %arg2[%add3A_4, %dma_wait3A_86] : memref<4096x200xi32, #tpu.memory_space<hbm>> -> memref<1x200xi32, #tpu.memory_space<hbm>>
      %dma_wait3A_88 = tpu.memref_squeeze %dma_wait3A_87 : memref<1x200xi32, #tpu.memory_space<hbm>> -> memref<200xi32, #tpu.memory_space<hbm>>
      %dma_wait3A_89 = arith.constant 0 : i32
      %dma_wait3A_90 = tpu.memref_slice %arg2[%add3A_4, %dma_wait3A_89] : memref<4096x200xi32, #tpu.memory_space<hbm>> -> memref<1x200xi32, #tpu.memory_space<hbm>>
      %dma_wait3A_91 = tpu.memref_squeeze %dma_wait3A_90 : memref<1x200xi32, #tpu.memory_space<hbm>> -> memref<200xi32, #tpu.memory_space<hbm>>
      tpu.wait_dma2 semaphore(%run_scoped3A : memref<!tpu.dma_semaphore, #tpu.memory_space<semaphore_mem>>) src(%dma_wait3A_91 : memref<200xi32, #tpu.memory_space<hbm>>) dst(%arg6 : memref<200xi32, #tpu.memory_space<vmem>>)
      tpu.yield
    }) : () -> ()
    %add3A_5 = arith.constant 1 : i32
    %add3A_6 = arith.addi %mul3A_2, %add3A_5 : i32
    "tpu.region"() ({
      %run_scoped3A = tpu.sem_alloc : memref<!tpu.dma_semaphore, #tpu.memory_space<semaphore_mem>>
      %dma_start3A_80 = arith.constant 0 : i32
      %dma_start3A_81 = tpu.memref_slice %arg2[%add3A_6, %dma_start3A_80] : memref<4096x200xi32, #tpu.memory_space<hbm>> -> memref<1x200xi32, #tpu.memory_space<hbm>>
      %dma_start3A_82 = tpu.memref_squeeze %dma_start3A_81 : memref<1x200xi32, #tpu.memory_space<hbm>> -> memref<200xi32, #tpu.memory_space<hbm>>
      %dma_start3A_83 = arith.constant 0 : i32
      %dma_start3A_84 = tpu.memref_slice %arg2[%add3A_6, %dma_start3A_83] : memref<4096x200xi32, #tpu.memory_space<hbm>> -> memref<1x200xi32, #tpu.memory_space<hbm>>
      %dma_start3A_85 = tpu.memref_squeeze %dma_start3A_84 : memref<1x200xi32, #tpu.memory_space<hbm>> -> memref<200xi32, #tpu.memory_space<hbm>>
      tpu.enqueue_dma source(%dma_start3A_85 : memref<200xi32, #tpu.memory_space<hbm>>) target(%arg7 : memref<200xi32, #tpu.memory_space<vmem>>) target_semaphore(%run_scoped3A : memref<!tpu.dma_semaphore, #tpu.memory_space<semaphore_mem>>)
      %dma_wait3A_86 = arith.constant 0 : i32
      %dma_wait3A_87 = tpu.memref_slice %arg2[%add3A_6, %dma_wait3A_86] : memref<4096x200xi32, #tpu.memory_space<hbm>> -> memref<1x200xi32, #tpu.memory_space<hbm>>
      %dma_wait3A_88 = tpu.memref_squeeze %dma_wait3A_87 : memref<1x200xi32, #tpu.memory_space<hbm>> -> memref<200xi32, #tpu.memory_space<hbm>>
      %dma_wait3A_89 = arith.constant 0 : i32
      %dma_wait3A_90 = tpu.memref_slice %arg2[%add3A_6, %dma_wait3A_89] : memref<4096x200xi32, #tpu.memory_space<hbm>> -> memref<1x200xi32, #tpu.memory_space<hbm>>
      %dma_wait3A_91 = tpu.memref_squeeze %dma_wait3A_90 : memref<1x200xi32, #tpu.memory_space<hbm>> -> memref<200xi32, #tpu.memory_space<hbm>>
      tpu.wait_dma2 semaphore(%run_scoped3A : memref<!tpu.dma_semaphore, #tpu.memory_space<semaphore_mem>>) src(%dma_wait3A_91 : memref<200xi32, #tpu.memory_space<hbm>>) dst(%arg7 : memref<200xi32, #tpu.memory_space<vmem>>)
      tpu.yield
    }) : () -> ()
    %add3A_7 = arith.constant 2 : i32
    %add3A_8 = arith.addi %mul3A_2, %add3A_7 : i32
    "tpu.region"() ({
      %run_scoped3A = tpu.sem_alloc : memref<!tpu.dma_semaphore, #tpu.memory_space<semaphore_mem>>
      %dma_start3A_80 = arith.constant 0 : i32
      %dma_start3A_81 = tpu.memref_slice %arg2[%add3A_8, %dma_start3A_80] : memref<4096x200xi32, #tpu.memory_space<hbm>> -> memref<1x200xi32, #tpu.memory_space<hbm>>
      %dma_start3A_82 = tpu.memref_squeeze %dma_start3A_81 : memref<1x200xi32, #tpu.memory_space<hbm>> -> memref<200xi32, #tpu.memory_space<hbm>>
      %dma_start3A_83 = arith.constant 0 : i32
      %dma_start3A_84 = tpu.memref_slice %arg2[%add3A_8, %dma_start3A_83] : memref<4096x200xi32, #tpu.memory_space<hbm>> -> memref<1x200xi32, #tpu.memory_space<hbm>>
      %dma_start3A_85 = tpu.memref_squeeze %dma_start3A_84 : memref<1x200xi32, #tpu.memory_space<hbm>> -> memref<200xi32, #tpu.memory_space<hbm>>
      tpu.enqueue_dma source(%dma_start3A_85 : memref<200xi32, #tpu.memory_space<hbm>>) target(%arg8 : memref<200xi32, #tpu.memory_space<vmem>>) target_semaphore(%run_scoped3A : memref<!tpu.dma_semaphore, #tpu.memory_space<semaphore_mem>>)
      %dma_wait3A_86 = arith.constant 0 : i32
      %dma_wait3A_87 = tpu.memref_slice %arg2[%add3A_8, %dma_wait3A_86] : memref<4096x200xi32, #tpu.memory_space<hbm>> -> memref<1x200xi32, #tpu.memory_space<hbm>>
      %dma_wait3A_88 = tpu.memref_squeeze %dma_wait3A_87 : memref<1x200xi32, #tpu.memory_space<hbm>> -> memref<200xi32, #tpu.memory_space<hbm>>
      %dma_wait3A_89 = arith.constant 0 : i32
      %dma_wait3A_90 = tpu.memref_slice %arg2[%add3A_8, %dma_wait3A_89] : memref<4096x200xi32, #tpu.memory_space<hbm>> -> memref<1x200xi32, #tpu.memory_space<hbm>>
      %dma_wait3A_91 = tpu.memref_squeeze %dma_wait3A_90 : memref<1x200xi32, #tpu.memory_space<hbm>> -> memref<200xi32, #tpu.memory_space<hbm>>
      tpu.wait_dma2 semaphore(%run_scoped3A : memref<!tpu.dma_semaphore, #tpu.memory_space<semaphore_mem>>) src(%dma_wait3A_91 : memref<200xi32, #tpu.memory_space<hbm>>) dst(%arg8 : memref<200xi32, #tpu.memory_space<vmem>>)
      tpu.yield
    }) : () -> ()
    %dma_start3A = arith.constant 0 : i32
    %dma_start3A_9 = arith.constant 0 : i32
    %dma_start3A_10 = tpu.memref_slice %arg3[%dma_start3A, %dma_start3A_9] : memref<100000x128xf32, #tpu.memory_space<hbm>> -> memref<100000x128xf32, #tpu.memory_space<hbm>>
    tpu.enqueue_indirect_dma source(%dma_start3A_10 : memref<100000x128xf32, #tpu.memory_space<hbm>>) target(%arg9 : memref<200x128xf32, #tpu.memory_space<vmem>>) offsets(%arg6 : memref<200xi32, #tpu.memory_space<vmem>>) semaphore(%arg13 : memref<!tpu.dma_semaphore, #tpu.memory_space<semaphore_mem>>)
    %dma_start3A_11 = arith.constant 0 : i32
    %dma_start3A_12 = arith.constant 0 : i32
    %dma_start3A_13 = tpu.memref_slice %arg3[%dma_start3A_11, %dma_start3A_12] : memref<100000x128xf32, #tpu.memory_space<hbm>> -> memref<100000x128xf32, #tpu.memory_space<hbm>>
    tpu.enqueue_indirect_dma source(%dma_start3A_13 : memref<100000x128xf32, #tpu.memory_space<hbm>>) target(%arg10 : memref<200x128xf32, #tpu.memory_space<vmem>>) offsets(%arg7 : memref<200xi32, #tpu.memory_space<vmem>>) semaphore(%arg14 : memref<!tpu.dma_semaphore, #tpu.memory_space<semaphore_mem>>)
    %scan3A = arith.constant 0 : i32
    %scan3A_14 = arith.constant 0 : i32
    %scan3A_15 = arith.constant 42 : i32
    %scan3A_16 = arith.addi %scan3A_14, %scan3A_15 : i32
    %scan3A_17 = arith.constant 1 : i32
    scf.for %scan3A_80 = %scan3A_14 to %scan3A_16 step %scan3A_17  : i32 {
      %mul3A_81 = arith.constant 3 : i32
      %mul3A_82 = arith.muli %mul3A_81, %scan3A_80 : i32
      %add3A_83 = arith.constant 0 : i32
      %add3A_84 = arith.addi %mul3A_82, %add3A_83 : i32
      %dma_wait3A_85 = arith.constant 0 : i32
      %dma_wait3A_86 = arith.constant 0 : i32
      %dma_wait3A_87 = tpu.memref_slice %arg3[%dma_wait3A_85, %dma_wait3A_86] : memref<100000x128xf32, #tpu.memory_space<hbm>> -> memref<100000x128xf32, #tpu.memory_space<hbm>>
      tpu.wait_indirect_dma semaphore(%arg13 : memref<!tpu.dma_semaphore, #tpu.memory_space<semaphore_mem>>) src(%dma_wait3A_87 : memref<100000x128xf32, #tpu.memory_space<hbm>>) dst(%arg9 : memref<200x128xf32, #tpu.memory_space<vmem>>)
      %lt3A = arith.constant 125 : i32
      %lt3A_88 = arith.cmpi slt, %add3A_84, %lt3A : i32
      %convert_element_type3A = arith.extui %lt3A_88 : i1 to i32
      %cond3A = arith.constant 0 : i32
      %cond3A_89 = arith.cmpi ne, %convert_element_type3A, %cond3A : i32
      scf.if %cond3A_89 {
        %add3A_202 = arith.constant 3 : i32
        %add3A_203 = arith.addi %add3A_84, %add3A_202 : i32
        %add3A_204 = arith.addi %mul3A_2, %add3A_203 : i32
        %dma_start3A_205 = arith.constant 0 : i32
        %dma_start3A_206 = tpu.memref_slice %arg2[%add3A_204, %dma_start3A_205] : memref<4096x200xi32, #tpu.memory_space<hbm>> -> memref<1x200xi32, #tpu.memory_space<hbm>>
        %dma_start3A_207 = tpu.memref_squeeze %dma_start3A_206 : memref<1x200xi32, #tpu.memory_space<hbm>> -> memref<200xi32, #tpu.memory_space<hbm>>
        %dma_start3A_208 = arith.constant 0 : i32
        %dma_start3A_209 = tpu.memref_slice %arg2[%add3A_204, %dma_start3A_208] : memref<4096x200xi32, #tpu.memory_space<hbm>> -> memref<1x200xi32, #tpu.memory_space<hbm>>
        %dma_start3A_210 = tpu.memref_squeeze %dma_start3A_209 : memref<1x200xi32, #tpu.memory_space<hbm>> -> memref<200xi32, #tpu.memory_space<hbm>>
        tpu.enqueue_dma source(%dma_start3A_210 : memref<200xi32, #tpu.memory_space<hbm>>) target(%arg6 : memref<200xi32, #tpu.memory_space<vmem>>) target_semaphore(%arg19 : memref<!tpu.dma_semaphore, #tpu.memory_space<semaphore_mem>>)
      } else {
      }
      %scan3A_90 = arith.constant 0 : i32
      %scan3A_91 = arith.constant 0 : i32
      %scan3A_92 = arith.constant 200 : i32
      %scan3A_93 = arith.addi %scan3A_91, %scan3A_92 : i32
      %scan3A_94 = arith.constant 4 : i32
      scf.for %scan3A_202 = %scan3A_91 to %scan3A_93 step %scan3A_94  : i32 {
        %get3A = arith.index_cast %scan3A_202 : i32 to index
        %get3A_203 = arith.constant 0 : index
        %get3A_204 = tpu.vector_load %arg12[%get3A, %get3A_203] {strides = array<i32>} : memref<200x128xf32, #tpu.memory_space<vmem>>, vector<1x16xf32>,
        %get3A_205 = vector.shape_cast %get3A_204 : vector<1x16xf32> to vector<16xf32>
        %swap3A = arith.index_cast %scan3A_202 : i32 to index
        %swap3A_206 = arith.constant 0 : index
        %swap3A_207 = tpu.vector_load %arg9[%swap3A, %swap3A_206] {strides = array<i32>} : memref<200x128xf32, #tpu.memory_space<vmem>>, vector<1x16xf32>,
        %swap3A_208 = vector.shape_cast %swap3A_207 : vector<1x16xf32> to vector<16xf32>
        %swap3A_209 = vector.shape_cast %get3A_205 : vector<16xf32> to vector<1x16xf32>
        tpu.vector_store %arg9[%swap3A, %swap3A_206], %swap3A_209 {add = true, strides = array<i32>} : memref<200x128xf32, #tpu.memory_space<vmem>>, vector<1x16xf32>,
        %get3A_210 = arith.index_cast %scan3A_202 : i32 to index
        %get3A_211 = arith.constant 16 : index
        %get3A_212 = tpu.vector_load %arg12[%get3A_210, %get3A_211] {strides = array<i32>} : memref<200x128xf32, #tpu.memory_space<vmem>>, vector<1x16xf32>,
        %get3A_213 = vector.shape_cast %get3A_212 : vector<1x16xf32> to vector<16xf32>
        %swap3A_214 = arith.index_cast %scan3A_202 : i32 to index
        %swap3A_215 = arith.constant 16 : index
        %swap3A_216 = tpu.vector_load %arg9[%swap3A_214, %swap3A_215] {strides = array<i32>} : memref<200x128xf32, #tpu.memory_space<vmem>>, vector<1x16xf32>,
        %swap3A_217 = vector.shape_cast %swap3A_216 : vector<1x16xf32> to vector<16xf32>
        %swap3A_218 = vector.shape_cast %get3A_213 : vector<16xf32> to vector<1x16xf32>
        tpu.vector_store %arg9[%swap3A_214, %swap3A_215], %swap3A_218 {add = true, strides = array<i32>} : memref<200x128xf32, #tpu.memory_space<vmem>>, vector<1x16xf32>,
        %get3A_219 = arith.index_cast %scan3A_202 : i32 to index
        %get3A_220 = arith.constant 32 : index
        %get3A_221 = tpu.vector_load %arg12[%get3A_219, %get3A_220] {strides = array<i32>} : memref<200x128xf32, #tpu.memory_space<vmem>>, vector<1x16xf32>,
        %get3A_222 = vector.shape_cast %get3A_221 : vector<1x16xf32> to vector<16xf32>
        %swap3A_223 = arith.index_cast %scan3A_202 : i32 to index
        %swap3A_224 = arith.constant 32 : index
        %swap3A_225 = tpu.vector_load %arg9[%swap3A_223, %swap3A_224] {strides = array<i32>} : memref<200x128xf32, #tpu.memory_space<vmem>>, vector<1x16xf32>,
        %swap3A_226 = vector.shape_cast %swap3A_225 : vector<1x16xf32> to vector<16xf32>
        %swap3A_227 = vector.shape_cast %get3A_222 : vector<16xf32> to vector<1x16xf32>
        tpu.vector_store %arg9[%swap3A_223, %swap3A_224], %swap3A_227 {add = true, strides = array<i32>} : memref<200x128xf32, #tpu.memory_space<vmem>>, vector<1x16xf32>,
        %get3A_228 = arith.index_cast %scan3A_202 : i32 to index
        %get3A_229 = arith.constant 48 : index
        %get3A_230 = tpu.vector_load %arg12[%get3A_228, %get3A_229] {strides = array<i32>} : memref<200x128xf32, #tpu.memory_space<vmem>>, vector<1x16xf32>,
        %get3A_231 = vector.shape_cast %get3A_230 : vector<1x16xf32> to vector<16xf32>
        %swap3A_232 = arith.index_cast %scan3A_202 : i32 to index
        %swap3A_233 = arith.constant 48 : index
        %swap3A_234 = tpu.vector_load %arg9[%swap3A_232, %swap3A_233] {strides = array<i32>} : memref<200x128xf32, #tpu.memory_space<vmem>>, vector<1x16xf32>,
        %swap3A_235 = vector.shape_cast %swap3A_234 : vector<1x16xf32> to vector<16xf32>
        %swap3A_236 = vector.shape_cast %get3A_231 : vector<16xf32> to vector<1x16xf32>
        tpu.vector_store %arg9[%swap3A_232, %swap3A_233], %swap3A_236 {add = true, strides = array<i32>} : memref<200x128xf32, #tpu.memory_space<vmem>>, vector<1x16xf32>,
        %get3A_237 = arith.index_cast %scan3A_202 : i32 to index
        %get3A_238 = arith.constant 64 : index
        %get3A_239 = tpu.vector_load %arg12[%get3A_237, %get3A_238] {strides = array<i32>} : memref<200x128xf32, #tpu.memory_space<vmem>>, vector<1x16xf32>,
        %get3A_240 = vector.shape_cast %get3A_239 : vector<1x16xf32> to vector<16xf32>
        %swap3A_241 = arith.index_cast %scan3A_202 : i32 to index
        %swap3A_242 = arith.constant 64 : index
        %swap3A_243 = tpu.vector_load %arg9[%swap3A_241, %swap3A_242] {strides = array<i32>} : memref<200x128xf32, #tpu.memory_space<vmem>>, vector<1x16xf32>,
        %swap3A_244 = vector.shape_cast %swap3A_243 : vector<1x16xf32> to vector<16xf32>
        %swap3A_245 = vector.shape_cast %get3A_240 : vector<16xf32> to vector<1x16xf32>
        tpu.vector_store %arg9[%swap3A_241, %swap3A_242], %swap3A_245 {add = true, strides = array<i32>} : memref<200x128xf32, #tpu.memory_space<vmem>>, vector<1x16xf32>,
        %get3A_246 = arith.index_cast %scan3A_202 : i32 to index
        %get3A_247 = arith.constant 80 : index
        %get3A_248 = tpu.vector_load %arg12[%get3A_246, %get3A_247] {strides = array<i32>} : memref<200x128xf32, #tpu.memory_space<vmem>>, vector<1x16xf32>,
        %get3A_249 = vector.shape_cast %get3A_248 : vector<1x16xf32> to vector<16xf32>
        %swap3A_250 = arith.index_cast %scan3A_202 : i32 to index
        %swap3A_251 = arith.constant 80 : index
        %swap3A_252 = tpu.vector_load %arg9[%swap3A_250, %swap3A_251] {strides = array<i32>} : memref<200x128xf32, #tpu.memory_space<vmem>>, vector<1x16xf32>,
        %swap3A_253 = vector.shape_cast %swap3A_252 : vector<1x16xf32> to vector<16xf32>
        %swap3A_254 = vector.shape_cast %get3A_249 : vector<16xf32> to vector<1x16xf32>
        tpu.vector_store %arg9[%swap3A_250, %swap3A_251], %swap3A_254 {add = true, strides = array<i32>} : memref<200x128xf32, #tpu.memory_space<vmem>>, vector<1x16xf32>,
        %get3A_255 = arith.index_cast %scan3A_202 : i32 to index
        %get3A_256 = arith.constant 96 : index
        %get3A_257 = tpu.vector_load %arg12[%get3A_255, %get3A_256] {strides = array<i32>} : memref<200x128xf32, #tpu.memory_space<vmem>>, vector<1x16xf32>,
        %get3A_258 = vector.shape_cast %get3A_257 : vector<1x16xf32> to vector<16xf32>
        %swap3A_259 = arith.index_cast %scan3A_202 : i32 to index
        %swap3A_260 = arith.constant 96 : index
        %swap3A_261 = tpu.vector_load %arg9[%swap3A_259, %swap3A_260] {strides = array<i32>} : memref<200x128xf32, #tpu.memory_space<vmem>>, vector<1x16xf32>,
        %swap3A_262 = vector.shape_cast %swap3A_261 : vector<1x16xf32> to vector<16xf32>
        %swap3A_263 = vector.shape_cast %get3A_258 : vector<16xf32> to vector<1x16xf32>
        tpu.vector_store %arg9[%swap3A_259, %swap3A_260], %swap3A_263 {add = true, strides = array<i32>} : memref<200x128xf32, #tpu.memory_space<vmem>>, vector<1x16xf32>,
        %get3A_264 = arith.index_cast %scan3A_202 : i32 to index
        %get3A_265 = arith.constant 112 : index
        %get3A_266 = tpu.vector_load %arg12[%get3A_264, %get3A_265] {strides = array<i32>} : memref<200x128xf32, #tpu.memory_space<vmem>>, vector<1x16xf32>,
        %get3A_267 = vector.shape_cast %get3A_266 : vector<1x16xf32> to vector<16xf32>
        %swap3A_268 = arith.index_cast %scan3A_202 : i32 to index
        %swap3A_269 = arith.constant 112 : index
        %swap3A_270 = tpu.vector_load %arg9[%swap3A_268, %swap3A_269] {strides = array<i32>} : memref<200x128xf32, #tpu.memory_space<vmem>>, vector<1x16xf32>,
        %swap3A_271 = vector.shape_cast %swap3A_270 : vector<1x16xf32> to vector<16xf32>
        %swap3A_272 = vector.shape_cast %get3A_267 : vector<16xf32> to vector<1x16xf32>
        tpu.vector_store %arg9[%swap3A_268, %swap3A_269], %swap3A_272 {add = true, strides = array<i32>} : memref<200x128xf32, #tpu.memory_space<vmem>>, vector<1x16xf32>,
        %scan3A_273 = arith.constant 1 : i32
        %scan3A_274 = arith.addi %scan3A_202, %scan3A_273 : i32
        %get3A_275 = arith.index_cast %scan3A_274 : i32 to index
        %get3A_276 = arith.constant 0 : index
        %get3A_277 = tpu.vector_load %arg12[%get3A_275, %get3A_276] {strides = array<i32>} : memref<200x128xf32, #tpu.memory_space<vmem>>, vector<1x16xf32>,
        %get3A_278 = vector.shape_cast %get3A_277 : vector<1x16xf32> to vector<16xf32>
        %swap3A_279 = arith.index_cast %scan3A_274 : i32 to index
        %swap3A_280 = arith.constant 0 : index
        %swap3A_281 = tpu.vector_load %arg9[%swap3A_279, %swap3A_280] {strides = array<i32>} : memref<200x128xf32, #tpu.memory_space<vmem>>, vector<1x16xf32>,
        %swap3A_282 = vector.shape_cast %swap3A_281 : vector<1x16xf32> to vector<16xf32>
        %swap3A_283 = vector.shape_cast %get3A_278 : vector<16xf32> to vector<1x16xf32>
        tpu.vector_store %arg9[%swap3A_279, %swap3A_280], %swap3A_283 {add = true, strides = array<i32>} : memref<200x128xf32, #tpu.memory_space<vmem>>, vector<1x16xf32>,
        %get3A_284 = arith.index_cast %scan3A_274 : i32 to index
        %get3A_285 = arith.constant 16 : index
        %get3A_286 = tpu.vector_load %arg12[%get3A_284, %get3A_285] {strides = array<i32>} : memref<200x128xf32, #tpu.memory_space<vmem>>, vector<1x16xf32>,
        %get3A_287 = vector.shape_cast %get3A_286 : vector<1x16xf32> to vector<16xf32>
        %swap3A_288 = arith.index_cast %scan3A_274 : i32 to index
        %swap3A_289 = arith.constant 16 : index
        %swap3A_290 = tpu.vector_load %arg9[%swap3A_288, %swap3A_289] {strides = array<i32>} : memref<200x128xf32, #tpu.memory_space<vmem>>, vector<1x16xf32>,
        %swap3A_291 = vector.shape_cast %swap3A_290 : vector<1x16xf32> to vector<16xf32>
        %swap3A_292 = vector.shape_cast %get3A_287 : vector<16xf32> to vector<1x16xf32>
        tpu.vector_store %arg9[%swap3A_288, %swap3A_289], %swap3A_292 {add = true, strides = array<i32>} : memref<200x128xf32, #tpu.memory_space<vmem>>, vector<1x16xf32>,
        %get3A_293 = arith.index_cast %scan3A_274 : i32 to index
        %get3A_294 = arith.constant 32 : index
        %get3A_295 = tpu.vector_load %arg12[%get3A_293, %get3A_294] {strides = array<i32>} : memref<200x128xf32, #tpu.memory_space<vmem>>, vector<1x16xf32>,
        %get3A_296 = vector.shape_cast %get3A_295 : vector<1x16xf32> to vector<16xf32>
        %swap3A_297 = arith.index_cast %scan3A_274 : i32 to index
        %swap3A_298 = arith.constant 32 : index
        %swap3A_299 = tpu.vector_load %arg9[%swap3A_297, %swap3A_298] {strides = array<i32>} : memref<200x128xf32, #tpu.memory_space<vmem>>, vector<1x16xf32>,
        %swap3A_300 = vector.shape_cast %swap3A_299 : vector<1x16xf32> to vector<16xf32>
        %swap3A_301 = vector.shape_cast %get3A_296 : vector<16xf32> to vector<1x16xf32>
        tpu.vector_store %arg9[%swap3A_297, %swap3A_298], %swap3A_301 {add = true, strides = array<i32>} : memref<200x128xf32, #tpu.memory_space<vmem>>, vector<1x16xf32>,
        %get3A_302 = arith.index_cast %scan3A_274 : i32 to index
        %get3A_303 = arith.constant 48 : index
        %get3A_304 = tpu.vector_load %arg12[%get3A_302, %get3A_303] {strides = array<i32>} : memref<200x128xf32, #tpu.memory_space<vmem>>, vector<1x16xf32>,
        %get3A_305 = vector.shape_cast %get3A_304 : vector<1x16xf32> to vector<16xf32>
        %swap3A_306 = arith.index_cast %scan3A_274 : i32 to index
        %swap3A_307 = arith.constant 48 : index
        %swap3A_308 = tpu.vector_load %arg9[%swap3A_306, %swap3A_307] {strides = array<i32>} : memref<200x128xf32, #tpu.memory_space<vmem>>, vector<1x16xf32>,
        %swap3A_309 = vector.shape_cast %swap3A_308 : vector<1x16xf32> to vector<16xf32>
        %swap3A_310 = vector.shape_cast %get3A_305 : vector<16xf32> to vector<1x16xf32>
        tpu.vector_store %arg9[%swap3A_306, %swap3A_307], %swap3A_310 {add = true, strides = array<i32>} : memref<200x128xf32, #tpu.memory_space<vmem>>, vector<1x16xf32>,
        %get3A_311 = arith.index_cast %scan3A_274 : i32 to index
        %get3A_312 = arith.constant 64 : index
        %get3A_313 = tpu.vector_load %arg12[%get3A_311, %get3A_312] {strides = array<i32>} : memref<200x128xf32, #tpu.memory_space<vmem>>, vector<1x16xf32>,
        %get3A_314 = vector.shape_cast %get3A_313 : vector<1x16xf32> to vector<16xf32>
        %swap3A_315 = arith.index_cast %scan3A_274 : i32 to index
        %swap3A_316 = arith.constant 64 : index
        %swap3A_317 = tpu.vector_load %arg9[%swap3A_315, %swap3A_316] {strides = array<i32>} : memref<200x128xf32, #tpu.memory_space<vmem>>, vector<1x16xf32>,
        %swap3A_318 = vector.shape_cast %swap3A_317 : vector<1x16xf32> to vector<16xf32>
        %swap3A_319 = vector.shape_cast %get3A_314 : vector<16xf32> to vector<1x16xf32>
        tpu.vector_store %arg9[%swap3A_315, %swap3A_316], %swap3A_319 {add = true, strides = array<i32>} : memref<200x128xf32, #tpu.memory_space<vmem>>, vector<1x16xf32>,
        %get3A_320 = arith.index_cast %scan3A_274 : i32 to index
        %get3A_321 = arith.constant 80 : index
        %get3A_322 = tpu.vector_load %arg12[%get3A_320, %get3A_321] {strides = array<i32>} : memref<200x128xf32, #tpu.memory_space<vmem>>, vector<1x16xf32>,
        %get3A_323 = vector.shape_cast %get3A_322 : vector<1x16xf32> to vector<16xf32>
        %swap3A_324 = arith.index_cast %scan3A_274 : i32 to index
        %swap3A_325 = arith.constant 80 : index
        %swap3A_326 = tpu.vector_load %arg9[%swap3A_324, %swap3A_325] {strides = array<i32>} : memref<200x128xf32, #tpu.memory_space<vmem>>, vector<1x16xf32>,
        %swap3A_327 = vector.shape_cast %swap3A_326 : vector<1x16xf32> to vector<16xf32>
        %swap3A_328 = vector.shape_cast %get3A_323 : vector<16xf32> to vector<1x16xf32>
        tpu.vector_store %arg9[%swap3A_324, %swap3A_325], %swap3A_328 {add = true, strides = array<i32>} : memref<200x128xf32, #tpu.memory_space<vmem>>, vector<1x16xf32>,
        %get3A_329 = arith.index_cast %scan3A_274 : i32 to index
        %get3A_330 = arith.constant 96 : index
        %get3A_331 = tpu.vector_load %arg12[%get3A_329, %get3A_330] {strides = array<i32>} : memref<200x128xf32, #tpu.memory_space<vmem>>, vector<1x16xf32>,
        %get3A_332 = vector.shape_cast %get3A_331 : vector<1x16xf32> to vector<16xf32>
        %swap3A_333 = arith.index_cast %scan3A_274 : i32 to index
        %swap3A_334 = arith.constant 96 : index
        %swap3A_335 = tpu.vector_load %arg9[%swap3A_333, %swap3A_334] {strides = array<i32>} : memref<200x128xf32, #tpu.memory_space<vmem>>, vector<1x16xf32>,
        %swap3A_336 = vector.shape_cast %swap3A_335 : vector<1x16xf32> to vector<16xf32>
        %swap3A_337 = vector.shape_cast %get3A_332 : vector<16xf32> to vector<1x16xf32>
        tpu.vector_store %arg9[%swap3A_333, %swap3A_334], %swap3A_337 {add = true, strides = array<i32>} : memref<200x128xf32, #tpu.memory_space<vmem>>, vector<1x16xf32>,
        %get3A_338 = arith.index_cast %scan3A_274 : i32 to index
        %get3A_339 = arith.constant 112 : index
        %get3A_340 = tpu.vector_load %arg12[%get3A_338, %get3A_339] {strides = array<i32>} : memref<200x128xf32, #tpu.memory_space<vmem>>, vector<1x16xf32>,
        %get3A_341 = vector.shape_cast %get3A_340 : vector<1x16xf32> to vector<16xf32>
        %swap3A_342 = arith.index_cast %scan3A_274 : i32 to index
        %swap3A_343 = arith.constant 112 : index
        %swap3A_344 = tpu.vector_load %arg9[%swap3A_342, %swap3A_343] {strides = array<i32>} : memref<200x128xf32, #tpu.memory_space<vmem>>, vector<1x16xf32>,
        %swap3A_345 = vector.shape_cast %swap3A_344 : vector<1x16xf32> to vector<16xf32>
        %swap3A_346 = vector.shape_cast %get3A_341 : vector<16xf32> to vector<1x16xf32>
        tpu.vector_store %arg9[%swap3A_342, %swap3A_343], %swap3A_346 {add = true, strides = array<i32>} : memref<200x128xf32, #tpu.memory_space<vmem>>, vector<1x16xf32>,
        %scan3A_347 = arith.constant 2 : i32
        %scan3A_348 = arith.addi %scan3A_202, %scan3A_347 : i32
        %get3A_349 = arith.index_cast %scan3A_348 : i32 to index
        %get3A_350 = arith.constant 0 : index
        %get3A_351 = tpu.vector_load %arg12[%get3A_349, %get3A_350] {strides = array<i32>} : memref<200x128xf32, #tpu.memory_space<vmem>>, vector<1x16xf32>,
        %get3A_352 = vector.shape_cast %get3A_351 : vector<1x16xf32> to vector<16xf32>
        %swap3A_353 = arith.index_cast %scan3A_348 : i32 to index
        %swap3A_354 = arith.constant 0 : index
        %swap3A_355 = tpu.vector_load %arg9[%swap3A_353, %swap3A_354] {strides = array<i32>} : memref<200x128xf32, #tpu.memory_space<vmem>>, vector<1x16xf32>,
        %swap3A_356 = vector.shape_cast %swap3A_355 : vector<1x16xf32> to vector<16xf32>
        %swap3A_357 = vector.shape_cast %get3A_352 : vector<16xf32> to vector<1x16xf32>
        tpu.vector_store %arg9[%swap3A_353, %swap3A_354], %swap3A_357 {add = true, strides = array<i32>} : memref<200x128xf32, #tpu.memory_space<vmem>>, vector<1x16xf32>,
        %get3A_358 = arith.index_cast %scan3A_348 : i32 to index
        %get3A_359 = arith.constant 16 : index
        %get3A_360 = tpu.vector_load %arg12[%get3A_358, %get3A_359] {strides = array<i32>} : memref<200x128xf32, #tpu.memory_space<vmem>>, vector<1x16xf32>,
        %get3A_361 = vector.shape_cast %get3A_360 : vector<1x16xf32> to vector<16xf32>
        %swap3A_362 = arith.index_cast %scan3A_348 : i32 to index
        %swap3A_363 = arith.constant 16 : index
        %swap3A_364 = tpu.vector_load %arg9[%swap3A_362, %swap3A_363] {strides = array<i32>} : memref<200x128xf32, #tpu.memory_space<vmem>>, vector<1x16xf32>,
        %swap3A_365 = vector.shape_cast %swap3A_364 : vector<1x16xf32> to vector<16xf32>
        %swap3A_366 = vector.shape_cast %get3A_361 : vector<16xf32> to vector<1x16xf32>
        tpu.vector_store %arg9[%swap3A_362, %swap3A_363], %swap3A_366 {add = true, strides = array<i32>} : memref<200x128xf32, #tpu.memory_space<vmem>>, vector<1x16xf32>,
        %get3A_367 = arith.index_cast %scan3A_348 : i32 to index
        %get3A_368 = arith.constant 32 : index
        %get3A_369 = tpu.vector_load %arg12[%get3A_367, %get3A_368] {strides = array<i32>} : memref<200x128xf32, #tpu.memory_space<vmem>>, vector<1x16xf32>,
        %get3A_370 = vector.shape_cast %get3A_369 : vector<1x16xf32> to vector<16xf32>
        %swap3A_371 = arith.index_cast %scan3A_348 : i32 to index
        %swap3A_372 = arith.constant 32 : index
        %swap3A_373 = tpu.vector_load %arg9[%swap3A_371, %swap3A_372] {strides = array<i32>} : memref<200x128xf32, #tpu.memory_space<vmem>>, vector<1x16xf32>,
        %swap3A_374 = vector.shape_cast %swap3A_373 : vector<1x16xf32> to vector<16xf32>
        %swap3A_375 = vector.shape_cast %get3A_370 : vector<16xf32> to vector<1x16xf32>
        tpu.vector_store %arg9[%swap3A_371, %swap3A_372], %swap3A_375 {add = true, strides = array<i32>} : memref<200x128xf32, #tpu.memory_space<vmem>>, vector<1x16xf32>,
        %get3A_376 = arith.index_cast %scan3A_348 : i32 to index
        %get3A_377 = arith.constant 48 : index
        %get3A_378 = tpu.vector_load %arg12[%get3A_376, %get3A_377] {strides = array<i32>} : memref<200x128xf32, #tpu.memory_space<vmem>>, vector<1x16xf32>,
        %get3A_379 = vector.shape_cast %get3A_378 : vector<1x16xf32> to vector<16xf32>
        %swap3A_380 = arith.index_cast %scan3A_348 : i32 to index
        %swap3A_381 = arith.constant 48 : index
        %swap3A_382 = tpu.vector_load %arg9[%swap3A_380, %swap3A_381] {strides = array<i32>} : memref<200x128xf32, #tpu.memory_space<vmem>>, vector<1x16xf32>,
        %swap3A_383 = vector.shape_cast %swap3A_382 : vector<1x16xf32> to vector<16xf32>
        %swap3A_384 = vector.shape_cast %get3A_379 : vector<16xf32> to vector<1x16xf32>
        tpu.vector_store %arg9[%swap3A_380, %swap3A_381], %swap3A_384 {add = true, strides = array<i32>} : memref<200x128xf32, #tpu.memory_space<vmem>>, vector<1x16xf32>,
        %get3A_385 = arith.index_cast %scan3A_348 : i32 to index
        %get3A_386 = arith.constant 64 : index
        %get3A_387 = tpu.vector_load %arg12[%get3A_385, %get3A_386] {strides = array<i32>} : memref<200x128xf32, #tpu.memory_space<vmem>>, vector<1x16xf32>,
        %get3A_388 = vector.shape_cast %get3A_387 : vector<1x16xf32> to vector<16xf32>
        %swap3A_389 = arith.index_cast %scan3A_348 : i32 to index
        %swap3A_390 = arith.constant 64 : index
        %swap3A_391 = tpu.vector_load %arg9[%swap3A_389, %swap3A_390] {strides = array<i32>} : memref<200x128xf32, #tpu.memory_space<vmem>>, vector<1x16xf32>,
        %swap3A_392 = vector.shape_cast %swap3A_391 : vector<1x16xf32> to vector<16xf32>
        %swap3A_393 = vector.shape_cast %get3A_388 : vector<16xf32> to vector<1x16xf32>
        tpu.vector_store %arg9[%swap3A_389, %swap3A_390], %swap3A_393 {add = true, strides = array<i32>} : memref<200x128xf32, #tpu.memory_space<vmem>>, vector<1x16xf32>,
        %get3A_394 = arith.index_cast %scan3A_348 : i32 to index
        %get3A_395 = arith.constant 80 : index
        %get3A_396 = tpu.vector_load %arg12[%get3A_394, %get3A_395] {strides = array<i32>} : memref<200x128xf32, #tpu.memory_space<vmem>>, vector<1x16xf32>,
        %get3A_397 = vector.shape_cast %get3A_396 : vector<1x16xf32> to vector<16xf32>
        %swap3A_398 = arith.index_cast %scan3A_348 : i32 to index
        %swap3A_399 = arith.constant 80 : index
        %swap3A_400 = tpu.vector_load %arg9[%swap3A_398, %swap3A_399] {strides = array<i32>} : memref<200x128xf32, #tpu.memory_space<vmem>>, vector<1x16xf32>,
        %swap3A_401 = vector.shape_cast %swap3A_400 : vector<1x16xf32> to vector<16xf32>
        %swap3A_402 = vector.shape_cast %get3A_397 : vector<16xf32> to vector<1x16xf32>
        tpu.vector_store %arg9[%swap3A_398, %swap3A_399], %swap3A_402 {add = true, strides = array<i32>} : memref<200x128xf32, #tpu.memory_space<vmem>>, vector<1x16xf32>,
        %get3A_403 = arith.index_cast %scan3A_348 : i32 to index
        %get3A_404 = arith.constant 96 : index
        %get3A_405 = tpu.vector_load %arg12[%get3A_403, %get3A_404] {strides = array<i32>} : memref<200x128xf32, #tpu.memory_space<vmem>>, vector<1x16xf32>,
        %get3A_406 = vector.shape_cast %get3A_405 : vector<1x16xf32> to vector<16xf32>
        %swap3A_407 = arith.index_cast %scan3A_348 : i32 to index
        %swap3A_408 = arith.constant 96 : index
        %swap3A_409 = tpu.vector_load %arg9[%swap3A_407, %swap3A_408] {strides = array<i32>} : memref<200x128xf32, #tpu.memory_space<vmem>>, vector<1x16xf32>,
        %swap3A_410 = vector.shape_cast %swap3A_409 : vector<1x16xf32> to vector<16xf32>
        %swap3A_411 = vector.shape_cast %get3A_406 : vector<16xf32> to vector<1x16xf32>
        tpu.vector_store %arg9[%swap3A_407, %swap3A_408], %swap3A_411 {add = true, strides = array<i32>} : memref<200x128xf32, #tpu.memory_space<vmem>>, vector<1x16xf32>,
        %get3A_412 = arith.index_cast %scan3A_348 : i32 to index
        %get3A_413 = arith.constant 112 : index
        %get3A_414 = tpu.vector_load %arg12[%get3A_412, %get3A_413] {strides = array<i32>} : memref<200x128xf32, #tpu.memory_space<vmem>>, vector<1x16xf32>,
        %get3A_415 = vector.shape_cast %get3A_414 : vector<1x16xf32> to vector<16xf32>
        %swap3A_416 = arith.index_cast %scan3A_348 : i32 to index
        %swap3A_417 = arith.constant 112 : index
        %swap3A_418 = tpu.vector_load %arg9[%swap3A_416, %swap3A_417] {strides = array<i32>} : memref<200x128xf32, #tpu.memory_space<vmem>>, vector<1x16xf32>,
        %swap3A_419 = vector.shape_cast %swap3A_418 : vector<1x16xf32> to vector<16xf32>
        %swap3A_420 = vector.shape_cast %get3A_415 : vector<16xf32> to vector<1x16xf32>
        tpu.vector_store %arg9[%swap3A_416, %swap3A_417], %swap3A_420 {add = true, strides = array<i32>} : memref<200x128xf32, #tpu.memory_space<vmem>>, vector<1x16xf32>,
        %scan3A_421 = arith.constant 3 : i32
        %scan3A_422 = arith.addi %scan3A_202, %scan3A_421 : i32
        %get3A_423 = arith.index_cast %scan3A_422 : i32 to index
        %get3A_424 = arith.constant 0 : index
        %get3A_425 = tpu.vector_load %arg12[%get3A_423, %get3A_424] {strides = array<i32>} : memref<200x128xf32, #tpu.memory_space<vmem>>, vector<1x16xf32>,
        %get3A_426 = vector.shape_cast %get3A_425 : vector<1x16xf32> to vector<16xf32>
        %swap3A_427 = arith.index_cast %scan3A_422 : i32 to index
        %swap3A_428 = arith.constant 0 : index
        %swap3A_429 = tpu.vector_load %arg9[%swap3A_427, %swap3A_428] {strides = array<i32>} : memref<200x128xf32, #tpu.memory_space<vmem>>, vector<1x16xf32>,
        %swap3A_430 = vector.shape_cast %swap3A_429 : vector<1x16xf32> to vector<16xf32>
        %swap3A_431 = vector.shape_cast %get3A_426 : vector<16xf32> to vector<1x16xf32>
        tpu.vector_store %arg9[%swap3A_427, %swap3A_428], %swap3A_431 {add = true, strides = array<i32>} : memref<200x128xf32, #tpu.memory_space<vmem>>, vector<1x16xf32>,
        %get3A_432 = arith.index_cast %scan3A_422 : i32 to index
        %get3A_433 = arith.constant 16 : index
        %get3A_434 = tpu.vector_load %arg12[%get3A_432, %get3A_433] {strides = array<i32>} : memref<200x128xf32, #tpu.memory_space<vmem>>, vector<1x16xf32>,
        %get3A_435 = vector.shape_cast %get3A_434 : vector<1x16xf32> to vector<16xf32>
        %swap3A_436 = arith.index_cast %scan3A_422 : i32 to index
        %swap3A_437 = arith.constant 16 : index
        %swap3A_438 = tpu.vector_load %arg9[%swap3A_436, %swap3A_437] {strides = array<i32>} : memref<200x128xf32, #tpu.memory_space<vmem>>, vector<1x16xf32>,
        %swap3A_439 = vector.shape_cast %swap3A_438 : vector<1x16xf32> to vector<16xf32>
        %swap3A_440 = vector.shape_cast %get3A_435 : vector<16xf32> to vector<1x16xf32>
        tpu.vector_store %arg9[%swap3A_436, %swap3A_437], %swap3A_440 {add = true, strides = array<i32>} : memref<200x128xf32, #tpu.memory_space<vmem>>, vector<1x16xf32>,
        %get3A_441 = arith.index_cast %scan3A_422 : i32 to index
        %get3A_442 = arith.constant 32 : index
        %get3A_443 = tpu.vector_load %arg12[%get3A_441, %get3A_442] {strides = array<i32>} : memref<200x128xf32, #tpu.memory_space<vmem>>, vector<1x16xf32>,
        %get3A_444 = vector.shape_cast %get3A_443 : vector<1x16xf32> to vector<16xf32>
        %swap3A_445 = arith.index_cast %scan3A_422 : i32 to index
        %swap3A_446 = arith.constant 32 : index
        %swap3A_447 = tpu.vector_load %arg9[%swap3A_445, %swap3A_446] {strides = array<i32>} : memref<200x128xf32, #tpu.memory_space<vmem>>, vector<1x16xf32>,
        %swap3A_448 = vector.shape_cast %swap3A_447 : vector<1x16xf32> to vector<16xf32>
        %swap3A_449 = vector.shape_cast %get3A_444 : vector<16xf32> to vector<1x16xf32>
        tpu.vector_store %arg9[%swap3A_445, %swap3A_446], %swap3A_449 {add = true, strides = array<i32>} : memref<200x128xf32, #tpu.memory_space<vmem>>, vector<1x16xf32>,
        %get3A_450 = arith.index_cast %scan3A_422 : i32 to index
        %get3A_451 = arith.constant 48 : index
        %get3A_452 = tpu.vector_load %arg12[%get3A_450, %get3A_451] {strides = array<i32>} : memref<200x128xf32, #tpu.memory_space<vmem>>, vector<1x16xf32>,
        %get3A_453 = vector.shape_cast %get3A_452 : vector<1x16xf32> to vector<16xf32>
        %swap3A_454 = arith.index_cast %scan3A_422 : i32 to index
        %swap3A_455 = arith.constant 48 : index
        %swap3A_456 = tpu.vector_load %arg9[%swap3A_454, %swap3A_455] {strides = array<i32>} : memref<200x128xf32, #tpu.memory_space<vmem>>, vector<1x16xf32>,
        %swap3A_457 = vector.shape_cast %swap3A_456 : vector<1x16xf32> to vector<16xf32>
        %swap3A_458 = vector.shape_cast %get3A_453 : vector<16xf32> to vector<1x16xf32>
        tpu.vector_store %arg9[%swap3A_454, %swap3A_455], %swap3A_458 {add = true, strides = array<i32>} : memref<200x128xf32, #tpu.memory_space<vmem>>, vector<1x16xf32>,
        %get3A_459 = arith.index_cast %scan3A_422 : i32 to index
        %get3A_460 = arith.constant 64 : index
        %get3A_461 = tpu.vector_load %arg12[%get3A_459, %get3A_460] {strides = array<i32>} : memref<200x128xf32, #tpu.memory_space<vmem>>, vector<1x16xf32>,
        %get3A_462 = vector.shape_cast %get3A_461 : vector<1x16xf32> to vector<16xf32>
        %swap3A_463 = arith.index_cast %scan3A_422 : i32 to index
        %swap3A_464 = arith.constant 64 : index
        %swap3A_465 = tpu.vector_load %arg9[%swap3A_463, %swap3A_464] {strides = array<i32>} : memref<200x128xf32, #tpu.memory_space<vmem>>, vector<1x16xf32>,
        %swap3A_466 = vector.shape_cast %swap3A_465 : vector<1x16xf32> to vector<16xf32>
        %swap3A_467 = vector.shape_cast %get3A_462 : vector<16xf32> to vector<1x16xf32>
        tpu.vector_store %arg9[%swap3A_463, %swap3A_464], %swap3A_467 {add = true, strides = array<i32>} : memref<200x128xf32, #tpu.memory_space<vmem>>, vector<1x16xf32>,
        %get3A_468 = arith.index_cast %scan3A_422 : i32 to index
        %get3A_469 = arith.constant 80 : index
        %get3A_470 = tpu.vector_load %arg12[%get3A_468, %get3A_469] {strides = array<i32>} : memref<200x128xf32, #tpu.memory_space<vmem>>, vector<1x16xf32>,
        %get3A_471 = vector.shape_cast %get3A_470 : vector<1x16xf32> to vector<16xf32>
        %swap3A_472 = arith.index_cast %scan3A_422 : i32 to index
        %swap3A_473 = arith.constant 80 : index
        %swap3A_474 = tpu.vector_load %arg9[%swap3A_472, %swap3A_473] {strides = array<i32>} : memref<200x128xf32, #tpu.memory_space<vmem>>, vector<1x16xf32>,
        %swap3A_475 = vector.shape_cast %swap3A_474 : vector<1x16xf32> to vector<16xf32>
        %swap3A_476 = vector.shape_cast %get3A_471 : vector<16xf32> to vector<1x16xf32>
        tpu.vector_store %arg9[%swap3A_472, %swap3A_473], %swap3A_476 {add = true, strides = array<i32>} : memref<200x128xf32, #tpu.memory_space<vmem>>, vector<1x16xf32>,
        %get3A_477 = arith.index_cast %scan3A_422 : i32 to index
        %get3A_478 = arith.constant 96 : index
        %get3A_479 = tpu.vector_load %arg12[%get3A_477, %get3A_478] {strides = array<i32>} : memref<200x128xf32, #tpu.memory_space<vmem>>, vector<1x16xf32>,
        %get3A_480 = vector.shape_cast %get3A_479 : vector<1x16xf32> to vector<16xf32>
        %swap3A_481 = arith.index_cast %scan3A_422 : i32 to index
        %swap3A_482 = arith.constant 96 : index
        %swap3A_483 = tpu.vector_load %arg9[%swap3A_481, %swap3A_482] {strides = array<i32>} : memref<200x128xf32, #tpu.memory_space<vmem>>, vector<1x16xf32>,
        %swap3A_484 = vector.shape_cast %swap3A_483 : vector<1x16xf32> to vector<16xf32>
        %swap3A_485 = vector.shape_cast %get3A_480 : vector<16xf32> to vector<1x16xf32>
        tpu.vector_store %arg9[%swap3A_481, %swap3A_482], %swap3A_485 {add = true, strides = array<i32>} : memref<200x128xf32, #tpu.memory_space<vmem>>, vector<1x16xf32>,
        %get3A_486 = arith.index_cast %scan3A_422 : i32 to index
        %get3A_487 = arith.constant 112 : index
        %get3A_488 = tpu.vector_load %arg12[%get3A_486, %get3A_487] {strides = array<i32>} : memref<200x128xf32, #tpu.memory_space<vmem>>, vector<1x16xf32>,
        %get3A_489 = vector.shape_cast %get3A_488 : vector<1x16xf32> to vector<16xf32>
        %swap3A_490 = arith.index_cast %scan3A_422 : i32 to index
        %swap3A_491 = arith.constant 112 : index
        %swap3A_492 = tpu.vector_load %arg9[%swap3A_490, %swap3A_491] {strides = array<i32>} : memref<200x128xf32, #tpu.memory_space<vmem>>, vector<1x16xf32>,
        %swap3A_493 = vector.shape_cast %swap3A_492 : vector<1x16xf32> to vector<16xf32>
        %swap3A_494 = vector.shape_cast %get3A_489 : vector<16xf32> to vector<1x16xf32>
        tpu.vector_store %arg9[%swap3A_490, %swap3A_491], %swap3A_494 {add = true, strides = array<i32>} : memref<200x128xf32, #tpu.memory_space<vmem>>, vector<1x16xf32>,
      }
      %scan3A_95 = arith.constant 200 : i32
      %add3A_96 = arith.addi %mul3A_2, %add3A_84 : i32
      %dma_start3A_97 = arith.constant 0 : i32
      %dma_start3A_98 = arith.constant 0 : i32
      %dma_start3A_99 = tpu.memref_slice %arg5[%add3A_96, %dma_start3A_97, %dma_start3A_98] : memref<4096x200x128xf32, #tpu.memory_space<hbm>> -> memref<1x200x128xf32, #tpu.memory_space<hbm>>
      %dma_start3A_100 = tpu.memref_squeeze %dma_start3A_99 : memref<1x200x128xf32, #tpu.memory_space<hbm>> -> memref<200x128xf32, #tpu.memory_space<hbm>>
      %dma_start3A_101 = arith.constant 0 : i32
      %dma_start3A_102 = arith.constant 0 : i32
      %dma_start3A_103 = tpu.memref_slice %arg5[%add3A_96, %dma_start3A_101, %dma_start3A_102] : memref<4096x200x128xf32, #tpu.memory_space<hbm>> -> memref<1x200x128xf32, #tpu.memory_space<hbm>>
      %dma_start3A_104 = tpu.memref_squeeze %dma_start3A_103 : memref<1x200x128xf32, #tpu.memory_space<hbm>> -> memref<200x128xf32, #tpu.memory_space<hbm>>
      tpu.enqueue_dma source(%arg9 : memref<200x128xf32, #tpu.memory_space<vmem>>) target(%dma_start3A_104 : memref<200x128xf32, #tpu.memory_space<hbm>>) target_semaphore(%arg16 : memref<!tpu.dma_semaphore, #tpu.memory_space<semaphore_mem>>)
      %ge3A = arith.constant 1 : i32
      %ge3A_105 = arith.cmpi sge, %add3A_84, %ge3A : i32
      %convert_element_type3A_106 = arith.extui %ge3A_105 : i1 to i32
      %cond3A_107 = arith.constant 0 : i32
      %cond3A_108 = arith.cmpi ne, %convert_element_type3A_106, %cond3A_107 : i32
      scf.if %cond3A_108 {
        %dma_wait3A_202 = arith.constant 0 : i32
        %dma_wait3A_203 = arith.constant 0 : i32
        %dma_wait3A_204 = tpu.memref_slice %arg5[%mul3A_2, %dma_wait3A_202, %dma_wait3A_203] : memref<4096x200x128xf32, #tpu.memory_space<hbm>> -> memref<1x200x128xf32, #tpu.memory_space<hbm>>
        %dma_wait3A_205 = tpu.memref_squeeze %dma_wait3A_204 : memref<1x200x128xf32, #tpu.memory_space<hbm>> -> memref<200x128xf32, #tpu.memory_space<hbm>>
        %dma_wait3A_206 = arith.constant 0 : i32
        %dma_wait3A_207 = arith.constant 0 : i32
        %dma_wait3A_208 = tpu.memref_slice %arg5[%mul3A_2, %dma_wait3A_206, %dma_wait3A_207] : memref<4096x200x128xf32, #tpu.memory_space<hbm>> -> memref<1x200x128xf32, #tpu.memory_space<hbm>>
        %dma_wait3A_209 = tpu.memref_squeeze %dma_wait3A_208 : memref<1x200x128xf32, #tpu.memory_space<hbm>> -> memref<200x128xf32, #tpu.memory_space<hbm>>
        tpu.wait_dma2 semaphore(%arg18 : memref<!tpu.dma_semaphore, #tpu.memory_space<semaphore_mem>>) src(%arg11 : memref<200x128xf32, #tpu.memory_space<vmem>>) dst(%dma_wait3A_209 : memref<200x128xf32, #tpu.memory_space<hbm>>)
        %dma_wait3A_210 = arith.constant 0 : i32
        %dma_wait3A_211 = tpu.memref_slice %arg2[%mul3A_2, %dma_wait3A_210] : memref<4096x200xi32, #tpu.memory_space<hbm>> -> memref<1x200xi32, #tpu.memory_space<hbm>>
        %dma_wait3A_212 = tpu.memref_squeeze %dma_wait3A_211 : memref<1x200xi32, #tpu.memory_space<hbm>> -> memref<200xi32, #tpu.memory_space<hbm>>
        %dma_wait3A_213 = arith.constant 0 : i32
        %dma_wait3A_214 = tpu.memref_slice %arg2[%mul3A_2, %dma_wait3A_213] : memref<4096x200xi32, #tpu.memory_space<hbm>> -> memref<1x200xi32, #tpu.memory_space<hbm>>
        %dma_wait3A_215 = tpu.memref_squeeze %dma_wait3A_214 : memref<1x200xi32, #tpu.memory_space<hbm>> -> memref<200xi32, #tpu.memory_space<hbm>>
        tpu.wait_dma2 semaphore(%arg21 : memref<!tpu.dma_semaphore, #tpu.memory_space<semaphore_mem>>) src(%dma_wait3A_215 : memref<200xi32, #tpu.memory_space<hbm>>) dst(%arg8 : memref<200xi32, #tpu.memory_space<vmem>>)
      } else {
      }
      %add3A_109 = arith.constant 2 : i32
      %add3A_110 = arith.addi %add3A_84, %add3A_109 : i32
      %dma_start3A_111 = arith.constant 0 : i32
      %dma_start3A_112 = arith.constant 0 : i32
      %dma_start3A_113 = tpu.memref_slice %arg3[%dma_start3A_111, %dma_start3A_112] : memref<100000x128xf32, #tpu.memory_space<hbm>> -> memref<100000x128xf32, #tpu.memory_space<hbm>>
      tpu.enqueue_indirect_dma source(%dma_start3A_113 : memref<100000x128xf32, #tpu.memory_space<hbm>>) target(%arg11 : memref<200x128xf32, #tpu.memory_space<vmem>>) offsets(%arg8 : memref<200xi32, #tpu.memory_space<vmem>>) semaphore(%arg15 : memref<!tpu.dma_semaphore, #tpu.memory_space<semaphore_mem>>)
      %add3A_114 = arith.constant 1 : i32
      %add3A_115 = arith.addi %mul3A_82, %add3A_114 : i32
      %dma_wait3A_116 = arith.constant 0 : i32
      %dma_wait3A_117 = arith.constant 0 : i32
      %dma_wait3A_118 = tpu.memref_slice %arg3[%dma_wait3A_116, %dma_wait3A_117] : memref<100000x128xf32, #tpu.memory_space<hbm>> -> memref<100000x128xf32, #tpu.memory_space<hbm>>
      tpu.wait_indirect_dma semaphore(%arg14 : memref<!tpu.dma_semaphore, #tpu.memory_space<semaphore_mem>>) src(%dma_wait3A_118 : memref<100000x128xf32, #tpu.memory_space<hbm>>) dst(%arg10 : memref<200x128xf32, #tpu.memory_space<vmem>>)
      %lt3A_119 = arith.constant 125 : i32
      %lt3A_120 = arith.cmpi slt, %add3A_115, %lt3A_119 : i32
      %convert_element_type3A_121 = arith.extui %lt3A_120 : i1 to i32
      %cond3A_122 = arith.constant 0 : i32
      %cond3A_123 = arith.cmpi ne, %convert_element_type3A_121, %cond3A_122 : i32
      scf.if %cond3A_123 {
        %add3A_202 = arith.constant 3 : i32
        %add3A_203 = arith.addi %add3A_115, %add3A_202 : i32
        %add3A_204 = arith.addi %mul3A_2, %add3A_203 : i32
        %dma_start3A_205 = arith.constant 0 : i32
        %dma_start3A_206 = tpu.memref_slice %arg2[%add3A_204, %dma_start3A_205] : memref<4096x200xi32, #tpu.memory_space<hbm>> -> memref<1x200xi32, #tpu.memory_space<hbm>>
        %dma_start3A_207 = tpu.memref_squeeze %dma_start3A_206 : memref<1x200xi32, #tpu.memory_space<hbm>> -> memref<200xi32, #tpu.memory_space<hbm>>
        %dma_start3A_208 = arith.constant 0 : i32
        %dma_start3A_209 = tpu.memref_slice %arg2[%add3A_204, %dma_start3A_208] : memref<4096x200xi32, #tpu.memory_space<hbm>> -> memref<1x200xi32, #tpu.memory_space<hbm>>
        %dma_start3A_210 = tpu.memref_squeeze %dma_start3A_209 : memref<1x200xi32, #tpu.memory_space<hbm>> -> memref<200xi32, #tpu.memory_space<hbm>>
        tpu.enqueue_dma source(%dma_start3A_210 : memref<200xi32, #tpu.memory_space<hbm>>) target(%arg7 : memref<200xi32, #tpu.memory_space<vmem>>) target_semaphore(%arg20 : memref<!tpu.dma_semaphore, #tpu.memory_space<semaphore_mem>>)
      } else {
      }
      %scan3A_124 = arith.constant 0 : i32
      %scan3A_125 = arith.constant 0 : i32
      %scan3A_126 = arith.constant 200 : i32
      %scan3A_127 = arith.addi %scan3A_125, %scan3A_126 : i32
      %scan3A_128 = arith.constant 4 : i32
      scf.for %scan3A_202 = %scan3A_125 to %scan3A_127 step %scan3A_128  : i32 {
        %get3A = arith.index_cast %scan3A_202 : i32 to index
        %get3A_203 = arith.constant 0 : index
        %get3A_204 = tpu.vector_load %arg12[%get3A, %get3A_203] {strides = array<i32>} : memref<200x128xf32, #tpu.memory_space<vmem>>, vector<1x16xf32>,
        %get3A_205 = vector.shape_cast %get3A_204 : vector<1x16xf32> to vector<16xf32>
        %swap3A = arith.index_cast %scan3A_202 : i32 to index
        %swap3A_206 = arith.constant 0 : index
        %swap3A_207 = tpu.vector_load %arg10[%swap3A, %swap3A_206] {strides = array<i32>} : memref<200x128xf32, #tpu.memory_space<vmem>>, vector<1x16xf32>,
        %swap3A_208 = vector.shape_cast %swap3A_207 : vector<1x16xf32> to vector<16xf32>
        %swap3A_209 = vector.shape_cast %get3A_205 : vector<16xf32> to vector<1x16xf32>
        tpu.vector_store %arg10[%swap3A, %swap3A_206], %swap3A_209 {add = true, strides = array<i32>} : memref<200x128xf32, #tpu.memory_space<vmem>>, vector<1x16xf32>,
        %get3A_210 = arith.index_cast %scan3A_202 : i32 to index
        %get3A_211 = arith.constant 16 : index
        %get3A_212 = tpu.vector_load %arg12[%get3A_210, %get3A_211] {strides = array<i32>} : memref<200x128xf32, #tpu.memory_space<vmem>>, vector<1x16xf32>,
        %get3A_213 = vector.shape_cast %get3A_212 : vector<1x16xf32> to vector<16xf32>
        %swap3A_214 = arith.index_cast %scan3A_202 : i32 to index
        %swap3A_215 = arith.constant 16 : index
        %swap3A_216 = tpu.vector_load %arg10[%swap3A_214, %swap3A_215] {strides = array<i32>} : memref<200x128xf32, #tpu.memory_space<vmem>>, vector<1x16xf32>,
        %swap3A_217 = vector.shape_cast %swap3A_216 : vector<1x16xf32> to vector<16xf32>
        %swap3A_218 = vector.shape_cast %get3A_213 : vector<16xf32> to vector<1x16xf32>
        tpu.vector_store %arg10[%swap3A_214, %swap3A_215], %swap3A_218 {add = true, strides = array<i32>} : memref<200x128xf32, #tpu.memory_space<vmem>>, vector<1x16xf32>,
        %get3A_219 = arith.index_cast %scan3A_202 : i32 to index
        %get3A_220 = arith.constant 32 : index
        %get3A_221 = tpu.vector_load %arg12[%get3A_219, %get3A_220] {strides = array<i32>} : memref<200x128xf32, #tpu.memory_space<vmem>>, vector<1x16xf32>,
        %get3A_222 = vector.shape_cast %get3A_221 : vector<1x16xf32> to vector<16xf32>
        %swap3A_223 = arith.index_cast %scan3A_202 : i32 to index
        %swap3A_224 = arith.constant 32 : index
        %swap3A_225 = tpu.vector_load %arg10[%swap3A_223, %swap3A_224] {strides = array<i32>} : memref<200x128xf32, #tpu.memory_space<vmem>>, vector<1x16xf32>,
        %swap3A_226 = vector.shape_cast %swap3A_225 : vector<1x16xf32> to vector<16xf32>
        %swap3A_227 = vector.shape_cast %get3A_222 : vector<16xf32> to vector<1x16xf32>
        tpu.vector_store %arg10[%swap3A_223, %swap3A_224], %swap3A_227 {add = true, strides = array<i32>} : memref<200x128xf32, #tpu.memory_space<vmem>>, vector<1x16xf32>,
        %get3A_228 = arith.index_cast %scan3A_202 : i32 to index
        %get3A_229 = arith.constant 48 : index
        %get3A_230 = tpu.vector_load %arg12[%get3A_228, %get3A_229] {strides = array<i32>} : memref<200x128xf32, #tpu.memory_space<vmem>>, vector<1x16xf32>,
        %get3A_231 = vector.shape_cast %get3A_230 : vector<1x16xf32> to vector<16xf32>
        %swap3A_232 = arith.index_cast %scan3A_202 : i32 to index
        %swap3A_233 = arith.constant 48 : index
        %swap3A_234 = tpu.vector_load %arg10[%swap3A_232, %swap3A_233] {strides = array<i32>} : memref<200x128xf32, #tpu.memory_space<vmem>>, vector<1x16xf32>,
        %swap3A_235 = vector.shape_cast %swap3A_234 : vector<1x16xf32> to vector<16xf32>
        %swap3A_236 = vector.shape_cast %get3A_231 : vector<16xf32> to vector<1x16xf32>
        tpu.vector_store %arg10[%swap3A_232, %swap3A_233], %swap3A_236 {add = true, strides = array<i32>} : memref<200x128xf32, #tpu.memory_space<vmem>>, vector<1x16xf32>,
        %get3A_237 = arith.index_cast %scan3A_202 : i32 to index
        %get3A_238 = arith.constant 64 : index
        %get3A_239 = tpu.vector_load %arg12[%get3A_237, %get3A_238] {strides = array<i32>} : memref<200x128xf32, #tpu.memory_space<vmem>>, vector<1x16xf32>,
        %get3A_240 = vector.shape_cast %get3A_239 : vector<1x16xf32> to vector<16xf32>
        %swap3A_241 = arith.index_cast %scan3A_202 : i32 to index
        %swap3A_242 = arith.constant 64 : index
        %swap3A_243 = tpu.vector_load %arg10[%swap3A_241, %swap3A_242] {strides = array<i32>} : memref<200x128xf32, #tpu.memory_space<vmem>>, vector<1x16xf32>,
        %swap3A_244 = vector.shape_cast %swap3A_243 : vector<1x16xf32> to vector<16xf32>
        %swap3A_245 = vector.shape_cast %get3A_240 : vector<16xf32> to vector<1x16xf32>
        tpu.vector_store %arg10[%swap3A_241, %swap3A_242], %swap3A_245 {add = true, strides = array<i32>} : memref<200x128xf32, #tpu.memory_space<vmem>>, vector<1x16xf32>,
        %get3A_246 = arith.index_cast %scan3A_202 : i32 to index
        %get3A_247 = arith.constant 80 : index
        %get3A_248 = tpu.vector_load %arg12[%get3A_246, %get3A_247] {strides = array<i32>} : memref<200x128xf32, #tpu.memory_space<vmem>>, vector<1x16xf32>,
        %get3A_249 = vector.shape_cast %get3A_248 : vector<1x16xf32> to vector<16xf32>
        %swap3A_250 = arith.index_cast %scan3A_202 : i32 to index
        %swap3A_251 = arith.constant 80 : index
        %swap3A_252 = tpu.vector_load %arg10[%swap3A_250, %swap3A_251] {strides = array<i32>} : memref<200x128xf32, #tpu.memory_space<vmem>>, vector<1x16xf32>,
        %swap3A_253 = vector.shape_cast %swap3A_252 : vector<1x16xf32> to vector<16xf32>
        %swap3A_254 = vector.shape_cast %get3A_249 : vector<16xf32> to vector<1x16xf32>
        tpu.vector_store %arg10[%swap3A_250, %swap3A_251], %swap3A_254 {add = true, strides = array<i32>} : memref<200x128xf32, #tpu.memory_space<vmem>>, vector<1x16xf32>,
        %get3A_255 = arith.index_cast %scan3A_202 : i32 to index
        %get3A_256 = arith.constant 96 : index
        %get3A_257 = tpu.vector_load %arg12[%get3A_255, %get3A_256] {strides = array<i32>} : memref<200x128xf32, #tpu.memory_space<vmem>>, vector<1x16xf32>,
        %get3A_258 = vector.shape_cast %get3A_257 : vector<1x16xf32> to vector<16xf32>
        %swap3A_259 = arith.index_cast %scan3A_202 : i32 to index
        %swap3A_260 = arith.constant 96 : index
        %swap3A_261 = tpu.vector_load %arg10[%swap3A_259, %swap3A_260] {strides = array<i32>} : memref<200x128xf32, #tpu.memory_space<vmem>>, vector<1x16xf32>,
        %swap3A_262 = vector.shape_cast %swap3A_261 : vector<1x16xf32> to vector<16xf32>
        %swap3A_263 = vector.shape_cast %get3A_258 : vector<16xf32> to vector<1x16xf32>
        tpu.vector_store %arg10[%swap3A_259, %swap3A_260], %swap3A_263 {add = true, strides = array<i32>} : memref<200x128xf32, #tpu.memory_space<vmem>>, vector<1x16xf32>,
        %get3A_264 = arith.index_cast %scan3A_202 : i32 to index
        %get3A_265 = arith.constant 112 : index
        %get3A_266 = tpu.vector_load %arg12[%get3A_264, %get3A_265] {strides = array<i32>} : memref<200x128xf32, #tpu.memory_space<vmem>>, vector<1x16xf32>,
        %get3A_267 = vector.shape_cast %get3A_266 : vector<1x16xf32> to vector<16xf32>
        %swap3A_268 = arith.index_cast %scan3A_202 : i32 to index
        %swap3A_269 = arith.constant 112 : index
        %swap3A_270 = tpu.vector_load %arg10[%swap3A_268, %swap3A_269] {strides = array<i32>} : memref<200x128xf32, #tpu.memory_space<vmem>>, vector<1x16xf32>,
        %swap3A_271 = vector.shape_cast %swap3A_270 : vector<1x16xf32> to vector<16xf32>
        %swap3A_272 = vector.shape_cast %get3A_267 : vector<16xf32> to vector<1x16xf32>
        tpu.vector_store %arg10[%swap3A_268, %swap3A_269], %swap3A_272 {add = true, strides = array<i32>} : memref<200x128xf32, #tpu.memory_space<vmem>>, vector<1x16xf32>,
        %scan3A_273 = arith.constant 1 : i32
        %scan3A_274 = arith.addi %scan3A_202, %scan3A_273 : i32
        %get3A_275 = arith.index_cast %scan3A_274 : i32 to index
        %get3A_276 = arith.constant 0 : index
        %get3A_277 = tpu.vector_load %arg12[%get3A_275, %get3A_276] {strides = array<i32>} : memref<200x128xf32, #tpu.memory_space<vmem>>, vector<1x16xf32>,
        %get3A_278 = vector.shape_cast %get3A_277 : vector<1x16xf32> to vector<16xf32>
        %swap3A_279 = arith.index_cast %scan3A_274 : i32 to index
        %swap3A_280 = arith.constant 0 : index
        %swap3A_281 = tpu.vector_load %arg10[%swap3A_279, %swap3A_280] {strides = array<i32>} : memref<200x128xf32, #tpu.memory_space<vmem>>, vector<1x16xf32>,
        %swap3A_282 = vector.shape_cast %swap3A_281 : vector<1x16xf32> to vector<16xf32>
        %swap3A_283 = vector.shape_cast %get3A_278 : vector<16xf32> to vector<1x16xf32>
        tpu.vector_store %arg10[%swap3A_279, %swap3A_280], %swap3A_283 {add = true, strides = array<i32>} : memref<200x128xf32, #tpu.memory_space<vmem>>, vector<1x16xf32>,
        %get3A_284 = arith.index_cast %scan3A_274 : i32 to index
        %get3A_285 = arith.constant 16 : index
        %get3A_286 = tpu.vector_load %arg12[%get3A_284, %get3A_285] {strides = array<i32>} : memref<200x128xf32, #tpu.memory_space<vmem>>, vector<1x16xf32>,
        %get3A_287 = vector.shape_cast %get3A_286 : vector<1x16xf32> to vector<16xf32>
        %swap3A_288 = arith.index_cast %scan3A_274 : i32 to index
        %swap3A_289 = arith.constant 16 : index
        %swap3A_290 = tpu.vector_load %arg10[%swap3A_288, %swap3A_289] {strides = array<i32>} : memref<200x128xf32, #tpu.memory_space<vmem>>, vector<1x16xf32>,
        %swap3A_291 = vector.shape_cast %swap3A_290 : vector<1x16xf32> to vector<16xf32>
        %swap3A_292 = vector.shape_cast %get3A_287 : vector<16xf32> to vector<1x16xf32>
        tpu.vector_store %arg10[%swap3A_288, %swap3A_289], %swap3A_292 {add = true, strides = array<i32>} : memref<200x128xf32, #tpu.memory_space<vmem>>, vector<1x16xf32>,
        %get3A_293 = arith.index_cast %scan3A_274 : i32 to index
        %get3A_294 = arith.constant 32 : index
        %get3A_295 = tpu.vector_load %arg12[%get3A_293, %get3A_294] {strides = array<i32>} : memref<200x128xf32, #tpu.memory_space<vmem>>, vector<1x16xf32>,
        %get3A_296 = vector.shape_cast %get3A_295 : vector<1x16xf32> to vector<16xf32>
        %swap3A_297 = arith.index_cast %scan3A_274 : i32 to index
        %swap3A_298 = arith.constant 32 : index
        %swap3A_299 = tpu.vector_load %arg10[%swap3A_297, %swap3A_298] {strides = array<i32>} : memref<200x128xf32, #tpu.memory_space<vmem>>, vector<1x16xf32>,
        %swap3A_300 = vector.shape_cast %swap3A_299 : vector<1x16xf32> to vector<16xf32>
        %swap3A_301 = vector.shape_cast %get3A_296 : vector<16xf32> to vector<1x16xf32>
        tpu.vector_store %arg10[%swap3A_297, %swap3A_298], %swap3A_301 {add = true, strides = array<i32>} : memref<200x128xf32, #tpu.memory_space<vmem>>, vector<1x16xf32>,
        %get3A_302 = arith.index_cast %scan3A_274 : i32 to index
        %get3A_303 = arith.constant 48 : index
        %get3A_304 = tpu.vector_load %arg12[%get3A_302, %get3A_303] {strides = array<i32>} : memref<200x128xf32, #tpu.memory_space<vmem>>, vector<1x16xf32>,
        %get3A_305 = vector.shape_cast %get3A_304 : vector<1x16xf32> to vector<16xf32>
        %swap3A_306 = arith.index_cast %scan3A_274 : i32 to index
        %swap3A_307 = arith.constant 48 : index
        %swap3A_308 = tpu.vector_load %arg10[%swap3A_306, %swap3A_307] {strides = array<i32>} : memref<200x128xf32, #tpu.memory_space<vmem>>, vector<1x16xf32>,
        %swap3A_309 = vector.shape_cast %swap3A_308 : vector<1x16xf32> to vector<16xf32>
        %swap3A_310 = vector.shape_cast %get3A_305 : vector<16xf32> to vector<1x16xf32>
        tpu.vector_store %arg10[%swap3A_306, %swap3A_307], %swap3A_310 {add = true, strides = array<i32>} : memref<200x128xf32, #tpu.memory_space<vmem>>, vector<1x16xf32>,
        %get3A_311 = arith.index_cast %scan3A_274 : i32 to index
        %get3A_312 = arith.constant 64 : index
        %get3A_313 = tpu.vector_load %arg12[%get3A_311, %get3A_312] {strides = array<i32>} : memref<200x128xf32, #tpu.memory_space<vmem>>, vector<1x16xf32>,
        %get3A_314 = vector.shape_cast %get3A_313 : vector<1x16xf32> to vector<16xf32>
        %swap3A_315 = arith.index_cast %scan3A_274 : i32 to index
        %swap3A_316 = arith.constant 64 : index
        %swap3A_317 = tpu.vector_load %arg10[%swap3A_315, %swap3A_316] {strides = array<i32>} : memref<200x128xf32, #tpu.memory_space<vmem>>, vector<1x16xf32>,
        %swap3A_318 = vector.shape_cast %swap3A_317 : vector<1x16xf32> to vector<16xf32>
        %swap3A_319 = vector.shape_cast %get3A_314 : vector<16xf32> to vector<1x16xf32>
        tpu.vector_store %arg10[%swap3A_315, %swap3A_316], %swap3A_319 {add = true, strides = array<i32>} : memref<200x128xf32, #tpu.memory_space<vmem>>, vector<1x16xf32>,
        %get3A_320 = arith.index_cast %scan3A_274 : i32 to index
        %get3A_321 = arith.constant 80 : index
        %get3A_322 = tpu.vector_load %arg12[%get3A_320, %get3A_321] {strides = array<i32>} : memref<200x128xf32, #tpu.memory_space<vmem>>, vector<1x16xf32>,
        %get3A_323 = vector.shape_cast %get3A_322 : vector<1x16xf32> to vector<16xf32>
        %swap3A_324 = arith.index_cast %scan3A_274 : i32 to index
        %swap3A_325 = arith.constant 80 : index
        %swap3A_326 = tpu.vector_load %arg10[%swap3A_324, %swap3A_325] {strides = array<i32>} : memref<200x128xf32, #tpu.memory_space<vmem>>, vector<1x16xf32>,
        %swap3A_327 = vector.shape_cast %swap3A_326 : vector<1x16xf32> to vector<16xf32>
        %swap3A_328 = vector.shape_cast %get3A_323 : vector<16xf32> to vector<1x16xf32>
        tpu.vector_store %arg10[%swap3A_324, %swap3A_325], %swap3A_328 {add = true, strides = array<i32>} : memref<200x128xf32, #tpu.memory_space<vmem>>, vector<1x16xf32>,
        %get3A_329 = arith.index_cast %scan3A_274 : i32 to index
        %get3A_330 = arith.constant 96 : index
        %get3A_331 = tpu.vector_load %arg12[%get3A_329, %get3A_330] {strides = array<i32>} : memref<200x128xf32, #tpu.memory_space<vmem>>, vector<1x16xf32>,
        %get3A_332 = vector.shape_cast %get3A_331 : vector<1x16xf32> to vector<16xf32>
        %swap3A_333 = arith.index_cast %scan3A_274 : i32 to index
        %swap3A_334 = arith.constant 96 : index
        %swap3A_335 = tpu.vector_load %arg10[%swap3A_333, %swap3A_334] {strides = array<i32>} : memref<200x128xf32, #tpu.memory_space<vmem>>, vector<1x16xf32>,
        %swap3A_336 = vector.shape_cast %swap3A_335 : vector<1x16xf32> to vector<16xf32>
        %swap3A_337 = vector.shape_cast %get3A_332 : vector<16xf32> to vector<1x16xf32>
        tpu.vector_store %arg10[%swap3A_333, %swap3A_334], %swap3A_337 {add = true, strides = array<i32>} : memref<200x128xf32, #tpu.memory_space<vmem>>, vector<1x16xf32>,
        %get3A_338 = arith.index_cast %scan3A_274 : i32 to index
        %get3A_339 = arith.constant 112 : index
        %get3A_340 = tpu.vector_load %arg12[%get3A_338, %get3A_339] {strides = array<i32>} : memref<200x128xf32, #tpu.memory_space<vmem>>, vector<1x16xf32>,
        %get3A_341 = vector.shape_cast %get3A_340 : vector<1x16xf32> to vector<16xf32>
        %swap3A_342 = arith.index_cast %scan3A_274 : i32 to index
        %swap3A_343 = arith.constant 112 : index
        %swap3A_344 = tpu.vector_load %arg10[%swap3A_342, %swap3A_343] {strides = array<i32>} : memref<200x128xf32, #tpu.memory_space<vmem>>, vector<1x16xf32>,
        %swap3A_345 = vector.shape_cast %swap3A_344 : vector<1x16xf32> to vector<16xf32>
        %swap3A_346 = vector.shape_cast %get3A_341 : vector<16xf32> to vector<1x16xf32>
        tpu.vector_store %arg10[%swap3A_342, %swap3A_343], %swap3A_346 {add = true, strides = array<i32>} : memref<200x128xf32, #tpu.memory_space<vmem>>, vector<1x16xf32>,
        %scan3A_347 = arith.constant 2 : i32
        %scan3A_348 = arith.addi %scan3A_202, %scan3A_347 : i32
        %get3A_349 = arith.index_cast %scan3A_348 : i32 to index
        %get3A_350 = arith.constant 0 : index
        %get3A_351 = tpu.vector_load %arg12[%get3A_349, %get3A_350] {strides = array<i32>} : memref<200x128xf32, #tpu.memory_space<vmem>>, vector<1x16xf32>,
        %get3A_352 = vector.shape_cast %get3A_351 : vector<1x16xf32> to vector<16xf32>
        %swap3A_353 = arith.index_cast %scan3A_348 : i32 to index
        %swap3A_354 = arith.constant 0 : index
        %swap3A_355 = tpu.vector_load %arg10[%swap3A_353, %swap3A_354] {strides = array<i32>} : memref<200x128xf32, #tpu.memory_space<vmem>>, vector<1x16xf32>,
        %swap3A_356 = vector.shape_cast %swap3A_355 : vector<1x16xf32> to vector<16xf32>
        %swap3A_357 = vector.shape_cast %get3A_352 : vector<16xf32> to vector<1x16xf32>
        tpu.vector_store %arg10[%swap3A_353, %swap3A_354], %swap3A_357 {add = true, strides = array<i32>} : memref<200x128xf32, #tpu.memory_space<vmem>>, vector<1x16xf32>,
        %get3A_358 = arith.index_cast %scan3A_348 : i32 to index
        %get3A_359 = arith.constant 16 : index
        %get3A_360 = tpu.vector_load %arg12[%get3A_358, %get3A_359] {strides = array<i32>} : memref<200x128xf32, #tpu.memory_space<vmem>>, vector<1x16xf32>,
        %get3A_361 = vector.shape_cast %get3A_360 : vector<1x16xf32> to vector<16xf32>
        %swap3A_362 = arith.index_cast %scan3A_348 : i32 to index
        %swap3A_363 = arith.constant 16 : index
        %swap3A_364 = tpu.vector_load %arg10[%swap3A_362, %swap3A_363] {strides = array<i32>} : memref<200x128xf32, #tpu.memory_space<vmem>>, vector<1x16xf32>,
        %swap3A_365 = vector.shape_cast %swap3A_364 : vector<1x16xf32> to vector<16xf32>
        %swap3A_366 = vector.shape_cast %get3A_361 : vector<16xf32> to vector<1x16xf32>
        tpu.vector_store %arg10[%swap3A_362, %swap3A_363], %swap3A_366 {add = true, strides = array<i32>} : memref<200x128xf32, #tpu.memory_space<vmem>>, vector<1x16xf32>,
        %get3A_367 = arith.index_cast %scan3A_348 : i32 to index
        %get3A_368 = arith.constant 32 : index
        %get3A_369 = tpu.vector_load %arg12[%get3A_367, %get3A_368] {strides = array<i32>} : memref<200x128xf32, #tpu.memory_space<vmem>>, vector<1x16xf32>,
        %get3A_370 = vector.shape_cast %get3A_369 : vector<1x16xf32> to vector<16xf32>
        %swap3A_371 = arith.index_cast %scan3A_348 : i32 to index
        %swap3A_372 = arith.constant 32 : index
        %swap3A_373 = tpu.vector_load %arg10[%swap3A_371, %swap3A_372] {strides = array<i32>} : memref<200x128xf32, #tpu.memory_space<vmem>>, vector<1x16xf32>,
        %swap3A_374 = vector.shape_cast %swap3A_373 : vector<1x16xf32> to vector<16xf32>
        %swap3A_375 = vector.shape_cast %get3A_370 : vector<16xf32> to vector<1x16xf32>
        tpu.vector_store %arg10[%swap3A_371, %swap3A_372], %swap3A_375 {add = true, strides = array<i32>} : memref<200x128xf32, #tpu.memory_space<vmem>>, vector<1x16xf32>,
        %get3A_376 = arith.index_cast %scan3A_348 : i32 to index
        %get3A_377 = arith.constant 48 : index
        %get3A_378 = tpu.vector_load %arg12[%get3A_376, %get3A_377] {strides = array<i32>} : memref<200x128xf32, #tpu.memory_space<vmem>>, vector<1x16xf32>,
        %get3A_379 = vector.shape_cast %get3A_378 : vector<1x16xf32> to vector<16xf32>
        %swap3A_380 = arith.index_cast %scan3A_348 : i32 to index
        %swap3A_381 = arith.constant 48 : index
        %swap3A_382 = tpu.vector_load %arg10[%swap3A_380, %swap3A_381] {strides = array<i32>} : memref<200x128xf32, #tpu.memory_space<vmem>>, vector<1x16xf32>,
        %swap3A_383 = vector.shape_cast %swap3A_382 : vector<1x16xf32> to vector<16xf32>
        %swap3A_384 = vector.shape_cast %get3A_379 : vector<16xf32> to vector<1x16xf32>
        tpu.vector_store %arg10[%swap3A_380, %swap3A_381], %swap3A_384 {add = true, strides = array<i32>} : memref<200x128xf32, #tpu.memory_space<vmem>>, vector<1x16xf32>,
        %get3A_385 = arith.index_cast %scan3A_348 : i32 to index
        %get3A_386 = arith.constant 64 : index
        %get3A_387 = tpu.vector_load %arg12[%get3A_385, %get3A_386] {strides = array<i32>} : memref<200x128xf32, #tpu.memory_space<vmem>>, vector<1x16xf32>,
        %get3A_388 = vector.shape_cast %get3A_387 : vector<1x16xf32> to vector<16xf32>
        %swap3A_389 = arith.index_cast %scan3A_348 : i32 to index
        %swap3A_390 = arith.constant 64 : index
        %swap3A_391 = tpu.vector_load %arg10[%swap3A_389, %swap3A_390] {strides = array<i32>} : memref<200x128xf32, #tpu.memory_space<vmem>>, vector<1x16xf32>,
        %swap3A_392 = vector.shape_cast %swap3A_391 : vector<1x16xf32> to vector<16xf32>
        %swap3A_393 = vector.shape_cast %get3A_388 : vector<16xf32> to vector<1x16xf32>
        tpu.vector_store %arg10[%swap3A_389, %swap3A_390], %swap3A_393 {add = true, strides = array<i32>} : memref<200x128xf32, #tpu.memory_space<vmem>>, vector<1x16xf32>,
        %get3A_394 = arith.index_cast %scan3A_348 : i32 to index
        %get3A_395 = arith.constant 80 : index
        %get3A_396 = tpu.vector_load %arg12[%get3A_394, %get3A_395] {strides = array<i32>} : memref<200x128xf32, #tpu.memory_space<vmem>>, vector<1x16xf32>,
        %get3A_397 = vector.shape_cast %get3A_396 : vector<1x16xf32> to vector<16xf32>
        %swap3A_398 = arith.index_cast %scan3A_348 : i32 to index
        %swap3A_399 = arith.constant 80 : index
        %swap3A_400 = tpu.vector_load %arg10[%swap3A_398, %swap3A_399] {strides = array<i32>} : memref<200x128xf32, #tpu.memory_space<vmem>>, vector<1x16xf32>,
        %swap3A_401 = vector.shape_cast %swap3A_400 : vector<1x16xf32> to vector<16xf32>
        %swap3A_402 = vector.shape_cast %get3A_397 : vector<16xf32> to vector<1x16xf32>
        tpu.vector_store %arg10[%swap3A_398, %swap3A_399], %swap3A_402 {add = true, strides = array<i32>} : memref<200x128xf32, #tpu.memory_space<vmem>>, vector<1x16xf32>,
        %get3A_403 = arith.index_cast %scan3A_348 : i32 to index
        %get3A_404 = arith.constant 96 : index
        %get3A_405 = tpu.vector_load %arg12[%get3A_403, %get3A_404] {strides = array<i32>} : memref<200x128xf32, #tpu.memory_space<vmem>>, vector<1x16xf32>,
        %get3A_406 = vector.shape_cast %get3A_405 : vector<1x16xf32> to vector<16xf32>
        %swap3A_407 = arith.index_cast %scan3A_348 : i32 to index
        %swap3A_408 = arith.constant 96 : index
        %swap3A_409 = tpu.vector_load %arg10[%swap3A_407, %swap3A_408] {strides = array<i32>} : memref<200x128xf32, #tpu.memory_space<vmem>>, vector<1x16xf32>,
        %swap3A_410 = vector.shape_cast %swap3A_409 : vector<1x16xf32> to vector<16xf32>
        %swap3A_411 = vector.shape_cast %get3A_406 : vector<16xf32> to vector<1x16xf32>
        tpu.vector_store %arg10[%swap3A_407, %swap3A_408], %swap3A_411 {add = true, strides = array<i32>} : memref<200x128xf32, #tpu.memory_space<vmem>>, vector<1x16xf32>,
        %get3A_412 = arith.index_cast %scan3A_348 : i32 to index
        %get3A_413 = arith.constant 112 : index
        %get3A_414 = tpu.vector_load %arg12[%get3A_412, %get3A_413] {strides = array<i32>} : memref<200x128xf32, #tpu.memory_space<vmem>>, vector<1x16xf32>,
        %get3A_415 = vector.shape_cast %get3A_414 : vector<1x16xf32> to vector<16xf32>
        %swap3A_416 = arith.index_cast %scan3A_348 : i32 to index
        %swap3A_417 = arith.constant 112 : index
        %swap3A_418 = tpu.vector_load %arg10[%swap3A_416, %swap3A_417] {strides = array<i32>} : memref<200x128xf32, #tpu.memory_space<vmem>>, vector<1x16xf32>,
        %swap3A_419 = vector.shape_cast %swap3A_418 : vector<1x16xf32> to vector<16xf32>
        %swap3A_420 = vector.shape_cast %get3A_415 : vector<16xf32> to vector<1x16xf32>
        tpu.vector_store %arg10[%swap3A_416, %swap3A_417], %swap3A_420 {add = true, strides = array<i32>} : memref<200x128xf32, #tpu.memory_space<vmem>>, vector<1x16xf32>,
        %scan3A_421 = arith.constant 3 : i32
        %scan3A_422 = arith.addi %scan3A_202, %scan3A_421 : i32
        %get3A_423 = arith.index_cast %scan3A_422 : i32 to index
        %get3A_424 = arith.constant 0 : index
        %get3A_425 = tpu.vector_load %arg12[%get3A_423, %get3A_424] {strides = array<i32>} : memref<200x128xf32, #tpu.memory_space<vmem>>, vector<1x16xf32>,
        %get3A_426 = vector.shape_cast %get3A_425 : vector<1x16xf32> to vector<16xf32>
        %swap3A_427 = arith.index_cast %scan3A_422 : i32 to index
        %swap3A_428 = arith.constant 0 : index
        %swap3A_429 = tpu.vector_load %arg10[%swap3A_427, %swap3A_428] {strides = array<i32>} : memref<200x128xf32, #tpu.memory_space<vmem>>, vector<1x16xf32>,
        %swap3A_430 = vector.shape_cast %swap3A_429 : vector<1x16xf32> to vector<16xf32>
        %swap3A_431 = vector.shape_cast %get3A_426 : vector<16xf32> to vector<1x16xf32>
        tpu.vector_store %arg10[%swap3A_427, %swap3A_428], %swap3A_431 {add = true, strides = array<i32>} : memref<200x128xf32, #tpu.memory_space<vmem>>, vector<1x16xf32>,
        %get3A_432 = arith.index_cast %scan3A_422 : i32 to index
        %get3A_433 = arith.constant 16 : index
        %get3A_434 = tpu.vector_load %arg12[%get3A_432, %get3A_433] {strides = array<i32>} : memref<200x128xf32, #tpu.memory_space<vmem>>, vector<1x16xf32>,
        %get3A_435 = vector.shape_cast %get3A_434 : vector<1x16xf32> to vector<16xf32>
        %swap3A_436 = arith.index_cast %scan3A_422 : i32 to index
        %swap3A_437 = arith.constant 16 : index
        %swap3A_438 = tpu.vector_load %arg10[%swap3A_436, %swap3A_437] {strides = array<i32>} : memref<200x128xf32, #tpu.memory_space<vmem>>, vector<1x16xf32>,
        %swap3A_439 = vector.shape_cast %swap3A_438 : vector<1x16xf32> to vector<16xf32>
        %swap3A_440 = vector.shape_cast %get3A_435 : vector<16xf32> to vector<1x16xf32>
        tpu.vector_store %arg10[%swap3A_436, %swap3A_437], %swap3A_440 {add = true, strides = array<i32>} : memref<200x128xf32, #tpu.memory_space<vmem>>, vector<1x16xf32>,
        %get3A_441 = arith.index_cast %scan3A_422 : i32 to index
        %get3A_442 = arith.constant 32 : index
        %get3A_443 = tpu.vector_load %arg12[%get3A_441, %get3A_442] {strides = array<i32>} : memref<200x128xf32, #tpu.memory_space<vmem>>, vector<1x16xf32>,
        %get3A_444 = vector.shape_cast %get3A_443 : vector<1x16xf32> to vector<16xf32>
        %swap3A_445 = arith.index_cast %scan3A_422 : i32 to index
        %swap3A_446 = arith.constant 32 : index
        %swap3A_447 = tpu.vector_load %arg10[%swap3A_445, %swap3A_446] {strides = array<i32>} : memref<200x128xf32, #tpu.memory_space<vmem>>, vector<1x16xf32>,
        %swap3A_448 = vector.shape_cast %swap3A_447 : vector<1x16xf32> to vector<16xf32>
        %swap3A_449 = vector.shape_cast %get3A_444 : vector<16xf32> to vector<1x16xf32>
        tpu.vector_store %arg10[%swap3A_445, %swap3A_446], %swap3A_449 {add = true, strides = array<i32>} : memref<200x128xf32, #tpu.memory_space<vmem>>, vector<1x16xf32>,
        %get3A_450 = arith.index_cast %scan3A_422 : i32 to index
        %get3A_451 = arith.constant 48 : index
        %get3A_452 = tpu.vector_load %arg12[%get3A_450, %get3A_451] {strides = array<i32>} : memref<200x128xf32, #tpu.memory_space<vmem>>, vector<1x16xf32>,
        %get3A_453 = vector.shape_cast %get3A_452 : vector<1x16xf32> to vector<16xf32>
        %swap3A_454 = arith.index_cast %scan3A_422 : i32 to index
        %swap3A_455 = arith.constant 48 : index
        %swap3A_456 = tpu.vector_load %arg10[%swap3A_454, %swap3A_455] {strides = array<i32>} : memref<200x128xf32, #tpu.memory_space<vmem>>, vector<1x16xf32>,
        %swap3A_457 = vector.shape_cast %swap3A_456 : vector<1x16xf32> to vector<16xf32>
        %swap3A_458 = vector.shape_cast %get3A_453 : vector<16xf32> to vector<1x16xf32>
        tpu.vector_store %arg10[%swap3A_454, %swap3A_455], %swap3A_458 {add = true, strides = array<i32>} : memref<200x128xf32, #tpu.memory_space<vmem>>, vector<1x16xf32>,
        %get3A_459 = arith.index_cast %scan3A_422 : i32 to index
        %get3A_460 = arith.constant 64 : index
        %get3A_461 = tpu.vector_load %arg12[%get3A_459, %get3A_460] {strides = array<i32>} : memref<200x128xf32, #tpu.memory_space<vmem>>, vector<1x16xf32>,
        %get3A_462 = vector.shape_cast %get3A_461 : vector<1x16xf32> to vector<16xf32>
        %swap3A_463 = arith.index_cast %scan3A_422 : i32 to index
        %swap3A_464 = arith.constant 64 : index
        %swap3A_465 = tpu.vector_load %arg10[%swap3A_463, %swap3A_464] {strides = array<i32>} : memref<200x128xf32, #tpu.memory_space<vmem>>, vector<1x16xf32>,
        %swap3A_466 = vector.shape_cast %swap3A_465 : vector<1x16xf32> to vector<16xf32>
        %swap3A_467 = vector.shape_cast %get3A_462 : vector<16xf32> to vector<1x16xf32>
        tpu.vector_store %arg10[%swap3A_463, %swap3A_464], %swap3A_467 {add = true, strides = array<i32>} : memref<200x128xf32, #tpu.memory_space<vmem>>, vector<1x16xf32>,
        %get3A_468 = arith.index_cast %scan3A_422 : i32 to index
        %get3A_469 = arith.constant 80 : index
        %get3A_470 = tpu.vector_load %arg12[%get3A_468, %get3A_469] {strides = array<i32>} : memref<200x128xf32, #tpu.memory_space<vmem>>, vector<1x16xf32>,
        %get3A_471 = vector.shape_cast %get3A_470 : vector<1x16xf32> to vector<16xf32>
        %swap3A_472 = arith.index_cast %scan3A_422 : i32 to index
        %swap3A_473 = arith.constant 80 : index
        %swap3A_474 = tpu.vector_load %arg10[%swap3A_472, %swap3A_473] {strides = array<i32>} : memref<200x128xf32, #tpu.memory_space<vmem>>, vector<1x16xf32>,
        %swap3A_475 = vector.shape_cast %swap3A_474 : vector<1x16xf32> to vector<16xf32>
        %swap3A_476 = vector.shape_cast %get3A_471 : vector<16xf32> to vector<1x16xf32>
        tpu.vector_store %arg10[%swap3A_472, %swap3A_473], %swap3A_476 {add = true, strides = array<i32>} : memref<200x128xf32, #tpu.memory_space<vmem>>, vector<1x16xf32>,
        %get3A_477 = arith.index_cast %scan3A_422 : i32 to index
        %get3A_478 = arith.constant 96 : index
        %get3A_479 = tpu.vector_load %arg12[%get3A_477, %get3A_478] {strides = array<i32>} : memref<200x128xf32, #tpu.memory_space<vmem>>, vector<1x16xf32>,
        %get3A_480 = vector.shape_cast %get3A_479 : vector<1x16xf32> to vector<16xf32>
        %swap3A_481 = arith.index_cast %scan3A_422 : i32 to index
        %swap3A_482 = arith.constant 96 : index
        %swap3A_483 = tpu.vector_load %arg10[%swap3A_481, %swap3A_482] {strides = array<i32>} : memref<200x128xf32, #tpu.memory_space<vmem>>, vector<1x16xf32>,
        %swap3A_484 = vector.shape_cast %swap3A_483 : vector<1x16xf32> to vector<16xf32>
        %swap3A_485 = vector.shape_cast %get3A_480 : vector<16xf32> to vector<1x16xf32>
        tpu.vector_store %arg10[%swap3A_481, %swap3A_482], %swap3A_485 {add = true, strides = array<i32>} : memref<200x128xf32, #tpu.memory_space<vmem>>, vector<1x16xf32>,
        %get3A_486 = arith.index_cast %scan3A_422 : i32 to index
        %get3A_487 = arith.constant 112 : index
        %get3A_488 = tpu.vector_load %arg12[%get3A_486, %get3A_487] {strides = array<i32>} : memref<200x128xf32, #tpu.memory_space<vmem>>, vector<1x16xf32>,
        %get3A_489 = vector.shape_cast %get3A_488 : vector<1x16xf32> to vector<16xf32>
        %swap3A_490 = arith.index_cast %scan3A_422 : i32 to index
        %swap3A_491 = arith.constant 112 : index
        %swap3A_492 = tpu.vector_load %arg10[%swap3A_490, %swap3A_491] {strides = array<i32>} : memref<200x128xf32, #tpu.memory_space<vmem>>, vector<1x16xf32>,
        %swap3A_493 = vector.shape_cast %swap3A_492 : vector<1x16xf32> to vector<16xf32>
        %swap3A_494 = vector.shape_cast %get3A_489 : vector<16xf32> to vector<1x16xf32>
        tpu.vector_store %arg10[%swap3A_490, %swap3A_491], %swap3A_494 {add = true, strides = array<i32>} : memref<200x128xf32, #tpu.memory_space<vmem>>, vector<1x16xf32>,
      }
      %scan3A_129 = arith.constant 200 : i32
      %add3A_130 = arith.addi %mul3A_2, %add3A_115 : i32
      %dma_start3A_131 = arith.constant 0 : i32
      %dma_start3A_132 = arith.constant 0 : i32
      %dma_start3A_133 = tpu.memref_slice %arg5[%add3A_130, %dma_start3A_131, %dma_start3A_132] : memref<4096x200x128xf32, #tpu.memory_space<hbm>> -> memref<1x200x128xf32, #tpu.memory_space<hbm>>
      %dma_start3A_134 = tpu.memref_squeeze %dma_start3A_133 : memref<1x200x128xf32, #tpu.memory_space<hbm>> -> memref<200x128xf32, #tpu.memory_space<hbm>>
      %dma_start3A_135 = arith.constant 0 : i32
      %dma_start3A_136 = arith.constant 0 : i32
      %dma_start3A_137 = tpu.memref_slice %arg5[%add3A_130, %dma_start3A_135, %dma_start3A_136] : memref<4096x200x128xf32, #tpu.memory_space<hbm>> -> memref<1x200x128xf32, #tpu.memory_space<hbm>>
      %dma_start3A_138 = tpu.memref_squeeze %dma_start3A_137 : memref<1x200x128xf32, #tpu.memory_space<hbm>> -> memref<200x128xf32, #tpu.memory_space<hbm>>
      tpu.enqueue_dma source(%arg10 : memref<200x128xf32, #tpu.memory_space<vmem>>) target(%dma_start3A_138 : memref<200x128xf32, #tpu.memory_space<hbm>>) target_semaphore(%arg17 : memref<!tpu.dma_semaphore, #tpu.memory_space<semaphore_mem>>)
      %dma_wait3A_139 = arith.constant 0 : i32
      %dma_wait3A_140 = arith.constant 0 : i32
      %dma_wait3A_141 = tpu.memref_slice %arg5[%mul3A_2, %dma_wait3A_139, %dma_wait3A_140] : memref<4096x200x128xf32, #tpu.memory_space<hbm>> -> memref<1x200x128xf32, #tpu.memory_space<hbm>>
      %dma_wait3A_142 = tpu.memref_squeeze %dma_wait3A_141 : memref<1x200x128xf32, #tpu.memory_space<hbm>> -> memref<200x128xf32, #tpu.memory_space<hbm>>
      %dma_wait3A_143 = arith.constant 0 : i32
      %dma_wait3A_144 = arith.constant 0 : i32
      %dma_wait3A_145 = tpu.memref_slice %arg5[%mul3A_2, %dma_wait3A_143, %dma_wait3A_144] : memref<4096x200x128xf32, #tpu.memory_space<hbm>> -> memref<1x200x128xf32, #tpu.memory_space<hbm>>
      %dma_wait3A_146 = tpu.memref_squeeze %dma_wait3A_145 : memref<1x200x128xf32, #tpu.memory_space<hbm>> -> memref<200x128xf32, #tpu.memory_space<hbm>>
      tpu.wait_dma2 semaphore(%arg16 : memref<!tpu.dma_semaphore, #tpu.memory_space<semaphore_mem>>) src(%arg9 : memref<200x128xf32, #tpu.memory_space<vmem>>) dst(%dma_wait3A_146 : memref<200x128xf32, #tpu.memory_space<hbm>>)
      %dma_wait3A_147 = arith.constant 0 : i32
      %dma_wait3A_148 = tpu.memref_slice %arg2[%mul3A_2, %dma_wait3A_147] : memref<4096x200xi32, #tpu.memory_space<hbm>> -> memref<1x200xi32, #tpu.memory_space<hbm>>
      %dma_wait3A_149 = tpu.memref_squeeze %dma_wait3A_148 : memref<1x200xi32, #tpu.memory_space<hbm>> -> memref<200xi32, #tpu.memory_space<hbm>>
      %dma_wait3A_150 = arith.constant 0 : i32
      %dma_wait3A_151 = tpu.memref_slice %arg2[%mul3A_2, %dma_wait3A_150] : memref<4096x200xi32, #tpu.memory_space<hbm>> -> memref<1x200xi32, #tpu.memory_space<hbm>>
      %dma_wait3A_152 = tpu.memref_squeeze %dma_wait3A_151 : memref<1x200xi32, #tpu.memory_space<hbm>> -> memref<200xi32, #tpu.memory_space<hbm>>
      tpu.wait_dma2 semaphore(%arg19 : memref<!tpu.dma_semaphore, #tpu.memory_space<semaphore_mem>>) src(%dma_wait3A_152 : memref<200xi32, #tpu.memory_space<hbm>>) dst(%arg6 : memref<200xi32, #tpu.memory_space<vmem>>)
      %add3A_153 = arith.constant 2 : i32
      %add3A_154 = arith.addi %add3A_115, %add3A_153 : i32
      %dma_start3A_155 = arith.constant 0 : i32
      %dma_start3A_156 = arith.constant 0 : i32
      %dma_start3A_157 = tpu.memref_slice %arg3[%dma_start3A_155, %dma_start3A_156] : memref<100000x128xf32, #tpu.memory_space<hbm>> -> memref<100000x128xf32, #tpu.memory_space<hbm>>
      tpu.enqueue_indirect_dma source(%dma_start3A_157 : memref<100000x128xf32, #tpu.memory_space<hbm>>) target(%arg9 : memref<200x128xf32, #tpu.memory_space<vmem>>) offsets(%arg6 : memref<200xi32, #tpu.memory_space<vmem>>) semaphore(%arg13 : memref<!tpu.dma_semaphore, #tpu.memory_space<semaphore_mem>>)
      %add3A_158 = arith.constant 2 : i32
      %add3A_159 = arith.addi %mul3A_82, %add3A_158 : i32
      %dma_wait3A_160 = arith.constant 0 : i32
      %dma_wait3A_161 = arith.constant 0 : i32
      %dma_wait3A_162 = tpu.memref_slice %arg3[%dma_wait3A_160, %dma_wait3A_161] : memref<100000x128xf32, #tpu.memory_space<hbm>> -> memref<100000x128xf32, #tpu.memory_space<hbm>>
      tpu.wait_indirect_dma semaphore(%arg15 : memref<!tpu.dma_semaphore, #tpu.memory_space<semaphore_mem>>) src(%dma_wait3A_162 : memref<100000x128xf32, #tpu.memory_space<hbm>>) dst(%arg11 : memref<200x128xf32, #tpu.memory_space<vmem>>)
      %lt3A_163 = arith.constant 125 : i32
      %lt3A_164 = arith.cmpi slt, %add3A_159, %lt3A_163 : i32
      %convert_element_type3A_165 = arith.extui %lt3A_164 : i1 to i32
      %cond3A_166 = arith.constant 0 : i32
      %cond3A_167 = arith.cmpi ne, %convert_element_type3A_165, %cond3A_166 : i32
      scf.if %cond3A_167 {
        %add3A_202 = arith.constant 3 : i32
        %add3A_203 = arith.addi %add3A_159, %add3A_202 : i32
        %add3A_204 = arith.addi %mul3A_2, %add3A_203 : i32
        %dma_start3A_205 = arith.constant 0 : i32
        %dma_start3A_206 = tpu.memref_slice %arg2[%add3A_204, %dma_start3A_205] : memref<4096x200xi32, #tpu.memory_space<hbm>> -> memref<1x200xi32, #tpu.memory_space<hbm>>
        %dma_start3A_207 = tpu.memref_squeeze %dma_start3A_206 : memref<1x200xi32, #tpu.memory_space<hbm>> -> memref<200xi32, #tpu.memory_space<hbm>>
        %dma_start3A_208 = arith.constant 0 : i32
        %dma_start3A_209 = tpu.memref_slice %arg2[%add3A_204, %dma_start3A_208] : memref<4096x200xi32, #tpu.memory_space<hbm>> -> memref<1x200xi32, #tpu.memory_space<hbm>>
        %dma_start3A_210 = tpu.memref_squeeze %dma_start3A_209 : memref<1x200xi32, #tpu.memory_space<hbm>> -> memref<200xi32, #tpu.memory_space<hbm>>
        tpu.enqueue_dma source(%dma_start3A_210 : memref<200xi32, #tpu.memory_space<hbm>>) target(%arg8 : memref<200xi32, #tpu.memory_space<vmem>>) target_semaphore(%arg21 : memref<!tpu.dma_semaphore, #tpu.memory_space<semaphore_mem>>)
      } else {
      }
      %scan3A_168 = arith.constant 0 : i32
      %scan3A_169 = arith.constant 0 : i32
      %scan3A_170 = arith.constant 200 : i32
      %scan3A_171 = arith.addi %scan3A_169, %scan3A_170 : i32
      %scan3A_172 = arith.constant 4 : i32
      scf.for %scan3A_202 = %scan3A_169 to %scan3A_171 step %scan3A_172  : i32 {
        %get3A = arith.index_cast %scan3A_202 : i32 to index
        %get3A_203 = arith.constant 0 : index
        %get3A_204 = tpu.vector_load %arg12[%get3A, %get3A_203] {strides = array<i32>} : memref<200x128xf32, #tpu.memory_space<vmem>>, vector<1x16xf32>,
        %get3A_205 = vector.shape_cast %get3A_204 : vector<1x16xf32> to vector<16xf32>
        %swap3A = arith.index_cast %scan3A_202 : i32 to index
        %swap3A_206 = arith.constant 0 : index
        %swap3A_207 = tpu.vector_load %arg11[%swap3A, %swap3A_206] {strides = array<i32>} : memref<200x128xf32, #tpu.memory_space<vmem>>, vector<1x16xf32>,
        %swap3A_208 = vector.shape_cast %swap3A_207 : vector<1x16xf32> to vector<16xf32>
        %swap3A_209 = vector.shape_cast %get3A_205 : vector<16xf32> to vector<1x16xf32>
        tpu.vector_store %arg11[%swap3A, %swap3A_206], %swap3A_209 {add = true, strides = array<i32>} : memref<200x128xf32, #tpu.memory_space<vmem>>, vector<1x16xf32>,
        %get3A_210 = arith.index_cast %scan3A_202 : i32 to index
        %get3A_211 = arith.constant 16 : index
        %get3A_212 = tpu.vector_load %arg12[%get3A_210, %get3A_211] {strides = array<i32>} : memref<200x128xf32, #tpu.memory_space<vmem>>, vector<1x16xf32>,
        %get3A_213 = vector.shape_cast %get3A_212 : vector<1x16xf32> to vector<16xf32>
        %swap3A_214 = arith.index_cast %scan3A_202 : i32 to index
        %swap3A_215 = arith.constant 16 : index
        %swap3A_216 = tpu.vector_load %arg11[%swap3A_214, %swap3A_215] {strides = array<i32>} : memref<200x128xf32, #tpu.memory_space<vmem>>, vector<1x16xf32>,
        %swap3A_217 = vector.shape_cast %swap3A_216 : vector<1x16xf32> to vector<16xf32>
        %swap3A_218 = vector.shape_cast %get3A_213 : vector<16xf32> to vector<1x16xf32>
        tpu.vector_store %arg11[%swap3A_214, %swap3A_215], %swap3A_218 {add = true, strides = array<i32>} : memref<200x128xf32, #tpu.memory_space<vmem>>, vector<1x16xf32>,
        %get3A_219 = arith.index_cast %scan3A_202 : i32 to index
        %get3A_220 = arith.constant 32 : index
        %get3A_221 = tpu.vector_load %arg12[%get3A_219, %get3A_220] {strides = array<i32>} : memref<200x128xf32, #tpu.memory_space<vmem>>, vector<1x16xf32>,
        %get3A_222 = vector.shape_cast %get3A_221 : vector<1x16xf32> to vector<16xf32>
        %swap3A_223 = arith.index_cast %scan3A_202 : i32 to index
        %swap3A_224 = arith.constant 32 : index
        %swap3A_225 = tpu.vector_load %arg11[%swap3A_223, %swap3A_224] {strides = array<i32>} : memref<200x128xf32, #tpu.memory_space<vmem>>, vector<1x16xf32>,
        %swap3A_226 = vector.shape_cast %swap3A_225 : vector<1x16xf32> to vector<16xf32>
        %swap3A_227 = vector.shape_cast %get3A_222 : vector<16xf32> to vector<1x16xf32>
        tpu.vector_store %arg11[%swap3A_223, %swap3A_224], %swap3A_227 {add = true, strides = array<i32>} : memref<200x128xf32, #tpu.memory_space<vmem>>, vector<1x16xf32>,
        %get3A_228 = arith.index_cast %scan3A_202 : i32 to index
        %get3A_229 = arith.constant 48 : index
        %get3A_230 = tpu.vector_load %arg12[%get3A_228, %get3A_229] {strides = array<i32>} : memref<200x128xf32, #tpu.memory_space<vmem>>, vector<1x16xf32>,
        %get3A_231 = vector.shape_cast %get3A_230 : vector<1x16xf32> to vector<16xf32>
        %swap3A_232 = arith.index_cast %scan3A_202 : i32 to index
        %swap3A_233 = arith.constant 48 : index
        %swap3A_234 = tpu.vector_load %arg11[%swap3A_232, %swap3A_233] {strides = array<i32>} : memref<200x128xf32, #tpu.memory_space<vmem>>, vector<1x16xf32>,
        %swap3A_235 = vector.shape_cast %swap3A_234 : vector<1x16xf32> to vector<16xf32>
        %swap3A_236 = vector.shape_cast %get3A_231 : vector<16xf32> to vector<1x16xf32>
        tpu.vector_store %arg11[%swap3A_232, %swap3A_233], %swap3A_236 {add = true, strides = array<i32>} : memref<200x128xf32, #tpu.memory_space<vmem>>, vector<1x16xf32>,
        %get3A_237 = arith.index_cast %scan3A_202 : i32 to index
        %get3A_238 = arith.constant 64 : index
        %get3A_239 = tpu.vector_load %arg12[%get3A_237, %get3A_238] {strides = array<i32>} : memref<200x128xf32, #tpu.memory_space<vmem>>, vector<1x16xf32>,
        %get3A_240 = vector.shape_cast %get3A_239 : vector<1x16xf32> to vector<16xf32>
        %swap3A_241 = arith.index_cast %scan3A_202 : i32 to index
        %swap3A_242 = arith.constant 64 : index
        %swap3A_243 = tpu.vector_load %arg11[%swap3A_241, %swap3A_242] {strides = array<i32>} : memref<200x128xf32, #tpu.memory_space<vmem>>, vector<1x16xf32>,
        %swap3A_244 = vector.shape_cast %swap3A_243 : vector<1x16xf32> to vector<16xf32>
        %swap3A_245 = vector.shape_cast %get3A_240 : vector<16xf32> to vector<1x16xf32>
        tpu.vector_store %arg11[%swap3A_241, %swap3A_242], %swap3A_245 {add = true, strides = array<i32>} : memref<200x128xf32, #tpu.memory_space<vmem>>, vector<1x16xf32>,
        %get3A_246 = arith.index_cast %scan3A_202 : i32 to index
        %get3A_247 = arith.constant 80 : index
        %get3A_248 = tpu.vector_load %arg12[%get3A_246, %get3A_247] {strides = array<i32>} : memref<200x128xf32, #tpu.memory_space<vmem>>, vector<1x16xf32>,
        %get3A_249 = vector.shape_cast %get3A_248 : vector<1x16xf32> to vector<16xf32>
        %swap3A_250 = arith.index_cast %scan3A_202 : i32 to index
        %swap3A_251 = arith.constant 80 : index
        %swap3A_252 = tpu.vector_load %arg11[%swap3A_250, %swap3A_251] {strides = array<i32>} : memref<200x128xf32, #tpu.memory_space<vmem>>, vector<1x16xf32>,
        %swap3A_253 = vector.shape_cast %swap3A_252 : vector<1x16xf32> to vector<16xf32>
        %swap3A_254 = vector.shape_cast %get3A_249 : vector<16xf32> to vector<1x16xf32>
        tpu.vector_store %arg11[%swap3A_250, %swap3A_251], %swap3A_254 {add = true, strides = array<i32>} : memref<200x128xf32, #tpu.memory_space<vmem>>, vector<1x16xf32>,
        %get3A_255 = arith.index_cast %scan3A_202 : i32 to index
        %get3A_256 = arith.constant 96 : index
        %get3A_257 = tpu.vector_load %arg12[%get3A_255, %get3A_256] {strides = array<i32>} : memref<200x128xf32, #tpu.memory_space<vmem>>, vector<1x16xf32>,
        %get3A_258 = vector.shape_cast %get3A_257 : vector<1x16xf32> to vector<16xf32>
        %swap3A_259 = arith.index_cast %scan3A_202 : i32 to index
        %swap3A_260 = arith.constant 96 : index
        %swap3A_261 = tpu.vector_load %arg11[%swap3A_259, %swap3A_260] {strides = array<i32>} : memref<200x128xf32, #tpu.memory_space<vmem>>, vector<1x16xf32>,
        %swap3A_262 = vector.shape_cast %swap3A_261 : vector<1x16xf32> to vector<16xf32>
        %swap3A_263 = vector.shape_cast %get3A_258 : vector<16xf32> to vector<1x16xf32>
        tpu.vector_store %arg11[%swap3A_259, %swap3A_260], %swap3A_263 {add = true, strides = array<i32>} : memref<200x128xf32, #tpu.memory_space<vmem>>, vector<1x16xf32>,
        %get3A_264 = arith.index_cast %scan3A_202 : i32 to index
        %get3A_265 = arith.constant 112 : index
        %get3A_266 = tpu.vector_load %arg12[%get3A_264, %get3A_265] {strides = array<i32>} : memref<200x128xf32, #tpu.memory_space<vmem>>, vector<1x16xf32>,
        %get3A_267 = vector.shape_cast %get3A_266 : vector<1x16xf32> to vector<16xf32>
        %swap3A_268 = arith.index_cast %scan3A_202 : i32 to index
        %swap3A_269 = arith.constant 112 : index
        %swap3A_270 = tpu.vector_load %arg11[%swap3A_268, %swap3A_269] {strides = array<i32>} : memref<200x128xf32, #tpu.memory_space<vmem>>, vector<1x16xf32>,
        %swap3A_271 = vector.shape_cast %swap3A_270 : vector<1x16xf32> to vector<16xf32>
        %swap3A_272 = vector.shape_cast %get3A_267 : vector<16xf32> to vector<1x16xf32>
        tpu.vector_store %arg11[%swap3A_268, %swap3A_269], %swap3A_272 {add = true, strides = array<i32>} : memref<200x128xf32, #tpu.memory_space<vmem>>, vector<1x16xf32>,
        %scan3A_273 = arith.constant 1 : i32
        %scan3A_274 = arith.addi %scan3A_202, %scan3A_273 : i32
        %get3A_275 = arith.index_cast %scan3A_274 : i32 to index
        %get3A_276 = arith.constant 0 : index
        %get3A_277 = tpu.vector_load %arg12[%get3A_275, %get3A_276] {strides = array<i32>} : memref<200x128xf32, #tpu.memory_space<vmem>>, vector<1x16xf32>,
        %get3A_278 = vector.shape_cast %get3A_277 : vector<1x16xf32> to vector<16xf32>
        %swap3A_279 = arith.index_cast %scan3A_274 : i32 to index
        %swap3A_280 = arith.constant 0 : index
        %swap3A_281 = tpu.vector_load %arg11[%swap3A_279, %swap3A_280] {strides = array<i32>} : memref<200x128xf32, #tpu.memory_space<vmem>>, vector<1x16xf32>,
        %swap3A_282 = vector.shape_cast %swap3A_281 : vector<1x16xf32> to vector<16xf32>
        %swap3A_283 = vector.shape_cast %get3A_278 : vector<16xf32> to vector<1x16xf32>
        tpu.vector_store %arg11[%swap3A_279, %swap3A_280], %swap3A_283 {add = true, strides = array<i32>} : memref<200x128xf32, #tpu.memory_space<vmem>>, vector<1x16xf32>,
        %get3A_284 = arith.index_cast %scan3A_274 : i32 to index
        %get3A_285 = arith.constant 16 : index
        %get3A_286 = tpu.vector_load %arg12[%get3A_284, %get3A_285] {strides = array<i32>} : memref<200x128xf32, #tpu.memory_space<vmem>>, vector<1x16xf32>,
        %get3A_287 = vector.shape_cast %get3A_286 : vector<1x16xf32> to vector<16xf32>
        %swap3A_288 = arith.index_cast %scan3A_274 : i32 to index
        %swap3A_289 = arith.constant 16 : index
        %swap3A_290 = tpu.vector_load %arg11[%swap3A_288, %swap3A_289] {strides = array<i32>} : memref<200x128xf32, #tpu.memory_space<vmem>>, vector<1x16xf32>,
        %swap3A_291 = vector.shape_cast %swap3A_290 : vector<1x16xf32> to vector<16xf32>
        %swap3A_292 = vector.shape_cast %get3A_287 : vector<16xf32> to vector<1x16xf32>
        tpu.vector_store %arg11[%swap3A_288, %swap3A_289], %swap3A_292 {add = true, strides = array<i32>} : memref<200x128xf32, #tpu.memory_space<vmem>>, vector<1x16xf32>,
        %get3A_293 = arith.index_cast %scan3A_274 : i32 to index
        %get3A_294 = arith.constant 32 : index
        %get3A_295 = tpu.vector_load %arg12[%get3A_293, %get3A_294] {strides = array<i32>} : memref<200x128xf32, #tpu.memory_space<vmem>>, vector<1x16xf32>,
        %get3A_296 = vector.shape_cast %get3A_295 : vector<1x16xf32> to vector<16xf32>
        %swap3A_297 = arith.index_cast %scan3A_274 : i32 to index
        %swap3A_298 = arith.constant 32 : index
        %swap3A_299 = tpu.vector_load %arg11[%swap3A_297, %swap3A_298] {strides = array<i32>} : memref<200x128xf32, #tpu.memory_space<vmem>>, vector<1x16xf32>,
        %swap3A_300 = vector.shape_cast %swap3A_299 : vector<1x16xf32> to vector<16xf32>
        %swap3A_301 = vector.shape_cast %get3A_296 : vector<16xf32> to vector<1x16xf32>
        tpu.vector_store %arg11[%swap3A_297, %swap3A_298], %swap3A_301 {add = true, strides = array<i32>} : memref<200x128xf32, #tpu.memory_space<vmem>>, vector<1x16xf32>,
        %get3A_302 = arith.index_cast %scan3A_274 : i32 to index
        %get3A_303 = arith.constant 48 : index
        %get3A_304 = tpu.vector_load %arg12[%get3A_302, %get3A_303] {strides = array<i32>} : memref<200x128xf32, #tpu.memory_space<vmem>>, vector<1x16xf32>,
        %get3A_305 = vector.shape_cast %get3A_304 : vector<1x16xf32> to vector<16xf32>
        %swap3A_306 = arith.index_cast %scan3A_274 : i32 to index
        %swap3A_307 = arith.constant 48 : index
        %swap3A_308 = tpu.vector_load %arg11[%swap3A_306, %swap3A_307] {strides = array<i32>} : memref<200x128xf32, #tpu.memory_space<vmem>>, vector<1x16xf32>,
        %swap3A_309 = vector.shape_cast %swap3A_308 : vector<1x16xf32> to vector<16xf32>
        %swap3A_310 = vector.shape_cast %get3A_305 : vector<16xf32> to vector<1x16xf32>
        tpu.vector_store %arg11[%swap3A_306, %swap3A_307], %swap3A_310 {add = true, strides = array<i32>} : memref<200x128xf32, #tpu.memory_space<vmem>>, vector<1x16xf32>,
        %get3A_311 = arith.index_cast %scan3A_274 : i32 to index
        %get3A_312 = arith.constant 64 : index
        %get3A_313 = tpu.vector_load %arg12[%get3A_311, %get3A_312] {strides = array<i32>} : memref<200x128xf32, #tpu.memory_space<vmem>>, vector<1x16xf32>,
        %get3A_314 = vector.shape_cast %get3A_313 : vector<1x16xf32> to vector<16xf32>
        %swap3A_315 = arith.index_cast %scan3A_274 : i32 to index
        %swap3A_316 = arith.constant 64 : index
        %swap3A_317 = tpu.vector_load %arg11[%swap3A_315, %swap3A_316] {strides = array<i32>} : memref<200x128xf32, #tpu.memory_space<vmem>>, vector<1x16xf32>,
        %swap3A_318 = vector.shape_cast %swap3A_317 : vector<1x16xf32> to vector<16xf32>
        %swap3A_319 = vector.shape_cast %get3A_314 : vector<16xf32> to vector<1x16xf32>
        tpu.vector_store %arg11[%swap3A_315, %swap3A_316], %swap3A_319 {add = true, strides = array<i32>} : memref<200x128xf32, #tpu.memory_space<vmem>>, vector<1x16xf32>,
        %get3A_320 = arith.index_cast %scan3A_274 : i32 to index
        %get3A_321 = arith.constant 80 : index
        %get3A_322 = tpu.vector_load %arg12[%get3A_320, %get3A_321] {strides = array<i32>} : memref<200x128xf32, #tpu.memory_space<vmem>>, vector<1x16xf32>,
        %get3A_323 = vector.shape_cast %get3A_322 : vector<1x16xf32> to vector<16xf32>
        %swap3A_324 = arith.index_cast %scan3A_274 : i32 to index
        %swap3A_325 = arith.constant 80 : index
        %swap3A_326 = tpu.vector_load %arg11[%swap3A_324, %swap3A_325] {strides = array<i32>} : memref<200x128xf32, #tpu.memory_space<vmem>>, vector<1x16xf32>,
        %swap3A_327 = vector.shape_cast %swap3A_326 : vector<1x16xf32> to vector<16xf32>
        %swap3A_328 = vector.shape_cast %get3A_323 : vector<16xf32> to vector<1x16xf32>
        tpu.vector_store %arg11[%swap3A_324, %swap3A_325], %swap3A_328 {add = true, strides = array<i32>} : memref<200x128xf32, #tpu.memory_space<vmem>>, vector<1x16xf32>,
        %get3A_329 = arith.index_cast %scan3A_274 : i32 to index
        %get3A_330 = arith.constant 96 : index
        %get3A_331 = tpu.vector_load %arg12[%get3A_329, %get3A_330] {strides = array<i32>} : memref<200x128xf32, #tpu.memory_space<vmem>>, vector<1x16xf32>,
        %get3A_332 = vector.shape_cast %get3A_331 : vector<1x16xf32> to vector<16xf32>
        %swap3A_333 = arith.index_cast %scan3A_274 : i32 to index
        %swap3A_334 = arith.constant 96 : index
        %swap3A_335 = tpu.vector_load %arg11[%swap3A_333, %swap3A_334] {strides = array<i32>} : memref<200x128xf32, #tpu.memory_space<vmem>>, vector<1x16xf32>,
        %swap3A_336 = vector.shape_cast %swap3A_335 : vector<1x16xf32> to vector<16xf32>
        %swap3A_337 = vector.shape_cast %get3A_332 : vector<16xf32> to vector<1x16xf32>
        tpu.vector_store %arg11[%swap3A_333, %swap3A_334], %swap3A_337 {add = true, strides = array<i32>} : memref<200x128xf32, #tpu.memory_space<vmem>>, vector<1x16xf32>,
        %get3A_338 = arith.index_cast %scan3A_274 : i32 to index
        %get3A_339 = arith.constant 112 : index
        %get3A_340 = tpu.vector_load %arg12[%get3A_338, %get3A_339] {strides = array<i32>} : memref<200x128xf32, #tpu.memory_space<vmem>>, vector<1x16xf32>,
        %get3A_341 = vector.shape_cast %get3A_340 : vector<1x16xf32> to vector<16xf32>
        %swap3A_342 = arith.index_cast %scan3A_274 : i32 to index
        %swap3A_343 = arith.constant 112 : index
        %swap3A_344 = tpu.vector_load %arg11[%swap3A_342, %swap3A_343] {strides = array<i32>} : memref<200x128xf32, #tpu.memory_space<vmem>>, vector<1x16xf32>,
        %swap3A_345 = vector.shape_cast %swap3A_344 : vector<1x16xf32> to vector<16xf32>
        %swap3A_346 = vector.shape_cast %get3A_341 : vector<16xf32> to vector<1x16xf32>
        tpu.vector_store %arg11[%swap3A_342, %swap3A_343], %swap3A_346 {add = true, strides = array<i32>} : memref<200x128xf32, #tpu.memory_space<vmem>>, vector<1x16xf32>,
        %scan3A_347 = arith.constant 2 : i32
        %scan3A_348 = arith.addi %scan3A_202, %scan3A_347 : i32
        %get3A_349 = arith.index_cast %scan3A_348 : i32 to index
        %get3A_350 = arith.constant 0 : index
        %get3A_351 = tpu.vector_load %arg12[%get3A_349, %get3A_350] {strides = array<i32>} : memref<200x128xf32, #tpu.memory_space<vmem>>, vector<1x16xf32>,
        %get3A_352 = vector.shape_cast %get3A_351 : vector<1x16xf32> to vector<16xf32>
        %swap3A_353 = arith.index_cast %scan3A_348 : i32 to index
        %swap3A_354 = arith.constant 0 : index
        %swap3A_355 = tpu.vector_load %arg11[%swap3A_353, %swap3A_354] {strides = array<i32>} : memref<200x128xf32, #tpu.memory_space<vmem>>, vector<1x16xf32>,
        %swap3A_356 = vector.shape_cast %swap3A_355 : vector<1x16xf32> to vector<16xf32>
        %swap3A_357 = vector.shape_cast %get3A_352 : vector<16xf32> to vector<1x16xf32>
        tpu.vector_store %arg11[%swap3A_353, %swap3A_354], %swap3A_357 {add = true, strides = array<i32>} : memref<200x128xf32, #tpu.memory_space<vmem>>, vector<1x16xf32>,
        %get3A_358 = arith.index_cast %scan3A_348 : i32 to index
        %get3A_359 = arith.constant 16 : index
        %get3A_360 = tpu.vector_load %arg12[%get3A_358, %get3A_359] {strides = array<i32>} : memref<200x128xf32, #tpu.memory_space<vmem>>, vector<1x16xf32>,
        %get3A_361 = vector.shape_cast %get3A_360 : vector<1x16xf32> to vector<16xf32>
        %swap3A_362 = arith.index_cast %scan3A_348 : i32 to index
        %swap3A_363 = arith.constant 16 : index
        %swap3A_364 = tpu.vector_load %arg11[%swap3A_362, %swap3A_363] {strides = array<i32>} : memref<200x128xf32, #tpu.memory_space<vmem>>, vector<1x16xf32>,
        %swap3A_365 = vector.shape_cast %swap3A_364 : vector<1x16xf32> to vector<16xf32>
        %swap3A_366 = vector.shape_cast %get3A_361 : vector<16xf32> to vector<1x16xf32>
        tpu.vector_store %arg11[%swap3A_362, %swap3A_363], %swap3A_366 {add = true, strides = array<i32>} : memref<200x128xf32, #tpu.memory_space<vmem>>, vector<1x16xf32>,
        %get3A_367 = arith.index_cast %scan3A_348 : i32 to index
        %get3A_368 = arith.constant 32 : index
        %get3A_369 = tpu.vector_load %arg12[%get3A_367, %get3A_368] {strides = array<i32>} : memref<200x128xf32, #tpu.memory_space<vmem>>, vector<1x16xf32>,
        %get3A_370 = vector.shape_cast %get3A_369 : vector<1x16xf32> to vector<16xf32>
        %swap3A_371 = arith.index_cast %scan3A_348 : i32 to index
        %swap3A_372 = arith.constant 32 : index
        %swap3A_373 = tpu.vector_load %arg11[%swap3A_371, %swap3A_372] {strides = array<i32>} : memref<200x128xf32, #tpu.memory_space<vmem>>, vector<1x16xf32>,
        %swap3A_374 = vector.shape_cast %swap3A_373 : vector<1x16xf32> to vector<16xf32>
        %swap3A_375 = vector.shape_cast %get3A_370 : vector<16xf32> to vector<1x16xf32>
        tpu.vector_store %arg11[%swap3A_371, %swap3A_372], %swap3A_375 {add = true, strides = array<i32>} : memref<200x128xf32, #tpu.memory_space<vmem>>, vector<1x16xf32>,
        %get3A_376 = arith.index_cast %scan3A_348 : i32 to index
        %get3A_377 = arith.constant 48 : index
        %get3A_378 = tpu.vector_load %arg12[%get3A_376, %get3A_377] {strides = array<i32>} : memref<200x128xf32, #tpu.memory_space<vmem>>, vector<1x16xf32>,
        %get3A_379 = vector.shape_cast %get3A_378 : vector<1x16xf32> to vector<16xf32>
        %swap3A_380 = arith.index_cast %scan3A_348 : i32 to index
        %swap3A_381 = arith.constant 48 : index
        %swap3A_382 = tpu.vector_load %arg11[%swap3A_380, %swap3A_381] {strides = array<i32>} : memref<200x128xf32, #tpu.memory_space<vmem>>, vector<1x16xf32>,
        %swap3A_383 = vector.shape_cast %swap3A_382 : vector<1x16xf32> to vector<16xf32>
        %swap3A_384 = vector.shape_cast %get3A_379 : vector<16xf32> to vector<1x16xf32>
        tpu.vector_store %arg11[%swap3A_380, %swap3A_381], %swap3A_384 {add = true, strides = array<i32>} : memref<200x128xf32, #tpu.memory_space<vmem>>, vector<1x16xf32>,
        %get3A_385 = arith.index_cast %scan3A_348 : i32 to index
        %get3A_386 = arith.constant 64 : index
        %get3A_387 = tpu.vector_load %arg12[%get3A_385, %get3A_386] {strides = array<i32>} : memref<200x128xf32, #tpu.memory_space<vmem>>, vector<1x16xf32>,
        %get3A_388 = vector.shape_cast %get3A_387 : vector<1x16xf32> to vector<16xf32>
        %swap3A_389 = arith.index_cast %scan3A_348 : i32 to index
        %swap3A_390 = arith.constant 64 : index
        %swap3A_391 = tpu.vector_load %arg11[%swap3A_389, %swap3A_390] {strides = array<i32>} : memref<200x128xf32, #tpu.memory_space<vmem>>, vector<1x16xf32>,
        %swap3A_392 = vector.shape_cast %swap3A_391 : vector<1x16xf32> to vector<16xf32>
        %swap3A_393 = vector.shape_cast %get3A_388 : vector<16xf32> to vector<1x16xf32>
        tpu.vector_store %arg11[%swap3A_389, %swap3A_390], %swap3A_393 {add = true, strides = array<i32>} : memref<200x128xf32, #tpu.memory_space<vmem>>, vector<1x16xf32>,
        %get3A_394 = arith.index_cast %scan3A_348 : i32 to index
        %get3A_395 = arith.constant 80 : index
        %get3A_396 = tpu.vector_load %arg12[%get3A_394, %get3A_395] {strides = array<i32>} : memref<200x128xf32, #tpu.memory_space<vmem>>, vector<1x16xf32>,
        %get3A_397 = vector.shape_cast %get3A_396 : vector<1x16xf32> to vector<16xf32>
        %swap3A_398 = arith.index_cast %scan3A_348 : i32 to index
        %swap3A_399 = arith.constant 80 : index
        %swap3A_400 = tpu.vector_load %arg11[%swap3A_398, %swap3A_399] {strides = array<i32>} : memref<200x128xf32, #tpu.memory_space<vmem>>, vector<1x16xf32>,
        %swap3A_401 = vector.shape_cast %swap3A_400 : vector<1x16xf32> to vector<16xf32>
        %swap3A_402 = vector.shape_cast %get3A_397 : vector<16xf32> to vector<1x16xf32>
        tpu.vector_store %arg11[%swap3A_398, %swap3A_399], %swap3A_402 {add = true, strides = array<i32>} : memref<200x128xf32, #tpu.memory_space<vmem>>, vector<1x16xf32>,
        %get3A_403 = arith.index_cast %scan3A_348 : i32 to index
        %get3A_404 = arith.constant 96 : index
        %get3A_405 = tpu.vector_load %arg12[%get3A_403, %get3A_404] {strides = array<i32>} : memref<200x128xf32, #tpu.memory_space<vmem>>, vector<1x16xf32>,
        %get3A_406 = vector.shape_cast %get3A_405 : vector<1x16xf32> to vector<16xf32>
        %swap3A_407 = arith.index_cast %scan3A_348 : i32 to index
        %swap3A_408 = arith.constant 96 : index
        %swap3A_409 = tpu.vector_load %arg11[%swap3A_407, %swap3A_408] {strides = array<i32>} : memref<200x128xf32, #tpu.memory_space<vmem>>, vector<1x16xf32>,
        %swap3A_410 = vector.shape_cast %swap3A_409 : vector<1x16xf32> to vector<16xf32>
        %swap3A_411 = vector.shape_cast %get3A_406 : vector<16xf32> to vector<1x16xf32>
        tpu.vector_store %arg11[%swap3A_407, %swap3A_408], %swap3A_411 {add = true, strides = array<i32>} : memref<200x128xf32, #tpu.memory_space<vmem>>, vector<1x16xf32>,
        %get3A_412 = arith.index_cast %scan3A_348 : i32 to index
        %get3A_413 = arith.constant 112 : index
        %get3A_414 = tpu.vector_load %arg12[%get3A_412, %get3A_413] {strides = array<i32>} : memref<200x128xf32, #tpu.memory_space<vmem>>, vector<1x16xf32>,
        %get3A_415 = vector.shape_cast %get3A_414 : vector<1x16xf32> to vector<16xf32>
        %swap3A_416 = arith.index_cast %scan3A_348 : i32 to index
        %swap3A_417 = arith.constant 112 : index
        %swap3A_418 = tpu.vector_load %arg11[%swap3A_416, %swap3A_417] {strides = array<i32>} : memref<200x128xf32, #tpu.memory_space<vmem>>, vector<1x16xf32>,
        %swap3A_419 = vector.shape_cast %swap3A_418 : vector<1x16xf32> to vector<16xf32>
        %swap3A_420 = vector.shape_cast %get3A_415 : vector<16xf32> to vector<1x16xf32>
        tpu.vector_store %arg11[%swap3A_416, %swap3A_417], %swap3A_420 {add = true, strides = array<i32>} : memref<200x128xf32, #tpu.memory_space<vmem>>, vector<1x16xf32>,
        %scan3A_421 = arith.constant 3 : i32
        %scan3A_422 = arith.addi %scan3A_202, %scan3A_421 : i32
        %get3A_423 = arith.index_cast %scan3A_422 : i32 to index
        %get3A_424 = arith.constant 0 : index
        %get3A_425 = tpu.vector_load %arg12[%get3A_423, %get3A_424] {strides = array<i32>} : memref<200x128xf32, #tpu.memory_space<vmem>>, vector<1x16xf32>,
        %get3A_426 = vector.shape_cast %get3A_425 : vector<1x16xf32> to vector<16xf32>
        %swap3A_427 = arith.index_cast %scan3A_422 : i32 to index
        %swap3A_428 = arith.constant 0 : index
        %swap3A_429 = tpu.vector_load %arg11[%swap3A_427, %swap3A_428] {strides = array<i32>} : memref<200x128xf32, #tpu.memory_space<vmem>>, vector<1x16xf32>,
        %swap3A_430 = vector.shape_cast %swap3A_429 : vector<1x16xf32> to vector<16xf32>
        %swap3A_431 = vector.shape_cast %get3A_426 : vector<16xf32> to vector<1x16xf32>
        tpu.vector_store %arg11[%swap3A_427, %swap3A_428], %swap3A_431 {add = true, strides = array<i32>} : memref<200x128xf32, #tpu.memory_space<vmem>>, vector<1x16xf32>,
        %get3A_432 = arith.index_cast %scan3A_422 : i32 to index
        %get3A_433 = arith.constant 16 : index
        %get3A_434 = tpu.vector_load %arg12[%get3A_432, %get3A_433] {strides = array<i32>} : memref<200x128xf32, #tpu.memory_space<vmem>>, vector<1x16xf32>,
        %get3A_435 = vector.shape_cast %get3A_434 : vector<1x16xf32> to vector<16xf32>
        %swap3A_436 = arith.index_cast %scan3A_422 : i32 to index
        %swap3A_437 = arith.constant 16 : index
        %swap3A_438 = tpu.vector_load %arg11[%swap3A_436, %swap3A_437] {strides = array<i32>} : memref<200x128xf32, #tpu.memory_space<vmem>>, vector<1x16xf32>,
        %swap3A_439 = vector.shape_cast %swap3A_438 : vector<1x16xf32> to vector<16xf32>
        %swap3A_440 = vector.shape_cast %get3A_435 : vector<16xf32> to vector<1x16xf32>
        tpu.vector_store %arg11[%swap3A_436, %swap3A_437], %swap3A_440 {add = true, strides = array<i32>} : memref<200x128xf32, #tpu.memory_space<vmem>>, vector<1x16xf32>,
        %get3A_441 = arith.index_cast %scan3A_422 : i32 to index
        %get3A_442 = arith.constant 32 : index
        %get3A_443 = tpu.vector_load %arg12[%get3A_441, %get3A_442] {strides = array<i32>} : memref<200x128xf32, #tpu.memory_space<vmem>>, vector<1x16xf32>,
        %get3A_444 = vector.shape_cast %get3A_443 : vector<1x16xf32> to vector<16xf32>
        %swap3A_445 = arith.index_cast %scan3A_422 : i32 to index
        %swap3A_446 = arith.constant 32 : index
        %swap3A_447 = tpu.vector_load %arg11[%swap3A_445, %swap3A_446] {strides = array<i32>} : memref<200x128xf32, #tpu.memory_space<vmem>>, vector<1x16xf32>,
        %swap3A_448 = vector.shape_cast %swap3A_447 : vector<1x16xf32> to vector<16xf32>
        %swap3A_449 = vector.shape_cast %get3A_444 : vector<16xf32> to vector<1x16xf32>
        tpu.vector_store %arg11[%swap3A_445, %swap3A_446], %swap3A_449 {add = true, strides = array<i32>} : memref<200x128xf32, #tpu.memory_space<vmem>>, vector<1x16xf32>,
        %get3A_450 = arith.index_cast %scan3A_422 : i32 to index
        %get3A_451 = arith.constant 48 : index
        %get3A_452 = tpu.vector_load %arg12[%get3A_450, %get3A_451] {strides = array<i32>} : memref<200x128xf32, #tpu.memory_space<vmem>>, vector<1x16xf32>,
        %get3A_453 = vector.shape_cast %get3A_452 : vector<1x16xf32> to vector<16xf32>
        %swap3A_454 = arith.index_cast %scan3A_422 : i32 to index
        %swap3A_455 = arith.constant 48 : index
        %swap3A_456 = tpu.vector_load %arg11[%swap3A_454, %swap3A_455] {strides = array<i32>} : memref<200x128xf32, #tpu.memory_space<vmem>>, vector<1x16xf32>,
        %swap3A_457 = vector.shape_cast %swap3A_456 : vector<1x16xf32> to vector<16xf32>
        %swap3A_458 = vector.shape_cast %get3A_453 : vector<16xf32> to vector<1x16xf32>
        tpu.vector_store %arg11[%swap3A_454, %swap3A_455], %swap3A_458 {add = true, strides = array<i32>} : memref<200x128xf32, #tpu.memory_space<vmem>>, vector<1x16xf32>,
        %get3A_459 = arith.index_cast %scan3A_422 : i32 to index
        %get3A_460 = arith.constant 64 : index
        %get3A_461 = tpu.vector_load %arg12[%get3A_459, %get3A_460] {strides = array<i32>} : memref<200x128xf32, #tpu.memory_space<vmem>>, vector<1x16xf32>,
        %get3A_462 = vector.shape_cast %get3A_461 : vector<1x16xf32> to vector<16xf32>
        %swap3A_463 = arith.index_cast %scan3A_422 : i32 to index
        %swap3A_464 = arith.constant 64 : index
        %swap3A_465 = tpu.vector_load %arg11[%swap3A_463, %swap3A_464] {strides = array<i32>} : memref<200x128xf32, #tpu.memory_space<vmem>>, vector<1x16xf32>,
        %swap3A_466 = vector.shape_cast %swap3A_465 : vector<1x16xf32> to vector<16xf32>
        %swap3A_467 = vector.shape_cast %get3A_462 : vector<16xf32> to vector<1x16xf32>
        tpu.vector_store %arg11[%swap3A_463, %swap3A_464], %swap3A_467 {add = true, strides = array<i32>} : memref<200x128xf32, #tpu.memory_space<vmem>>, vector<1x16xf32>,
        %get3A_468 = arith.index_cast %scan3A_422 : i32 to index
        %get3A_469 = arith.constant 80 : index
        %get3A_470 = tpu.vector_load %arg12[%get3A_468, %get3A_469] {strides = array<i32>} : memref<200x128xf32, #tpu.memory_space<vmem>>, vector<1x16xf32>,
        %get3A_471 = vector.shape_cast %get3A_470 : vector<1x16xf32> to vector<16xf32>
        %swap3A_472 = arith.index_cast %scan3A_422 : i32 to index
        %swap3A_473 = arith.constant 80 : index
        %swap3A_474 = tpu.vector_load %arg11[%swap3A_472, %swap3A_473] {strides = array<i32>} : memref<200x128xf32, #tpu.memory_space<vmem>>, vector<1x16xf32>,
        %swap3A_475 = vector.shape_cast %swap3A_474 : vector<1x16xf32> to vector<16xf32>
        %swap3A_476 = vector.shape_cast %get3A_471 : vector<16xf32> to vector<1x16xf32>
        tpu.vector_store %arg11[%swap3A_472, %swap3A_473], %swap3A_476 {add = true, strides = array<i32>} : memref<200x128xf32, #tpu.memory_space<vmem>>, vector<1x16xf32>,
        %get3A_477 = arith.index_cast %scan3A_422 : i32 to index
        %get3A_478 = arith.constant 96 : index
        %get3A_479 = tpu.vector_load %arg12[%get3A_477, %get3A_478] {strides = array<i32>} : memref<200x128xf32, #tpu.memory_space<vmem>>, vector<1x16xf32>,
        %get3A_480 = vector.shape_cast %get3A_479 : vector<1x16xf32> to vector<16xf32>
        %swap3A_481 = arith.index_cast %scan3A_422 : i32 to index
        %swap3A_482 = arith.constant 96 : index
        %swap3A_483 = tpu.vector_load %arg11[%swap3A_481, %swap3A_482] {strides = array<i32>} : memref<200x128xf32, #tpu.memory_space<vmem>>, vector<1x16xf32>,
        %swap3A_484 = vector.shape_cast %swap3A_483 : vector<1x16xf32> to vector<16xf32>
        %swap3A_485 = vector.shape_cast %get3A_480 : vector<16xf32> to vector<1x16xf32>
        tpu.vector_store %arg11[%swap3A_481, %swap3A_482], %swap3A_485 {add = true, strides = array<i32>} : memref<200x128xf32, #tpu.memory_space<vmem>>, vector<1x16xf32>,
        %get3A_486 = arith.index_cast %scan3A_422 : i32 to index
        %get3A_487 = arith.constant 112 : index
        %get3A_488 = tpu.vector_load %arg12[%get3A_486, %get3A_487] {strides = array<i32>} : memref<200x128xf32, #tpu.memory_space<vmem>>, vector<1x16xf32>,
        %get3A_489 = vector.shape_cast %get3A_488 : vector<1x16xf32> to vector<16xf32>
        %swap3A_490 = arith.index_cast %scan3A_422 : i32 to index
        %swap3A_491 = arith.constant 112 : index
        %swap3A_492 = tpu.vector_load %arg11[%swap3A_490, %swap3A_491] {strides = array<i32>} : memref<200x128xf32, #tpu.memory_space<vmem>>, vector<1x16xf32>,
        %swap3A_493 = vector.shape_cast %swap3A_492 : vector<1x16xf32> to vector<16xf32>
        %swap3A_494 = vector.shape_cast %get3A_489 : vector<16xf32> to vector<1x16xf32>
        tpu.vector_store %arg11[%swap3A_490, %swap3A_491], %swap3A_494 {add = true, strides = array<i32>} : memref<200x128xf32, #tpu.memory_space<vmem>>, vector<1x16xf32>,
      }
      %scan3A_173 = arith.constant 200 : i32
      %add3A_174 = arith.addi %mul3A_2, %add3A_159 : i32
      %dma_start3A_175 = arith.constant 0 : i32
      %dma_start3A_176 = arith.constant 0 : i32
      %dma_start3A_177 = tpu.memref_slice %arg5[%add3A_174, %dma_start3A_175, %dma_start3A_176] : memref<4096x200x128xf32, #tpu.memory_space<hbm>> -> memref<1x200x128xf32, #tpu.memory_space<hbm>>
      %dma_start3A_178 = tpu.memref_squeeze %dma_start3A_177 : memref<1x200x128xf32, #tpu.memory_space<hbm>> -> memref<200x128xf32, #tpu.memory_space<hbm>>
      %dma_start3A_179 = arith.constant 0 : i32
      %dma_start3A_180 = arith.constant 0 : i32
      %dma_start3A_181 = tpu.memref_slice %arg5[%add3A_174, %dma_start3A_179, %dma_start3A_180] : memref<4096x200x128xf32, #tpu.memory_space<hbm>> -> memref<1x200x128xf32, #tpu.memory_space<hbm>>
      %dma_start3A_182 = tpu.memref_squeeze %dma_start3A_181 : memref<1x200x128xf32, #tpu.memory_space<hbm>> -> memref<200x128xf32, #tpu.memory_space<hbm>>
      tpu.enqueue_dma source(%arg11 : memref<200x128xf32, #tpu.memory_space<vmem>>) target(%dma_start3A_182 : memref<200x128xf32, #tpu.memory_space<hbm>>) target_semaphore(%arg18 : memref<!tpu.dma_semaphore, #tpu.memory_space<semaphore_mem>>)
      %dma_wait3A_183 = arith.constant 0 : i32
      %dma_wait3A_184 = arith.constant 0 : i32
      %dma_wait3A_185 = tpu.memref_slice %arg5[%mul3A_2, %dma_wait3A_183, %dma_wait3A_184] : memref<4096x200x128xf32, #tpu.memory_space<hbm>> -> memref<1x200x128xf32, #tpu.memory_space<hbm>>
      %dma_wait3A_186 = tpu.memref_squeeze %dma_wait3A_185 : memref<1x200x128xf32, #tpu.memory_space<hbm>> -> memref<200x128xf32, #tpu.memory_space<hbm>>
      %dma_wait3A_187 = arith.constant 0 : i32
      %dma_wait3A_188 = arith.constant 0 : i32
      %dma_wait3A_189 = tpu.memref_slice %arg5[%mul3A_2, %dma_wait3A_187, %dma_wait3A_188] : memref<4096x200x128xf32, #tpu.memory_space<hbm>> -> memref<1x200x128xf32, #tpu.memory_space<hbm>>
      %dma_wait3A_190 = tpu.memref_squeeze %dma_wait3A_189 : memref<1x200x128xf32, #tpu.memory_space<hbm>> -> memref<200x128xf32, #tpu.memory_space<hbm>>
      tpu.wait_dma2 semaphore(%arg17 : memref<!tpu.dma_semaphore, #tpu.memory_space<semaphore_mem>>) src(%arg10 : memref<200x128xf32, #tpu.memory_space<vmem>>) dst(%dma_wait3A_190 : memref<200x128xf32, #tpu.memory_space<hbm>>)
      %dma_wait3A_191 = arith.constant 0 : i32
      %dma_wait3A_192 = tpu.memref_slice %arg2[%mul3A_2, %dma_wait3A_191] : memref<4096x200xi32, #tpu.memory_space<hbm>> -> memref<1x200xi32, #tpu.memory_space<hbm>>
      %dma_wait3A_193 = tpu.memref_squeeze %dma_wait3A_192 : memref<1x200xi32, #tpu.memory_space<hbm>> -> memref<200xi32, #tpu.memory_space<hbm>>
      %dma_wait3A_194 = arith.constant 0 : i32
      %dma_wait3A_195 = tpu.memref_slice %arg2[%mul3A_2, %dma_wait3A_194] : memref<4096x200xi32, #tpu.memory_space<hbm>> -> memref<1x200xi32, #tpu.memory_space<hbm>>
      %dma_wait3A_196 = tpu.memref_squeeze %dma_wait3A_195 : memref<1x200xi32, #tpu.memory_space<hbm>> -> memref<200xi32, #tpu.memory_space<hbm>>
      tpu.wait_dma2 semaphore(%arg20 : memref<!tpu.dma_semaphore, #tpu.memory_space<semaphore_mem>>) src(%dma_wait3A_196 : memref<200xi32, #tpu.memory_space<hbm>>) dst(%arg7 : memref<200xi32, #tpu.memory_space<vmem>>)
      %add3A_197 = arith.constant 2 : i32
      %add3A_198 = arith.addi %add3A_159, %add3A_197 : i32
      %dma_start3A_199 = arith.constant 0 : i32
      %dma_start3A_200 = arith.constant 0 : i32
      %dma_start3A_201 = tpu.memref_slice %arg3[%dma_start3A_199, %dma_start3A_200] : memref<100000x128xf32, #tpu.memory_space<hbm>> -> memref<100000x128xf32, #tpu.memory_space<hbm>>
      tpu.enqueue_indirect_dma source(%dma_start3A_201 : memref<100000x128xf32, #tpu.memory_space<hbm>>) target(%arg10 : memref<200x128xf32, #tpu.memory_space<vmem>>) offsets(%arg7 : memref<200xi32, #tpu.memory_space<vmem>>) semaphore(%arg14 : memref<!tpu.dma_semaphore, #tpu.memory_space<semaphore_mem>>)
    }
    %scan3A_18 = arith.constant 42 : i32
    %dma_wait3A = arith.constant 0 : i32
    %dma_wait3A_19 = arith.constant 0 : i32
    %dma_wait3A_20 = tpu.memref_slice %arg3[%dma_wait3A, %dma_wait3A_19] : memref<100000x128xf32, #tpu.memory_space<hbm>> -> memref<100000x128xf32, #tpu.memory_space<hbm>>
    tpu.wait_indirect_dma semaphore(%arg13 : memref<!tpu.dma_semaphore, #tpu.memory_space<semaphore_mem>>) src(%dma_wait3A_20 : memref<100000x128xf32, #tpu.memory_space<hbm>>) dst(%arg9 : memref<200x128xf32, #tpu.memory_space<vmem>>)
    %scan3A_21 = arith.constant 0 : i32
    %scan3A_22 = arith.constant 0 : i32
    %scan3A_23 = arith.constant 200 : i32
    %scan3A_24 = arith.addi %scan3A_22, %scan3A_23 : i32
    %scan3A_25 = arith.constant 4 : i32
    scf.for %scan3A_80 = %scan3A_22 to %scan3A_24 step %scan3A_25  : i32 {
      %get3A = arith.index_cast %scan3A_80 : i32 to index
      %get3A_81 = arith.constant 0 : index
      %get3A_82 = tpu.vector_load %arg12[%get3A, %get3A_81] {strides = array<i32>} : memref<200x128xf32, #tpu.memory_space<vmem>>, vector<1x16xf32>,
      %get3A_83 = vector.shape_cast %get3A_82 : vector<1x16xf32> to vector<16xf32>
      %swap3A = arith.index_cast %scan3A_80 : i32 to index
      %swap3A_84 = arith.constant 0 : index
      %swap3A_85 = tpu.vector_load %arg9[%swap3A, %swap3A_84] {strides = array<i32>} : memref<200x128xf32, #tpu.memory_space<vmem>>, vector<1x16xf32>,
      %swap3A_86 = vector.shape_cast %swap3A_85 : vector<1x16xf32> to vector<16xf32>
      %swap3A_87 = vector.shape_cast %get3A_83 : vector<16xf32> to vector<1x16xf32>
      tpu.vector_store %arg9[%swap3A, %swap3A_84], %swap3A_87 {add = true, strides = array<i32>} : memref<200x128xf32, #tpu.memory_space<vmem>>, vector<1x16xf32>,
      %get3A_88 = arith.index_cast %scan3A_80 : i32 to index
      %get3A_89 = arith.constant 16 : index
      %get3A_90 = tpu.vector_load %arg12[%get3A_88, %get3A_89] {strides = array<i32>} : memref<200x128xf32, #tpu.memory_space<vmem>>, vector<1x16xf32>,
      %get3A_91 = vector.shape_cast %get3A_90 : vector<1x16xf32> to vector<16xf32>
      %swap3A_92 = arith.index_cast %scan3A_80 : i32 to index
      %swap3A_93 = arith.constant 16 : index
      %swap3A_94 = tpu.vector_load %arg9[%swap3A_92, %swap3A_93] {strides = array<i32>} : memref<200x128xf32, #tpu.memory_space<vmem>>, vector<1x16xf32>,
      %swap3A_95 = vector.shape_cast %swap3A_94 : vector<1x16xf32> to vector<16xf32>
      %swap3A_96 = vector.shape_cast %get3A_91 : vector<16xf32> to vector<1x16xf32>
      tpu.vector_store %arg9[%swap3A_92, %swap3A_93], %swap3A_96 {add = true, strides = array<i32>} : memref<200x128xf32, #tpu.memory_space<vmem>>, vector<1x16xf32>,
      %get3A_97 = arith.index_cast %scan3A_80 : i32 to index
      %get3A_98 = arith.constant 32 : index
      %get3A_99 = tpu.vector_load %arg12[%get3A_97, %get3A_98] {strides = array<i32>} : memref<200x128xf32, #tpu.memory_space<vmem>>, vector<1x16xf32>,
      %get3A_100 = vector.shape_cast %get3A_99 : vector<1x16xf32> to vector<16xf32>
      %swap3A_101 = arith.index_cast %scan3A_80 : i32 to index
      %swap3A_102 = arith.constant 32 : index
      %swap3A_103 = tpu.vector_load %arg9[%swap3A_101, %swap3A_102] {strides = array<i32>} : memref<200x128xf32, #tpu.memory_space<vmem>>, vector<1x16xf32>,
      %swap3A_104 = vector.shape_cast %swap3A_103 : vector<1x16xf32> to vector<16xf32>
      %swap3A_105 = vector.shape_cast %get3A_100 : vector<16xf32> to vector<1x16xf32>
      tpu.vector_store %arg9[%swap3A_101, %swap3A_102], %swap3A_105 {add = true, strides = array<i32>} : memref<200x128xf32, #tpu.memory_space<vmem>>, vector<1x16xf32>,
      %get3A_106 = arith.index_cast %scan3A_80 : i32 to index
      %get3A_107 = arith.constant 48 : index
      %get3A_108 = tpu.vector_load %arg12[%get3A_106, %get3A_107] {strides = array<i32>} : memref<200x128xf32, #tpu.memory_space<vmem>>, vector<1x16xf32>,
      %get3A_109 = vector.shape_cast %get3A_108 : vector<1x16xf32> to vector<16xf32>
      %swap3A_110 = arith.index_cast %scan3A_80 : i32 to index
      %swap3A_111 = arith.constant 48 : index
      %swap3A_112 = tpu.vector_load %arg9[%swap3A_110, %swap3A_111] {strides = array<i32>} : memref<200x128xf32, #tpu.memory_space<vmem>>, vector<1x16xf32>,
      %swap3A_113 = vector.shape_cast %swap3A_112 : vector<1x16xf32> to vector<16xf32>
      %swap3A_114 = vector.shape_cast %get3A_109 : vector<16xf32> to vector<1x16xf32>
      tpu.vector_store %arg9[%swap3A_110, %swap3A_111], %swap3A_114 {add = true, strides = array<i32>} : memref<200x128xf32, #tpu.memory_space<vmem>>, vector<1x16xf32>,
      %get3A_115 = arith.index_cast %scan3A_80 : i32 to index
      %get3A_116 = arith.constant 64 : index
      %get3A_117 = tpu.vector_load %arg12[%get3A_115, %get3A_116] {strides = array<i32>} : memref<200x128xf32, #tpu.memory_space<vmem>>, vector<1x16xf32>,
      %get3A_118 = vector.shape_cast %get3A_117 : vector<1x16xf32> to vector<16xf32>
      %swap3A_119 = arith.index_cast %scan3A_80 : i32 to index
      %swap3A_120 = arith.constant 64 : index
      %swap3A_121 = tpu.vector_load %arg9[%swap3A_119, %swap3A_120] {strides = array<i32>} : memref<200x128xf32, #tpu.memory_space<vmem>>, vector<1x16xf32>,
      %swap3A_122 = vector.shape_cast %swap3A_121 : vector<1x16xf32> to vector<16xf32>
      %swap3A_123 = vector.shape_cast %get3A_118 : vector<16xf32> to vector<1x16xf32>
      tpu.vector_store %arg9[%swap3A_119, %swap3A_120], %swap3A_123 {add = true, strides = array<i32>} : memref<200x128xf32, #tpu.memory_space<vmem>>, vector<1x16xf32>,
      %get3A_124 = arith.index_cast %scan3A_80 : i32 to index
      %get3A_125 = arith.constant 80 : index
      %get3A_126 = tpu.vector_load %arg12[%get3A_124, %get3A_125] {strides = array<i32>} : memref<200x128xf32, #tpu.memory_space<vmem>>, vector<1x16xf32>,
      %get3A_127 = vector.shape_cast %get3A_126 : vector<1x16xf32> to vector<16xf32>
      %swap3A_128 = arith.index_cast %scan3A_80 : i32 to index
      %swap3A_129 = arith.constant 80 : index
      %swap3A_130 = tpu.vector_load %arg9[%swap3A_128, %swap3A_129] {strides = array<i32>} : memref<200x128xf32, #tpu.memory_space<vmem>>, vector<1x16xf32>,
      %swap3A_131 = vector.shape_cast %swap3A_130 : vector<1x16xf32> to vector<16xf32>
      %swap3A_132 = vector.shape_cast %get3A_127 : vector<16xf32> to vector<1x16xf32>
      tpu.vector_store %arg9[%swap3A_128, %swap3A_129], %swap3A_132 {add = true, strides = array<i32>} : memref<200x128xf32, #tpu.memory_space<vmem>>, vector<1x16xf32>,
      %get3A_133 = arith.index_cast %scan3A_80 : i32 to index
      %get3A_134 = arith.constant 96 : index
      %get3A_135 = tpu.vector_load %arg12[%get3A_133, %get3A_134] {strides = array<i32>} : memref<200x128xf32, #tpu.memory_space<vmem>>, vector<1x16xf32>,
      %get3A_136 = vector.shape_cast %get3A_135 : vector<1x16xf32> to vector<16xf32>
      %swap3A_137 = arith.index_cast %scan3A_80 : i32 to index
      %swap3A_138 = arith.constant 96 : index
      %swap3A_139 = tpu.vector_load %arg9[%swap3A_137, %swap3A_138] {strides = array<i32>} : memref<200x128xf32, #tpu.memory_space<vmem>>, vector<1x16xf32>,
      %swap3A_140 = vector.shape_cast %swap3A_139 : vector<1x16xf32> to vector<16xf32>
      %swap3A_141 = vector.shape_cast %get3A_136 : vector<16xf32> to vector<1x16xf32>
      tpu.vector_store %arg9[%swap3A_137, %swap3A_138], %swap3A_141 {add = true, strides = array<i32>} : memref<200x128xf32, #tpu.memory_space<vmem>>, vector<1x16xf32>,
      %get3A_142 = arith.index_cast %scan3A_80 : i32 to index
      %get3A_143 = arith.constant 112 : index
      %get3A_144 = tpu.vector_load %arg12[%get3A_142, %get3A_143] {strides = array<i32>} : memref<200x128xf32, #tpu.memory_space<vmem>>, vector<1x16xf32>,
      %get3A_145 = vector.shape_cast %get3A_144 : vector<1x16xf32> to vector<16xf32>
      %swap3A_146 = arith.index_cast %scan3A_80 : i32 to index
      %swap3A_147 = arith.constant 112 : index
      %swap3A_148 = tpu.vector_load %arg9[%swap3A_146, %swap3A_147] {strides = array<i32>} : memref<200x128xf32, #tpu.memory_space<vmem>>, vector<1x16xf32>,
      %swap3A_149 = vector.shape_cast %swap3A_148 : vector<1x16xf32> to vector<16xf32>
      %swap3A_150 = vector.shape_cast %get3A_145 : vector<16xf32> to vector<1x16xf32>
      tpu.vector_store %arg9[%swap3A_146, %swap3A_147], %swap3A_150 {add = true, strides = array<i32>} : memref<200x128xf32, #tpu.memory_space<vmem>>, vector<1x16xf32>,
      %scan3A_151 = arith.constant 1 : i32
      %scan3A_152 = arith.addi %scan3A_80, %scan3A_151 : i32
      %get3A_153 = arith.index_cast %scan3A_152 : i32 to index
      %get3A_154 = arith.constant 0 : index
      %get3A_155 = tpu.vector_load %arg12[%get3A_153, %get3A_154] {strides = array<i32>} : memref<200x128xf32, #tpu.memory_space<vmem>>, vector<1x16xf32>,
      %get3A_156 = vector.shape_cast %get3A_155 : vector<1x16xf32> to vector<16xf32>
      %swap3A_157 = arith.index_cast %scan3A_152 : i32 to index
      %swap3A_158 = arith.constant 0 : index
      %swap3A_159 = tpu.vector_load %arg9[%swap3A_157, %swap3A_158] {strides = array<i32>} : memref<200x128xf32, #tpu.memory_space<vmem>>, vector<1x16xf32>,
      %swap3A_160 = vector.shape_cast %swap3A_159 : vector<1x16xf32> to vector<16xf32>
      %swap3A_161 = vector.shape_cast %get3A_156 : vector<16xf32> to vector<1x16xf32>
      tpu.vector_store %arg9[%swap3A_157, %swap3A_158], %swap3A_161 {add = true, strides = array<i32>} : memref<200x128xf32, #tpu.memory_space<vmem>>, vector<1x16xf32>,
      %get3A_162 = arith.index_cast %scan3A_152 : i32 to index
      %get3A_163 = arith.constant 16 : index
      %get3A_164 = tpu.vector_load %arg12[%get3A_162, %get3A_163] {strides = array<i32>} : memref<200x128xf32, #tpu.memory_space<vmem>>, vector<1x16xf32>,
      %get3A_165 = vector.shape_cast %get3A_164 : vector<1x16xf32> to vector<16xf32>
      %swap3A_166 = arith.index_cast %scan3A_152 : i32 to index
      %swap3A_167 = arith.constant 16 : index
      %swap3A_168 = tpu.vector_load %arg9[%swap3A_166, %swap3A_167] {strides = array<i32>} : memref<200x128xf32, #tpu.memory_space<vmem>>, vector<1x16xf32>,
      %swap3A_169 = vector.shape_cast %swap3A_168 : vector<1x16xf32> to vector<16xf32>
      %swap3A_170 = vector.shape_cast %get3A_165 : vector<16xf32> to vector<1x16xf32>
      tpu.vector_store %arg9[%swap3A_166, %swap3A_167], %swap3A_170 {add = true, strides = array<i32>} : memref<200x128xf32, #tpu.memory_space<vmem>>, vector<1x16xf32>,
      %get3A_171 = arith.index_cast %scan3A_152 : i32 to index
      %get3A_172 = arith.constant 32 : index
      %get3A_173 = tpu.vector_load %arg12[%get3A_171, %get3A_172] {strides = array<i32>} : memref<200x128xf32, #tpu.memory_space<vmem>>, vector<1x16xf32>,
      %get3A_174 = vector.shape_cast %get3A_173 : vector<1x16xf32> to vector<16xf32>
      %swap3A_175 = arith.index_cast %scan3A_152 : i32 to index
      %swap3A_176 = arith.constant 32 : index
      %swap3A_177 = tpu.vector_load %arg9[%swap3A_175, %swap3A_176] {strides = array<i32>} : memref<200x128xf32, #tpu.memory_space<vmem>>, vector<1x16xf32>,
      %swap3A_178 = vector.shape_cast %swap3A_177 : vector<1x16xf32> to vector<16xf32>
      %swap3A_179 = vector.shape_cast %get3A_174 : vector<16xf32> to vector<1x16xf32>
      tpu.vector_store %arg9[%swap3A_175, %swap3A_176], %swap3A_179 {add = true, strides = array<i32>} : memref<200x128xf32, #tpu.memory_space<vmem>>, vector<1x16xf32>,
      %get3A_180 = arith.index_cast %scan3A_152 : i32 to index
      %get3A_181 = arith.constant 48 : index
      %get3A_182 = tpu.vector_load %arg12[%get3A_180, %get3A_181] {strides = array<i32>} : memref<200x128xf32, #tpu.memory_space<vmem>>, vector<1x16xf32>,
      %get3A_183 = vector.shape_cast %get3A_182 : vector<1x16xf32> to vector<16xf32>
      %swap3A_184 = arith.index_cast %scan3A_152 : i32 to index
      %swap3A_185 = arith.constant 48 : index
      %swap3A_186 = tpu.vector_load %arg9[%swap3A_184, %swap3A_185] {strides = array<i32>} : memref<200x128xf32, #tpu.memory_space<vmem>>, vector<1x16xf32>,
      %swap3A_187 = vector.shape_cast %swap3A_186 : vector<1x16xf32> to vector<16xf32>
      %swap3A_188 = vector.shape_cast %get3A_183 : vector<16xf32> to vector<1x16xf32>
      tpu.vector_store %arg9[%swap3A_184, %swap3A_185], %swap3A_188 {add = true, strides = array<i32>} : memref<200x128xf32, #tpu.memory_space<vmem>>, vector<1x16xf32>,
      %get3A_189 = arith.index_cast %scan3A_152 : i32 to index
      %get3A_190 = arith.constant 64 : index
      %get3A_191 = tpu.vector_load %arg12[%get3A_189, %get3A_190] {strides = array<i32>} : memref<200x128xf32, #tpu.memory_space<vmem>>, vector<1x16xf32>,
      %get3A_192 = vector.shape_cast %get3A_191 : vector<1x16xf32> to vector<16xf32>
      %swap3A_193 = arith.index_cast %scan3A_152 : i32 to index
      %swap3A_194 = arith.constant 64 : index
      %swap3A_195 = tpu.vector_load %arg9[%swap3A_193, %swap3A_194] {strides = array<i32>} : memref<200x128xf32, #tpu.memory_space<vmem>>, vector<1x16xf32>,
      %swap3A_196 = vector.shape_cast %swap3A_195 : vector<1x16xf32> to vector<16xf32>
      %swap3A_197 = vector.shape_cast %get3A_192 : vector<16xf32> to vector<1x16xf32>
      tpu.vector_store %arg9[%swap3A_193, %swap3A_194], %swap3A_197 {add = true, strides = array<i32>} : memref<200x128xf32, #tpu.memory_space<vmem>>, vector<1x16xf32>,
      %get3A_198 = arith.index_cast %scan3A_152 : i32 to index
      %get3A_199 = arith.constant 80 : index
      %get3A_200 = tpu.vector_load %arg12[%get3A_198, %get3A_199] {strides = array<i32>} : memref<200x128xf32, #tpu.memory_space<vmem>>, vector<1x16xf32>,
      %get3A_201 = vector.shape_cast %get3A_200 : vector<1x16xf32> to vector<16xf32>
      %swap3A_202 = arith.index_cast %scan3A_152 : i32 to index
      %swap3A_203 = arith.constant 80 : index
      %swap3A_204 = tpu.vector_load %arg9[%swap3A_202, %swap3A_203] {strides = array<i32>} : memref<200x128xf32, #tpu.memory_space<vmem>>, vector<1x16xf32>,
      %swap3A_205 = vector.shape_cast %swap3A_204 : vector<1x16xf32> to vector<16xf32>
      %swap3A_206 = vector.shape_cast %get3A_201 : vector<16xf32> to vector<1x16xf32>
      tpu.vector_store %arg9[%swap3A_202, %swap3A_203], %swap3A_206 {add = true, strides = array<i32>} : memref<200x128xf32, #tpu.memory_space<vmem>>, vector<1x16xf32>,
      %get3A_207 = arith.index_cast %scan3A_152 : i32 to index
      %get3A_208 = arith.constant 96 : index
      %get3A_209 = tpu.vector_load %arg12[%get3A_207, %get3A_208] {strides = array<i32>} : memref<200x128xf32, #tpu.memory_space<vmem>>, vector<1x16xf32>,
      %get3A_210 = vector.shape_cast %get3A_209 : vector<1x16xf32> to vector<16xf32>
      %swap3A_211 = arith.index_cast %scan3A_152 : i32 to index
      %swap3A_212 = arith.constant 96 : index
      %swap3A_213 = tpu.vector_load %arg9[%swap3A_211, %swap3A_212] {strides = array<i32>} : memref<200x128xf32, #tpu.memory_space<vmem>>, vector<1x16xf32>,
      %swap3A_214 = vector.shape_cast %swap3A_213 : vector<1x16xf32> to vector<16xf32>
      %swap3A_215 = vector.shape_cast %get3A_210 : vector<16xf32> to vector<1x16xf32>
      tpu.vector_store %arg9[%swap3A_211, %swap3A_212], %swap3A_215 {add = true, strides = array<i32>} : memref<200x128xf32, #tpu.memory_space<vmem>>, vector<1x16xf32>,
      %get3A_216 = arith.index_cast %scan3A_152 : i32 to index
      %get3A_217 = arith.constant 112 : index
      %get3A_218 = tpu.vector_load %arg12[%get3A_216, %get3A_217] {strides = array<i32>} : memref<200x128xf32, #tpu.memory_space<vmem>>, vector<1x16xf32>,
      %get3A_219 = vector.shape_cast %get3A_218 : vector<1x16xf32> to vector<16xf32>
      %swap3A_220 = arith.index_cast %scan3A_152 : i32 to index
      %swap3A_221 = arith.constant 112 : index
      %swap3A_222 = tpu.vector_load %arg9[%swap3A_220, %swap3A_221] {strides = array<i32>} : memref<200x128xf32, #tpu.memory_space<vmem>>, vector<1x16xf32>,
      %swap3A_223 = vector.shape_cast %swap3A_222 : vector<1x16xf32> to vector<16xf32>
      %swap3A_224 = vector.shape_cast %get3A_219 : vector<16xf32> to vector<1x16xf32>
      tpu.vector_store %arg9[%swap3A_220, %swap3A_221], %swap3A_224 {add = true, strides = array<i32>} : memref<200x128xf32, #tpu.memory_space<vmem>>, vector<1x16xf32>,
      %scan3A_225 = arith.constant 2 : i32
      %scan3A_226 = arith.addi %scan3A_80, %scan3A_225 : i32
      %get3A_227 = arith.index_cast %scan3A_226 : i32 to index
      %get3A_228 = arith.constant 0 : index
      %get3A_229 = tpu.vector_load %arg12[%get3A_227, %get3A_228] {strides = array<i32>} : memref<200x128xf32, #tpu.memory_space<vmem>>, vector<1x16xf32>,
      %get3A_230 = vector.shape_cast %get3A_229 : vector<1x16xf32> to vector<16xf32>
      %swap3A_231 = arith.index_cast %scan3A_226 : i32 to index
      %swap3A_232 = arith.constant 0 : index
      %swap3A_233 = tpu.vector_load %arg9[%swap3A_231, %swap3A_232] {strides = array<i32>} : memref<200x128xf32, #tpu.memory_space<vmem>>, vector<1x16xf32>,
      %swap3A_234 = vector.shape_cast %swap3A_233 : vector<1x16xf32> to vector<16xf32>
      %swap3A_235 = vector.shape_cast %get3A_230 : vector<16xf32> to vector<1x16xf32>
      tpu.vector_store %arg9[%swap3A_231, %swap3A_232], %swap3A_235 {add = true, strides = array<i32>} : memref<200x128xf32, #tpu.memory_space<vmem>>, vector<1x16xf32>,
      %get3A_236 = arith.index_cast %scan3A_226 : i32 to index
      %get3A_237 = arith.constant 16 : index
      %get3A_238 = tpu.vector_load %arg12[%get3A_236, %get3A_237] {strides = array<i32>} : memref<200x128xf32, #tpu.memory_space<vmem>>, vector<1x16xf32>,
      %get3A_239 = vector.shape_cast %get3A_238 : vector<1x16xf32> to vector<16xf32>
      %swap3A_240 = arith.index_cast %scan3A_226 : i32 to index
      %swap3A_241 = arith.constant 16 : index
      %swap3A_242 = tpu.vector_load %arg9[%swap3A_240, %swap3A_241] {strides = array<i32>} : memref<200x128xf32, #tpu.memory_space<vmem>>, vector<1x16xf32>,
      %swap3A_243 = vector.shape_cast %swap3A_242 : vector<1x16xf32> to vector<16xf32>
      %swap3A_244 = vector.shape_cast %get3A_239 : vector<16xf32> to vector<1x16xf32>
      tpu.vector_store %arg9[%swap3A_240, %swap3A_241], %swap3A_244 {add = true, strides = array<i32>} : memref<200x128xf32, #tpu.memory_space<vmem>>, vector<1x16xf32>,
      %get3A_245 = arith.index_cast %scan3A_226 : i32 to index
      %get3A_246 = arith.constant 32 : index
      %get3A_247 = tpu.vector_load %arg12[%get3A_245, %get3A_246] {strides = array<i32>} : memref<200x128xf32, #tpu.memory_space<vmem>>, vector<1x16xf32>,
      %get3A_248 = vector.shape_cast %get3A_247 : vector<1x16xf32> to vector<16xf32>
      %swap3A_249 = arith.index_cast %scan3A_226 : i32 to index
      %swap3A_250 = arith.constant 32 : index
      %swap3A_251 = tpu.vector_load %arg9[%swap3A_249, %swap3A_250] {strides = array<i32>} : memref<200x128xf32, #tpu.memory_space<vmem>>, vector<1x16xf32>,
      %swap3A_252 = vector.shape_cast %swap3A_251 : vector<1x16xf32> to vector<16xf32>
      %swap3A_253 = vector.shape_cast %get3A_248 : vector<16xf32> to vector<1x16xf32>
      tpu.vector_store %arg9[%swap3A_249, %swap3A_250], %swap3A_253 {add = true, strides = array<i32>} : memref<200x128xf32, #tpu.memory_space<vmem>>, vector<1x16xf32>,
      %get3A_254 = arith.index_cast %scan3A_226 : i32 to index
      %get3A_255 = arith.constant 48 : index
      %get3A_256 = tpu.vector_load %arg12[%get3A_254, %get3A_255] {strides = array<i32>} : memref<200x128xf32, #tpu.memory_space<vmem>>, vector<1x16xf32>,
      %get3A_257 = vector.shape_cast %get3A_256 : vector<1x16xf32> to vector<16xf32>
      %swap3A_258 = arith.index_cast %scan3A_226 : i32 to index
      %swap3A_259 = arith.constant 48 : index
      %swap3A_260 = tpu.vector_load %arg9[%swap3A_258, %swap3A_259] {strides = array<i32>} : memref<200x128xf32, #tpu.memory_space<vmem>>, vector<1x16xf32>,
      %swap3A_261 = vector.shape_cast %swap3A_260 : vector<1x16xf32> to vector<16xf32>
      %swap3A_262 = vector.shape_cast %get3A_257 : vector<16xf32> to vector<1x16xf32>
      tpu.vector_store %arg9[%swap3A_258, %swap3A_259], %swap3A_262 {add = true, strides = array<i32>} : memref<200x128xf32, #tpu.memory_space<vmem>>, vector<1x16xf32>,
      %get3A_263 = arith.index_cast %scan3A_226 : i32 to index
      %get3A_264 = arith.constant 64 : index
      %get3A_265 = tpu.vector_load %arg12[%get3A_263, %get3A_264] {strides = array<i32>} : memref<200x128xf32, #tpu.memory_space<vmem>>, vector<1x16xf32>,
      %get3A_266 = vector.shape_cast %get3A_265 : vector<1x16xf32> to vector<16xf32>
      %swap3A_267 = arith.index_cast %scan3A_226 : i32 to index
      %swap3A_268 = arith.constant 64 : index
      %swap3A_269 = tpu.vector_load %arg9[%swap3A_267, %swap3A_268] {strides = array<i32>} : memref<200x128xf32, #tpu.memory_space<vmem>>, vector<1x16xf32>,
      %swap3A_270 = vector.shape_cast %swap3A_269 : vector<1x16xf32> to vector<16xf32>
      %swap3A_271 = vector.shape_cast %get3A_266 : vector<16xf32> to vector<1x16xf32>
      tpu.vector_store %arg9[%swap3A_267, %swap3A_268], %swap3A_271 {add = true, strides = array<i32>} : memref<200x128xf32, #tpu.memory_space<vmem>>, vector<1x16xf32>,
      %get3A_272 = arith.index_cast %scan3A_226 : i32 to index
      %get3A_273 = arith.constant 80 : index
      %get3A_274 = tpu.vector_load %arg12[%get3A_272, %get3A_273] {strides = array<i32>} : memref<200x128xf32, #tpu.memory_space<vmem>>, vector<1x16xf32>,
      %get3A_275 = vector.shape_cast %get3A_274 : vector<1x16xf32> to vector<16xf32>
      %swap3A_276 = arith.index_cast %scan3A_226 : i32 to index
      %swap3A_277 = arith.constant 80 : index
      %swap3A_278 = tpu.vector_load %arg9[%swap3A_276, %swap3A_277] {strides = array<i32>} : memref<200x128xf32, #tpu.memory_space<vmem>>, vector<1x16xf32>,
      %swap3A_279 = vector.shape_cast %swap3A_278 : vector<1x16xf32> to vector<16xf32>
      %swap3A_280 = vector.shape_cast %get3A_275 : vector<16xf32> to vector<1x16xf32>
      tpu.vector_store %arg9[%swap3A_276, %swap3A_277], %swap3A_280 {add = true, strides = array<i32>} : memref<200x128xf32, #tpu.memory_space<vmem>>, vector<1x16xf32>,
      %get3A_281 = arith.index_cast %scan3A_226 : i32 to index
      %get3A_282 = arith.constant 96 : index
      %get3A_283 = tpu.vector_load %arg12[%get3A_281, %get3A_282] {strides = array<i32>} : memref<200x128xf32, #tpu.memory_space<vmem>>, vector<1x16xf32>,
      %get3A_284 = vector.shape_cast %get3A_283 : vector<1x16xf32> to vector<16xf32>
      %swap3A_285 = arith.index_cast %scan3A_226 : i32 to index
      %swap3A_286 = arith.constant 96 : index
      %swap3A_287 = tpu.vector_load %arg9[%swap3A_285, %swap3A_286] {strides = array<i32>} : memref<200x128xf32, #tpu.memory_space<vmem>>, vector<1x16xf32>,
      %swap3A_288 = vector.shape_cast %swap3A_287 : vector<1x16xf32> to vector<16xf32>
      %swap3A_289 = vector.shape_cast %get3A_284 : vector<16xf32> to vector<1x16xf32>
      tpu.vector_store %arg9[%swap3A_285, %swap3A_286], %swap3A_289 {add = true, strides = array<i32>} : memref<200x128xf32, #tpu.memory_space<vmem>>, vector<1x16xf32>,
      %get3A_290 = arith.index_cast %scan3A_226 : i32 to index
      %get3A_291 = arith.constant 112 : index
      %get3A_292 = tpu.vector_load %arg12[%get3A_290, %get3A_291] {strides = array<i32>} : memref<200x128xf32, #tpu.memory_space<vmem>>, vector<1x16xf32>,
      %get3A_293 = vector.shape_cast %get3A_292 : vector<1x16xf32> to vector<16xf32>
      %swap3A_294 = arith.index_cast %scan3A_226 : i32 to index
      %swap3A_295 = arith.constant 112 : index
      %swap3A_296 = tpu.vector_load %arg9[%swap3A_294, %swap3A_295] {strides = array<i32>} : memref<200x128xf32, #tpu.memory_space<vmem>>, vector<1x16xf32>,
      %swap3A_297 = vector.shape_cast %swap3A_296 : vector<1x16xf32> to vector<16xf32>
      %swap3A_298 = vector.shape_cast %get3A_293 : vector<16xf32> to vector<1x16xf32>
      tpu.vector_store %arg9[%swap3A_294, %swap3A_295], %swap3A_298 {add = true, strides = array<i32>} : memref<200x128xf32, #tpu.memory_space<vmem>>, vector<1x16xf32>,
      %scan3A_299 = arith.constant 3 : i32
      %scan3A_300 = arith.addi %scan3A_80, %scan3A_299 : i32
      %get3A_301 = arith.index_cast %scan3A_300 : i32 to index
      %get3A_302 = arith.constant 0 : index
      %get3A_303 = tpu.vector_load %arg12[%get3A_301, %get3A_302] {strides = array<i32>} : memref<200x128xf32, #tpu.memory_space<vmem>>, vector<1x16xf32>,
      %get3A_304 = vector.shape_cast %get3A_303 : vector<1x16xf32> to vector<16xf32>
      %swap3A_305 = arith.index_cast %scan3A_300 : i32 to index
      %swap3A_306 = arith.constant 0 : index
      %swap3A_307 = tpu.vector_load %arg9[%swap3A_305, %swap3A_306] {strides = array<i32>} : memref<200x128xf32, #tpu.memory_space<vmem>>, vector<1x16xf32>,
      %swap3A_308 = vector.shape_cast %swap3A_307 : vector<1x16xf32> to vector<16xf32>
      %swap3A_309 = vector.shape_cast %get3A_304 : vector<16xf32> to vector<1x16xf32>
      tpu.vector_store %arg9[%swap3A_305, %swap3A_306], %swap3A_309 {add = true, strides = array<i32>} : memref<200x128xf32, #tpu.memory_space<vmem>>, vector<1x16xf32>,
      %get3A_310 = arith.index_cast %scan3A_300 : i32 to index
      %get3A_311 = arith.constant 16 : index
      %get3A_312 = tpu.vector_load %arg12[%get3A_310, %get3A_311] {strides = array<i32>} : memref<200x128xf32, #tpu.memory_space<vmem>>, vector<1x16xf32>,
      %get3A_313 = vector.shape_cast %get3A_312 : vector<1x16xf32> to vector<16xf32>
      %swap3A_314 = arith.index_cast %scan3A_300 : i32 to index
      %swap3A_315 = arith.constant 16 : index
      %swap3A_316 = tpu.vector_load %arg9[%swap3A_314, %swap3A_315] {strides = array<i32>} : memref<200x128xf32, #tpu.memory_space<vmem>>, vector<1x16xf32>,
      %swap3A_317 = vector.shape_cast %swap3A_316 : vector<1x16xf32> to vector<16xf32>
      %swap3A_318 = vector.shape_cast %get3A_313 : vector<16xf32> to vector<1x16xf32>
      tpu.vector_store %arg9[%swap3A_314, %swap3A_315], %swap3A_318 {add = true, strides = array<i32>} : memref<200x128xf32, #tpu.memory_space<vmem>>, vector<1x16xf32>,
      %get3A_319 = arith.index_cast %scan3A_300 : i32 to index
      %get3A_320 = arith.constant 32 : index
      %get3A_321 = tpu.vector_load %arg12[%get3A_319, %get3A_320] {strides = array<i32>} : memref<200x128xf32, #tpu.memory_space<vmem>>, vector<1x16xf32>,
      %get3A_322 = vector.shape_cast %get3A_321 : vector<1x16xf32> to vector<16xf32>
      %swap3A_323 = arith.index_cast %scan3A_300 : i32 to index
      %swap3A_324 = arith.constant 32 : index
      %swap3A_325 = tpu.vector_load %arg9[%swap3A_323, %swap3A_324] {strides = array<i32>} : memref<200x128xf32, #tpu.memory_space<vmem>>, vector<1x16xf32>,
      %swap3A_326 = vector.shape_cast %swap3A_325 : vector<1x16xf32> to vector<16xf32>
      %swap3A_327 = vector.shape_cast %get3A_322 : vector<16xf32> to vector<1x16xf32>
      tpu.vector_store %arg9[%swap3A_323, %swap3A_324], %swap3A_327 {add = true, strides = array<i32>} : memref<200x128xf32, #tpu.memory_space<vmem>>, vector<1x16xf32>,
      %get3A_328 = arith.index_cast %scan3A_300 : i32 to index
      %get3A_329 = arith.constant 48 : index
      %get3A_330 = tpu.vector_load %arg12[%get3A_328, %get3A_329] {strides = array<i32>} : memref<200x128xf32, #tpu.memory_space<vmem>>, vector<1x16xf32>,
      %get3A_331 = vector.shape_cast %get3A_330 : vector<1x16xf32> to vector<16xf32>
      %swap3A_332 = arith.index_cast %scan3A_300 : i32 to index
      %swap3A_333 = arith.constant 48 : index
      %swap3A_334 = tpu.vector_load %arg9[%swap3A_332, %swap3A_333] {strides = array<i32>} : memref<200x128xf32, #tpu.memory_space<vmem>>, vector<1x16xf32>,
      %swap3A_335 = vector.shape_cast %swap3A_334 : vector<1x16xf32> to vector<16xf32>
      %swap3A_336 = vector.shape_cast %get3A_331 : vector<16xf32> to vector<1x16xf32>
      tpu.vector_store %arg9[%swap3A_332, %swap3A_333], %swap3A_336 {add = true, strides = array<i32>} : memref<200x128xf32, #tpu.memory_space<vmem>>, vector<1x16xf32>,
      %get3A_337 = arith.index_cast %scan3A_300 : i32 to index
      %get3A_338 = arith.constant 64 : index
      %get3A_339 = tpu.vector_load %arg12[%get3A_337, %get3A_338] {strides = array<i32>} : memref<200x128xf32, #tpu.memory_space<vmem>>, vector<1x16xf32>,
      %get3A_340 = vector.shape_cast %get3A_339 : vector<1x16xf32> to vector<16xf32>
      %swap3A_341 = arith.index_cast %scan3A_300 : i32 to index
      %swap3A_342 = arith.constant 64 : index
      %swap3A_343 = tpu.vector_load %arg9[%swap3A_341, %swap3A_342] {strides = array<i32>} : memref<200x128xf32, #tpu.memory_space<vmem>>, vector<1x16xf32>,
      %swap3A_344 = vector.shape_cast %swap3A_343 : vector<1x16xf32> to vector<16xf32>
      %swap3A_345 = vector.shape_cast %get3A_340 : vector<16xf32> to vector<1x16xf32>
      tpu.vector_store %arg9[%swap3A_341, %swap3A_342], %swap3A_345 {add = true, strides = array<i32>} : memref<200x128xf32, #tpu.memory_space<vmem>>, vector<1x16xf32>,
      %get3A_346 = arith.index_cast %scan3A_300 : i32 to index
      %get3A_347 = arith.constant 80 : index
      %get3A_348 = tpu.vector_load %arg12[%get3A_346, %get3A_347] {strides = array<i32>} : memref<200x128xf32, #tpu.memory_space<vmem>>, vector<1x16xf32>,
      %get3A_349 = vector.shape_cast %get3A_348 : vector<1x16xf32> to vector<16xf32>
      %swap3A_350 = arith.index_cast %scan3A_300 : i32 to index
      %swap3A_351 = arith.constant 80 : index
      %swap3A_352 = tpu.vector_load %arg9[%swap3A_350, %swap3A_351] {strides = array<i32>} : memref<200x128xf32, #tpu.memory_space<vmem>>, vector<1x16xf32>,
      %swap3A_353 = vector.shape_cast %swap3A_352 : vector<1x16xf32> to vector<16xf32>
      %swap3A_354 = vector.shape_cast %get3A_349 : vector<16xf32> to vector<1x16xf32>
      tpu.vector_store %arg9[%swap3A_350, %swap3A_351], %swap3A_354 {add = true, strides = array<i32>} : memref<200x128xf32, #tpu.memory_space<vmem>>, vector<1x16xf32>,
      %get3A_355 = arith.index_cast %scan3A_300 : i32 to index
      %get3A_356 = arith.constant 96 : index
      %get3A_357 = tpu.vector_load %arg12[%get3A_355, %get3A_356] {strides = array<i32>} : memref<200x128xf32, #tpu.memory_space<vmem>>, vector<1x16xf32>,
      %get3A_358 = vector.shape_cast %get3A_357 : vector<1x16xf32> to vector<16xf32>
      %swap3A_359 = arith.index_cast %scan3A_300 : i32 to index
      %swap3A_360 = arith.constant 96 : index
      %swap3A_361 = tpu.vector_load %arg9[%swap3A_359, %swap3A_360] {strides = array<i32>} : memref<200x128xf32, #tpu.memory_space<vmem>>, vector<1x16xf32>,
      %swap3A_362 = vector.shape_cast %swap3A_361 : vector<1x16xf32> to vector<16xf32>
      %swap3A_363 = vector.shape_cast %get3A_358 : vector<16xf32> to vector<1x16xf32>
      tpu.vector_store %arg9[%swap3A_359, %swap3A_360], %swap3A_363 {add = true, strides = array<i32>} : memref<200x128xf32, #tpu.memory_space<vmem>>, vector<1x16xf32>,
      %get3A_364 = arith.index_cast %scan3A_300 : i32 to index
      %get3A_365 = arith.constant 112 : index
      %get3A_366 = tpu.vector_load %arg12[%get3A_364, %get3A_365] {strides = array<i32>} : memref<200x128xf32, #tpu.memory_space<vmem>>, vector<1x16xf32>,
      %get3A_367 = vector.shape_cast %get3A_366 : vector<1x16xf32> to vector<16xf32>
      %swap3A_368 = arith.index_cast %scan3A_300 : i32 to index
      %swap3A_369 = arith.constant 112 : index
      %swap3A_370 = tpu.vector_load %arg9[%swap3A_368, %swap3A_369] {strides = array<i32>} : memref<200x128xf32, #tpu.memory_space<vmem>>, vector<1x16xf32>,
      %swap3A_371 = vector.shape_cast %swap3A_370 : vector<1x16xf32> to vector<16xf32>
      %swap3A_372 = vector.shape_cast %get3A_367 : vector<16xf32> to vector<1x16xf32>
      tpu.vector_store %arg9[%swap3A_368, %swap3A_369], %swap3A_372 {add = true, strides = array<i32>} : memref<200x128xf32, #tpu.memory_space<vmem>>, vector<1x16xf32>,
    }
    %scan3A_26 = arith.constant 200 : i32
    %add3A_27 = arith.constant 126 : i32
    %add3A_28 = arith.addi %mul3A_2, %add3A_27 : i32
    %dma_start3A_29 = arith.constant 0 : i32
    %dma_start3A_30 = arith.constant 0 : i32
    %dma_start3A_31 = tpu.memref_slice %arg5[%add3A_28, %dma_start3A_29, %dma_start3A_30] : memref<4096x200x128xf32, #tpu.memory_space<hbm>> -> memref<1x200x128xf32, #tpu.memory_space<hbm>>
    %dma_start3A_32 = tpu.memref_squeeze %dma_start3A_31 : memref<1x200x128xf32, #tpu.memory_space<hbm>> -> memref<200x128xf32, #tpu.memory_space<hbm>>
    %dma_start3A_33 = arith.constant 0 : i32
    %dma_start3A_34 = arith.constant 0 : i32
    %dma_start3A_35 = tpu.memref_slice %arg5[%add3A_28, %dma_start3A_33, %dma_start3A_34] : memref<4096x200x128xf32, #tpu.memory_space<hbm>> -> memref<1x200x128xf32, #tpu.memory_space<hbm>>
    %dma_start3A_36 = tpu.memref_squeeze %dma_start3A_35 : memref<1x200x128xf32, #tpu.memory_space<hbm>> -> memref<200x128xf32, #tpu.memory_space<hbm>>
    tpu.enqueue_dma source(%arg9 : memref<200x128xf32, #tpu.memory_space<vmem>>) target(%dma_start3A_36 : memref<200x128xf32, #tpu.memory_space<hbm>>) target_semaphore(%arg16 : memref<!tpu.dma_semaphore, #tpu.memory_space<semaphore_mem>>)
    %dma_wait3A_37 = arith.constant 0 : i32
    %dma_wait3A_38 = arith.constant 0 : i32
    %dma_wait3A_39 = tpu.memref_slice %arg3[%dma_wait3A_37, %dma_wait3A_38] : memref<100000x128xf32, #tpu.memory_space<hbm>> -> memref<100000x128xf32, #tpu.memory_space<hbm>>
    tpu.wait_indirect_dma semaphore(%arg14 : memref<!tpu.dma_semaphore, #tpu.memory_space<semaphore_mem>>) src(%dma_wait3A_39 : memref<100000x128xf32, #tpu.memory_space<hbm>>) dst(%arg10 : memref<200x128xf32, #tpu.memory_space<vmem>>)
    %scan3A_40 = arith.constant 0 : i32
    %scan3A_41 = arith.constant 0 : i32
    %scan3A_42 = arith.constant 200 : i32
    %scan3A_43 = arith.addi %scan3A_41, %scan3A_42 : i32
    %scan3A_44 = arith.constant 4 : i32
    scf.for %scan3A_80 = %scan3A_41 to %scan3A_43 step %scan3A_44  : i32 {
      %get3A = arith.index_cast %scan3A_80 : i32 to index
      %get3A_81 = arith.constant 0 : index
      %get3A_82 = tpu.vector_load %arg12[%get3A, %get3A_81] {strides = array<i32>} : memref<200x128xf32, #tpu.memory_space<vmem>>, vector<1x16xf32>,
      %get3A_83 = vector.shape_cast %get3A_82 : vector<1x16xf32> to vector<16xf32>
      %swap3A = arith.index_cast %scan3A_80 : i32 to index
      %swap3A_84 = arith.constant 0 : index
      %swap3A_85 = tpu.vector_load %arg10[%swap3A, %swap3A_84] {strides = array<i32>} : memref<200x128xf32, #tpu.memory_space<vmem>>, vector<1x16xf32>,
      %swap3A_86 = vector.shape_cast %swap3A_85 : vector<1x16xf32> to vector<16xf32>
      %swap3A_87 = vector.shape_cast %get3A_83 : vector<16xf32> to vector<1x16xf32>
      tpu.vector_store %arg10[%swap3A, %swap3A_84], %swap3A_87 {add = true, strides = array<i32>} : memref<200x128xf32, #tpu.memory_space<vmem>>, vector<1x16xf32>,
      %get3A_88 = arith.index_cast %scan3A_80 : i32 to index
      %get3A_89 = arith.constant 16 : index
      %get3A_90 = tpu.vector_load %arg12[%get3A_88, %get3A_89] {strides = array<i32>} : memref<200x128xf32, #tpu.memory_space<vmem>>, vector<1x16xf32>,
      %get3A_91 = vector.shape_cast %get3A_90 : vector<1x16xf32> to vector<16xf32>
      %swap3A_92 = arith.index_cast %scan3A_80 : i32 to index
      %swap3A_93 = arith.constant 16 : index
      %swap3A_94 = tpu.vector_load %arg10[%swap3A_92, %swap3A_93] {strides = array<i32>} : memref<200x128xf32, #tpu.memory_space<vmem>>, vector<1x16xf32>,
      %swap3A_95 = vector.shape_cast %swap3A_94 : vector<1x16xf32> to vector<16xf32>
      %swap3A_96 = vector.shape_cast %get3A_91 : vector<16xf32> to vector<1x16xf32>
      tpu.vector_store %arg10[%swap3A_92, %swap3A_93], %swap3A_96 {add = true, strides = array<i32>} : memref<200x128xf32, #tpu.memory_space<vmem>>, vector<1x16xf32>,
      %get3A_97 = arith.index_cast %scan3A_80 : i32 to index
      %get3A_98 = arith.constant 32 : index
      %get3A_99 = tpu.vector_load %arg12[%get3A_97, %get3A_98] {strides = array<i32>} : memref<200x128xf32, #tpu.memory_space<vmem>>, vector<1x16xf32>,
      %get3A_100 = vector.shape_cast %get3A_99 : vector<1x16xf32> to vector<16xf32>
      %swap3A_101 = arith.index_cast %scan3A_80 : i32 to index
      %swap3A_102 = arith.constant 32 : index
      %swap3A_103 = tpu.vector_load %arg10[%swap3A_101, %swap3A_102] {strides = array<i32>} : memref<200x128xf32, #tpu.memory_space<vmem>>, vector<1x16xf32>,
      %swap3A_104 = vector.shape_cast %swap3A_103 : vector<1x16xf32> to vector<16xf32>
      %swap3A_105 = vector.shape_cast %get3A_100 : vector<16xf32> to vector<1x16xf32>
      tpu.vector_store %arg10[%swap3A_101, %swap3A_102], %swap3A_105 {add = true, strides = array<i32>} : memref<200x128xf32, #tpu.memory_space<vmem>>, vector<1x16xf32>,
      %get3A_106 = arith.index_cast %scan3A_80 : i32 to index
      %get3A_107 = arith.constant 48 : index
      %get3A_108 = tpu.vector_load %arg12[%get3A_106, %get3A_107] {strides = array<i32>} : memref<200x128xf32, #tpu.memory_space<vmem>>, vector<1x16xf32>,
      %get3A_109 = vector.shape_cast %get3A_108 : vector<1x16xf32> to vector<16xf32>
      %swap3A_110 = arith.index_cast %scan3A_80 : i32 to index
      %swap3A_111 = arith.constant 48 : index
      %swap3A_112 = tpu.vector_load %arg10[%swap3A_110, %swap3A_111] {strides = array<i32>} : memref<200x128xf32, #tpu.memory_space<vmem>>, vector<1x16xf32>,
      %swap3A_113 = vector.shape_cast %swap3A_112 : vector<1x16xf32> to vector<16xf32>
      %swap3A_114 = vector.shape_cast %get3A_109 : vector<16xf32> to vector<1x16xf32>
      tpu.vector_store %arg10[%swap3A_110, %swap3A_111], %swap3A_114 {add = true, strides = array<i32>} : memref<200x128xf32, #tpu.memory_space<vmem>>, vector<1x16xf32>,
      %get3A_115 = arith.index_cast %scan3A_80 : i32 to index
      %get3A_116 = arith.constant 64 : index
      %get3A_117 = tpu.vector_load %arg12[%get3A_115, %get3A_116] {strides = array<i32>} : memref<200x128xf32, #tpu.memory_space<vmem>>, vector<1x16xf32>,
      %get3A_118 = vector.shape_cast %get3A_117 : vector<1x16xf32> to vector<16xf32>
      %swap3A_119 = arith.index_cast %scan3A_80 : i32 to index
      %swap3A_120 = arith.constant 64 : index
      %swap3A_121 = tpu.vector_load %arg10[%swap3A_119, %swap3A_120] {strides = array<i32>} : memref<200x128xf32, #tpu.memory_space<vmem>>, vector<1x16xf32>,
      %swap3A_122 = vector.shape_cast %swap3A_121 : vector<1x16xf32> to vector<16xf32>
      %swap3A_123 = vector.shape_cast %get3A_118 : vector<16xf32> to vector<1x16xf32>
      tpu.vector_store %arg10[%swap3A_119, %swap3A_120], %swap3A_123 {add = true, strides = array<i32>} : memref<200x128xf32, #tpu.memory_space<vmem>>, vector<1x16xf32>,
      %get3A_124 = arith.index_cast %scan3A_80 : i32 to index
      %get3A_125 = arith.constant 80 : index
      %get3A_126 = tpu.vector_load %arg12[%get3A_124, %get3A_125] {strides = array<i32>} : memref<200x128xf32, #tpu.memory_space<vmem>>, vector<1x16xf32>,
      %get3A_127 = vector.shape_cast %get3A_126 : vector<1x16xf32> to vector<16xf32>
      %swap3A_128 = arith.index_cast %scan3A_80 : i32 to index
      %swap3A_129 = arith.constant 80 : index
      %swap3A_130 = tpu.vector_load %arg10[%swap3A_128, %swap3A_129] {strides = array<i32>} : memref<200x128xf32, #tpu.memory_space<vmem>>, vector<1x16xf32>,
      %swap3A_131 = vector.shape_cast %swap3A_130 : vector<1x16xf32> to vector<16xf32>
      %swap3A_132 = vector.shape_cast %get3A_127 : vector<16xf32> to vector<1x16xf32>
      tpu.vector_store %arg10[%swap3A_128, %swap3A_129], %swap3A_132 {add = true, strides = array<i32>} : memref<200x128xf32, #tpu.memory_space<vmem>>, vector<1x16xf32>,
      %get3A_133 = arith.index_cast %scan3A_80 : i32 to index
      %get3A_134 = arith.constant 96 : index
      %get3A_135 = tpu.vector_load %arg12[%get3A_133, %get3A_134] {strides = array<i32>} : memref<200x128xf32, #tpu.memory_space<vmem>>, vector<1x16xf32>,
      %get3A_136 = vector.shape_cast %get3A_135 : vector<1x16xf32> to vector<16xf32>
      %swap3A_137 = arith.index_cast %scan3A_80 : i32 to index
      %swap3A_138 = arith.constant 96 : index
      %swap3A_139 = tpu.vector_load %arg10[%swap3A_137, %swap3A_138] {strides = array<i32>} : memref<200x128xf32, #tpu.memory_space<vmem>>, vector<1x16xf32>,
      %swap3A_140 = vector.shape_cast %swap3A_139 : vector<1x16xf32> to vector<16xf32>
      %swap3A_141 = vector.shape_cast %get3A_136 : vector<16xf32> to vector<1x16xf32>
      tpu.vector_store %arg10[%swap3A_137, %swap3A_138], %swap3A_141 {add = true, strides = array<i32>} : memref<200x128xf32, #tpu.memory_space<vmem>>, vector<1x16xf32>,
      %get3A_142 = arith.index_cast %scan3A_80 : i32 to index
      %get3A_143 = arith.constant 112 : index
      %get3A_144 = tpu.vector_load %arg12[%get3A_142, %get3A_143] {strides = array<i32>} : memref<200x128xf32, #tpu.memory_space<vmem>>, vector<1x16xf32>,
      %get3A_145 = vector.shape_cast %get3A_144 : vector<1x16xf32> to vector<16xf32>
      %swap3A_146 = arith.index_cast %scan3A_80 : i32 to index
      %swap3A_147 = arith.constant 112 : index
      %swap3A_148 = tpu.vector_load %arg10[%swap3A_146, %swap3A_147] {strides = array<i32>} : memref<200x128xf32, #tpu.memory_space<vmem>>, vector<1x16xf32>,
      %swap3A_149 = vector.shape_cast %swap3A_148 : vector<1x16xf32> to vector<16xf32>
      %swap3A_150 = vector.shape_cast %get3A_145 : vector<16xf32> to vector<1x16xf32>
      tpu.vector_store %arg10[%swap3A_146, %swap3A_147], %swap3A_150 {add = true, strides = array<i32>} : memref<200x128xf32, #tpu.memory_space<vmem>>, vector<1x16xf32>,
      %scan3A_151 = arith.constant 1 : i32
      %scan3A_152 = arith.addi %scan3A_80, %scan3A_151 : i32
      %get3A_153 = arith.index_cast %scan3A_152 : i32 to index
      %get3A_154 = arith.constant 0 : index
      %get3A_155 = tpu.vector_load %arg12[%get3A_153, %get3A_154] {strides = array<i32>} : memref<200x128xf32, #tpu.memory_space<vmem>>, vector<1x16xf32>,
      %get3A_156 = vector.shape_cast %get3A_155 : vector<1x16xf32> to vector<16xf32>
      %swap3A_157 = arith.index_cast %scan3A_152 : i32 to index
      %swap3A_158 = arith.constant 0 : index
      %swap3A_159 = tpu.vector_load %arg10[%swap3A_157, %swap3A_158] {strides = array<i32>} : memref<200x128xf32, #tpu.memory_space<vmem>>, vector<1x16xf32>,
      %swap3A_160 = vector.shape_cast %swap3A_159 : vector<1x16xf32> to vector<16xf32>
      %swap3A_161 = vector.shape_cast %get3A_156 : vector<16xf32> to vector<1x16xf32>
      tpu.vector_store %arg10[%swap3A_157, %swap3A_158], %swap3A_161 {add = true, strides = array<i32>} : memref<200x128xf32, #tpu.memory_space<vmem>>, vector<1x16xf32>,
      %get3A_162 = arith.index_cast %scan3A_152 : i32 to index
      %get3A_163 = arith.constant 16 : index
      %get3A_164 = tpu.vector_load %arg12[%get3A_162, %get3A_163] {strides = array<i32>} : memref<200x128xf32, #tpu.memory_space<vmem>>, vector<1x16xf32>,
      %get3A_165 = vector.shape_cast %get3A_164 : vector<1x16xf32> to vector<16xf32>
      %swap3A_166 = arith.index_cast %scan3A_152 : i32 to index
      %swap3A_167 = arith.constant 16 : index
      %swap3A_168 = tpu.vector_load %arg10[%swap3A_166, %swap3A_167] {strides = array<i32>} : memref<200x128xf32, #tpu.memory_space<vmem>>, vector<1x16xf32>,
      %swap3A_169 = vector.shape_cast %swap3A_168 : vector<1x16xf32> to vector<16xf32>
      %swap3A_170 = vector.shape_cast %get3A_165 : vector<16xf32> to vector<1x16xf32>
      tpu.vector_store %arg10[%swap3A_166, %swap3A_167], %swap3A_170 {add = true, strides = array<i32>} : memref<200x128xf32, #tpu.memory_space<vmem>>, vector<1x16xf32>,
      %get3A_171 = arith.index_cast %scan3A_152 : i32 to index
      %get3A_172 = arith.constant 32 : index
      %get3A_173 = tpu.vector_load %arg12[%get3A_171, %get3A_172] {strides = array<i32>} : memref<200x128xf32, #tpu.memory_space<vmem>>, vector<1x16xf32>,
      %get3A_174 = vector.shape_cast %get3A_173 : vector<1x16xf32> to vector<16xf32>
      %swap3A_175 = arith.index_cast %scan3A_152 : i32 to index
      %swap3A_176 = arith.constant 32 : index
      %swap3A_177 = tpu.vector_load %arg10[%swap3A_175, %swap3A_176] {strides = array<i32>} : memref<200x128xf32, #tpu.memory_space<vmem>>, vector<1x16xf32>,
      %swap3A_178 = vector.shape_cast %swap3A_177 : vector<1x16xf32> to vector<16xf32>
      %swap3A_179 = vector.shape_cast %get3A_174 : vector<16xf32> to vector<1x16xf32>
      tpu.vector_store %arg10[%swap3A_175, %swap3A_176], %swap3A_179 {add = true, strides = array<i32>} : memref<200x128xf32, #tpu.memory_space<vmem>>, vector<1x16xf32>,
      %get3A_180 = arith.index_cast %scan3A_152 : i32 to index
      %get3A_181 = arith.constant 48 : index
      %get3A_182 = tpu.vector_load %arg12[%get3A_180, %get3A_181] {strides = array<i32>} : memref<200x128xf32, #tpu.memory_space<vmem>>, vector<1x16xf32>,
      %get3A_183 = vector.shape_cast %get3A_182 : vector<1x16xf32> to vector<16xf32>
      %swap3A_184 = arith.index_cast %scan3A_152 : i32 to index
      %swap3A_185 = arith.constant 48 : index
      %swap3A_186 = tpu.vector_load %arg10[%swap3A_184, %swap3A_185] {strides = array<i32>} : memref<200x128xf32, #tpu.memory_space<vmem>>, vector<1x16xf32>,
      %swap3A_187 = vector.shape_cast %swap3A_186 : vector<1x16xf32> to vector<16xf32>
      %swap3A_188 = vector.shape_cast %get3A_183 : vector<16xf32> to vector<1x16xf32>
      tpu.vector_store %arg10[%swap3A_184, %swap3A_185], %swap3A_188 {add = true, strides = array<i32>} : memref<200x128xf32, #tpu.memory_space<vmem>>, vector<1x16xf32>,
      %get3A_189 = arith.index_cast %scan3A_152 : i32 to index
      %get3A_190 = arith.constant 64 : index
      %get3A_191 = tpu.vector_load %arg12[%get3A_189, %get3A_190] {strides = array<i32>} : memref<200x128xf32, #tpu.memory_space<vmem>>, vector<1x16xf32>,
      %get3A_192 = vector.shape_cast %get3A_191 : vector<1x16xf32> to vector<16xf32>
      %swap3A_193 = arith.index_cast %scan3A_152 : i32 to index
      %swap3A_194 = arith.constant 64 : index
      %swap3A_195 = tpu.vector_load %arg10[%swap3A_193, %swap3A_194] {strides = array<i32>} : memref<200x128xf32, #tpu.memory_space<vmem>>, vector<1x16xf32>,
      %swap3A_196 = vector.shape_cast %swap3A_195 : vector<1x16xf32> to vector<16xf32>
      %swap3A_197 = vector.shape_cast %get3A_192 : vector<16xf32> to vector<1x16xf32>
      tpu.vector_store %arg10[%swap3A_193, %swap3A_194], %swap3A_197 {add = true, strides = array<i32>} : memref<200x128xf32, #tpu.memory_space<vmem>>, vector<1x16xf32>,
      %get3A_198 = arith.index_cast %scan3A_152 : i32 to index
      %get3A_199 = arith.constant 80 : index
      %get3A_200 = tpu.vector_load %arg12[%get3A_198, %get3A_199] {strides = array<i32>} : memref<200x128xf32, #tpu.memory_space<vmem>>, vector<1x16xf32>,
      %get3A_201 = vector.shape_cast %get3A_200 : vector<1x16xf32> to vector<16xf32>
      %swap3A_202 = arith.index_cast %scan3A_152 : i32 to index
      %swap3A_203 = arith.constant 80 : index
      %swap3A_204 = tpu.vector_load %arg10[%swap3A_202, %swap3A_203] {strides = array<i32>} : memref<200x128xf32, #tpu.memory_space<vmem>>, vector<1x16xf32>,
      %swap3A_205 = vector.shape_cast %swap3A_204 : vector<1x16xf32> to vector<16xf32>
      %swap3A_206 = vector.shape_cast %get3A_201 : vector<16xf32> to vector<1x16xf32>
      tpu.vector_store %arg10[%swap3A_202, %swap3A_203], %swap3A_206 {add = true, strides = array<i32>} : memref<200x128xf32, #tpu.memory_space<vmem>>, vector<1x16xf32>,
      %get3A_207 = arith.index_cast %scan3A_152 : i32 to index
      %get3A_208 = arith.constant 96 : index
      %get3A_209 = tpu.vector_load %arg12[%get3A_207, %get3A_208] {strides = array<i32>} : memref<200x128xf32, #tpu.memory_space<vmem>>, vector<1x16xf32>,
      %get3A_210 = vector.shape_cast %get3A_209 : vector<1x16xf32> to vector<16xf32>
      %swap3A_211 = arith.index_cast %scan3A_152 : i32 to index
      %swap3A_212 = arith.constant 96 : index
      %swap3A_213 = tpu.vector_load %arg10[%swap3A_211, %swap3A_212] {strides = array<i32>} : memref<200x128xf32, #tpu.memory_space<vmem>>, vector<1x16xf32>,
      %swap3A_214 = vector.shape_cast %swap3A_213 : vector<1x16xf32> to vector<16xf32>
      %swap3A_215 = vector.shape_cast %get3A_210 : vector<16xf32> to vector<1x16xf32>
      tpu.vector_store %arg10[%swap3A_211, %swap3A_212], %swap3A_215 {add = true, strides = array<i32>} : memref<200x128xf32, #tpu.memory_space<vmem>>, vector<1x16xf32>,
      %get3A_216 = arith.index_cast %scan3A_152 : i32 to index
      %get3A_217 = arith.constant 112 : index
      %get3A_218 = tpu.vector_load %arg12[%get3A_216, %get3A_217] {strides = array<i32>} : memref<200x128xf32, #tpu.memory_space<vmem>>, vector<1x16xf32>,
      %get3A_219 = vector.shape_cast %get3A_218 : vector<1x16xf32> to vector<16xf32>
      %swap3A_220 = arith.index_cast %scan3A_152 : i32 to index
      %swap3A_221 = arith.constant 112 : index
      %swap3A_222 = tpu.vector_load %arg10[%swap3A_220, %swap3A_221] {strides = array<i32>} : memref<200x128xf32, #tpu.memory_space<vmem>>, vector<1x16xf32>,
      %swap3A_223 = vector.shape_cast %swap3A_222 : vector<1x16xf32> to vector<16xf32>
      %swap3A_224 = vector.shape_cast %get3A_219 : vector<16xf32> to vector<1x16xf32>
      tpu.vector_store %arg10[%swap3A_220, %swap3A_221], %swap3A_224 {add = true, strides = array<i32>} : memref<200x128xf32, #tpu.memory_space<vmem>>, vector<1x16xf32>,
      %scan3A_225 = arith.constant 2 : i32
      %scan3A_226 = arith.addi %scan3A_80, %scan3A_225 : i32
      %get3A_227 = arith.index_cast %scan3A_226 : i32 to index
      %get3A_228 = arith.constant 0 : index
      %get3A_229 = tpu.vector_load %arg12[%get3A_227, %get3A_228] {strides = array<i32>} : memref<200x128xf32, #tpu.memory_space<vmem>>, vector<1x16xf32>,
      %get3A_230 = vector.shape_cast %get3A_229 : vector<1x16xf32> to vector<16xf32>
      %swap3A_231 = arith.index_cast %scan3A_226 : i32 to index
      %swap3A_232 = arith.constant 0 : index
      %swap3A_233 = tpu.vector_load %arg10[%swap3A_231, %swap3A_232] {strides = array<i32>} : memref<200x128xf32, #tpu.memory_space<vmem>>, vector<1x16xf32>,
      %swap3A_234 = vector.shape_cast %swap3A_233 : vector<1x16xf32> to vector<16xf32>
      %swap3A_235 = vector.shape_cast %get3A_230 : vector<16xf32> to vector<1x16xf32>
      tpu.vector_store %arg10[%swap3A_231, %swap3A_232], %swap3A_235 {add = true, strides = array<i32>} : memref<200x128xf32, #tpu.memory_space<vmem>>, vector<1x16xf32>,
      %get3A_236 = arith.index_cast %scan3A_226 : i32 to index
      %get3A_237 = arith.constant 16 : index
      %get3A_238 = tpu.vector_load %arg12[%get3A_236, %get3A_237] {strides = array<i32>} : memref<200x128xf32, #tpu.memory_space<vmem>>, vector<1x16xf32>,
      %get3A_239 = vector.shape_cast %get3A_238 : vector<1x16xf32> to vector<16xf32>
      %swap3A_240 = arith.index_cast %scan3A_226 : i32 to index
      %swap3A_241 = arith.constant 16 : index
      %swap3A_242 = tpu.vector_load %arg10[%swap3A_240, %swap3A_241] {strides = array<i32>} : memref<200x128xf32, #tpu.memory_space<vmem>>, vector<1x16xf32>,
      %swap3A_243 = vector.shape_cast %swap3A_242 : vector<1x16xf32> to vector<16xf32>
      %swap3A_244 = vector.shape_cast %get3A_239 : vector<16xf32> to vector<1x16xf32>
      tpu.vector_store %arg10[%swap3A_240, %swap3A_241], %swap3A_244 {add = true, strides = array<i32>} : memref<200x128xf32, #tpu.memory_space<vmem>>, vector<1x16xf32>,
      %get3A_245 = arith.index_cast %scan3A_226 : i32 to index
      %get3A_246 = arith.constant 32 : index
      %get3A_247 = tpu.vector_load %arg12[%get3A_245, %get3A_246] {strides = array<i32>} : memref<200x128xf32, #tpu.memory_space<vmem>>, vector<1x16xf32>,
      %get3A_248 = vector.shape_cast %get3A_247 : vector<1x16xf32> to vector<16xf32>
      %swap3A_249 = arith.index_cast %scan3A_226 : i32 to index
      %swap3A_250 = arith.constant 32 : index
      %swap3A_251 = tpu.vector_load %arg10[%swap3A_249, %swap3A_250] {strides = array<i32>} : memref<200x128xf32, #tpu.memory_space<vmem>>, vector<1x16xf32>,
      %swap3A_252 = vector.shape_cast %swap3A_251 : vector<1x16xf32> to vector<16xf32>
      %swap3A_253 = vector.shape_cast %get3A_248 : vector<16xf32> to vector<1x16xf32>
      tpu.vector_store %arg10[%swap3A_249, %swap3A_250], %swap3A_253 {add = true, strides = array<i32>} : memref<200x128xf32, #tpu.memory_space<vmem>>, vector<1x16xf32>,
      %get3A_254 = arith.index_cast %scan3A_226 : i32 to index
      %get3A_255 = arith.constant 48 : index
      %get3A_256 = tpu.vector_load %arg12[%get3A_254, %get3A_255] {strides = array<i32>} : memref<200x128xf32, #tpu.memory_space<vmem>>, vector<1x16xf32>,
      %get3A_257 = vector.shape_cast %get3A_256 : vector<1x16xf32> to vector<16xf32>
      %swap3A_258 = arith.index_cast %scan3A_226 : i32 to index
      %swap3A_259 = arith.constant 48 : index
      %swap3A_260 = tpu.vector_load %arg10[%swap3A_258, %swap3A_259] {strides = array<i32>} : memref<200x128xf32, #tpu.memory_space<vmem>>, vector<1x16xf32>,
      %swap3A_261 = vector.shape_cast %swap3A_260 : vector<1x16xf32> to vector<16xf32>
      %swap3A_262 = vector.shape_cast %get3A_257 : vector<16xf32> to vector<1x16xf32>
      tpu.vector_store %arg10[%swap3A_258, %swap3A_259], %swap3A_262 {add = true, strides = array<i32>} : memref<200x128xf32, #tpu.memory_space<vmem>>, vector<1x16xf32>,
      %get3A_263 = arith.index_cast %scan3A_226 : i32 to index
      %get3A_264 = arith.constant 64 : index
      %get3A_265 = tpu.vector_load %arg12[%get3A_263, %get3A_264] {strides = array<i32>} : memref<200x128xf32, #tpu.memory_space<vmem>>, vector<1x16xf32>,
      %get3A_266 = vector.shape_cast %get3A_265 : vector<1x16xf32> to vector<16xf32>
      %swap3A_267 = arith.index_cast %scan3A_226 : i32 to index
      %swap3A_268 = arith.constant 64 : index
      %swap3A_269 = tpu.vector_load %arg10[%swap3A_267, %swap3A_268] {strides = array<i32>} : memref<200x128xf32, #tpu.memory_space<vmem>>, vector<1x16xf32>,
      %swap3A_270 = vector.shape_cast %swap3A_269 : vector<1x16xf32> to vector<16xf32>
      %swap3A_271 = vector.shape_cast %get3A_266 : vector<16xf32> to vector<1x16xf32>
      tpu.vector_store %arg10[%swap3A_267, %swap3A_268], %swap3A_271 {add = true, strides = array<i32>} : memref<200x128xf32, #tpu.memory_space<vmem>>, vector<1x16xf32>,
      %get3A_272 = arith.index_cast %scan3A_226 : i32 to index
      %get3A_273 = arith.constant 80 : index
      %get3A_274 = tpu.vector_load %arg12[%get3A_272, %get3A_273] {strides = array<i32>} : memref<200x128xf32, #tpu.memory_space<vmem>>, vector<1x16xf32>,
      %get3A_275 = vector.shape_cast %get3A_274 : vector<1x16xf32> to vector<16xf32>
      %swap3A_276 = arith.index_cast %scan3A_226 : i32 to index
      %swap3A_277 = arith.constant 80 : index
      %swap3A_278 = tpu.vector_load %arg10[%swap3A_276, %swap3A_277] {strides = array<i32>} : memref<200x128xf32, #tpu.memory_space<vmem>>, vector<1x16xf32>,
      %swap3A_279 = vector.shape_cast %swap3A_278 : vector<1x16xf32> to vector<16xf32>
      %swap3A_280 = vector.shape_cast %get3A_275 : vector<16xf32> to vector<1x16xf32>
      tpu.vector_store %arg10[%swap3A_276, %swap3A_277], %swap3A_280 {add = true, strides = array<i32>} : memref<200x128xf32, #tpu.memory_space<vmem>>, vector<1x16xf32>,
      %get3A_281 = arith.index_cast %scan3A_226 : i32 to index
      %get3A_282 = arith.constant 96 : index
      %get3A_283 = tpu.vector_load %arg12[%get3A_281, %get3A_282] {strides = array<i32>} : memref<200x128xf32, #tpu.memory_space<vmem>>, vector<1x16xf32>,
      %get3A_284 = vector.shape_cast %get3A_283 : vector<1x16xf32> to vector<16xf32>
      %swap3A_285 = arith.index_cast %scan3A_226 : i32 to index
      %swap3A_286 = arith.constant 96 : index
      %swap3A_287 = tpu.vector_load %arg10[%swap3A_285, %swap3A_286] {strides = array<i32>} : memref<200x128xf32, #tpu.memory_space<vmem>>, vector<1x16xf32>,
      %swap3A_288 = vector.shape_cast %swap3A_287 : vector<1x16xf32> to vector<16xf32>
      %swap3A_289 = vector.shape_cast %get3A_284 : vector<16xf32> to vector<1x16xf32>
      tpu.vector_store %arg10[%swap3A_285, %swap3A_286], %swap3A_289 {add = true, strides = array<i32>} : memref<200x128xf32, #tpu.memory_space<vmem>>, vector<1x16xf32>,
      %get3A_290 = arith.index_cast %scan3A_226 : i32 to index
      %get3A_291 = arith.constant 112 : index
      %get3A_292 = tpu.vector_load %arg12[%get3A_290, %get3A_291] {strides = array<i32>} : memref<200x128xf32, #tpu.memory_space<vmem>>, vector<1x16xf32>,
      %get3A_293 = vector.shape_cast %get3A_292 : vector<1x16xf32> to vector<16xf32>
      %swap3A_294 = arith.index_cast %scan3A_226 : i32 to index
      %swap3A_295 = arith.constant 112 : index
      %swap3A_296 = tpu.vector_load %arg10[%swap3A_294, %swap3A_295] {strides = array<i32>} : memref<200x128xf32, #tpu.memory_space<vmem>>, vector<1x16xf32>,
      %swap3A_297 = vector.shape_cast %swap3A_296 : vector<1x16xf32> to vector<16xf32>
      %swap3A_298 = vector.shape_cast %get3A_293 : vector<16xf32> to vector<1x16xf32>
      tpu.vector_store %arg10[%swap3A_294, %swap3A_295], %swap3A_298 {add = true, strides = array<i32>} : memref<200x128xf32, #tpu.memory_space<vmem>>, vector<1x16xf32>,
      %scan3A_299 = arith.constant 3 : i32
      %scan3A_300 = arith.addi %scan3A_80, %scan3A_299 : i32
      %get3A_301 = arith.index_cast %scan3A_300 : i32 to index
      %get3A_302 = arith.constant 0 : index
      %get3A_303 = tpu.vector_load %arg12[%get3A_301, %get3A_302] {strides = array<i32>} : memref<200x128xf32, #tpu.memory_space<vmem>>, vector<1x16xf32>,
      %get3A_304 = vector.shape_cast %get3A_303 : vector<1x16xf32> to vector<16xf32>
      %swap3A_305 = arith.index_cast %scan3A_300 : i32 to index
      %swap3A_306 = arith.constant 0 : index
      %swap3A_307 = tpu.vector_load %arg10[%swap3A_305, %swap3A_306] {strides = array<i32>} : memref<200x128xf32, #tpu.memory_space<vmem>>, vector<1x16xf32>,
      %swap3A_308 = vector.shape_cast %swap3A_307 : vector<1x16xf32> to vector<16xf32>
      %swap3A_309 = vector.shape_cast %get3A_304 : vector<16xf32> to vector<1x16xf32>
      tpu.vector_store %arg10[%swap3A_305, %swap3A_306], %swap3A_309 {add = true, strides = array<i32>} : memref<200x128xf32, #tpu.memory_space<vmem>>, vector<1x16xf32>,
      %get3A_310 = arith.index_cast %scan3A_300 : i32 to index
      %get3A_311 = arith.constant 16 : index
      %get3A_312 = tpu.vector_load %arg12[%get3A_310, %get3A_311] {strides = array<i32>} : memref<200x128xf32, #tpu.memory_space<vmem>>, vector<1x16xf32>,
      %get3A_313 = vector.shape_cast %get3A_312 : vector<1x16xf32> to vector<16xf32>
      %swap3A_314 = arith.index_cast %scan3A_300 : i32 to index
      %swap3A_315 = arith.constant 16 : index
      %swap3A_316 = tpu.vector_load %arg10[%swap3A_314, %swap3A_315] {strides = array<i32>} : memref<200x128xf32, #tpu.memory_space<vmem>>, vector<1x16xf32>,
      %swap3A_317 = vector.shape_cast %swap3A_316 : vector<1x16xf32> to vector<16xf32>
      %swap3A_318 = vector.shape_cast %get3A_313 : vector<16xf32> to vector<1x16xf32>
      tpu.vector_store %arg10[%swap3A_314, %swap3A_315], %swap3A_318 {add = true, strides = array<i32>} : memref<200x128xf32, #tpu.memory_space<vmem>>, vector<1x16xf32>,
      %get3A_319 = arith.index_cast %scan3A_300 : i32 to index
      %get3A_320 = arith.constant 32 : index
      %get3A_321 = tpu.vector_load %arg12[%get3A_319, %get3A_320] {strides = array<i32>} : memref<200x128xf32, #tpu.memory_space<vmem>>, vector<1x16xf32>,
      %get3A_322 = vector.shape_cast %get3A_321 : vector<1x16xf32> to vector<16xf32>
      %swap3A_323 = arith.index_cast %scan3A_300 : i32 to index
      %swap3A_324 = arith.constant 32 : index
      %swap3A_325 = tpu.vector_load %arg10[%swap3A_323, %swap3A_324] {strides = array<i32>} : memref<200x128xf32, #tpu.memory_space<vmem>>, vector<1x16xf32>,
      %swap3A_326 = vector.shape_cast %swap3A_325 : vector<1x16xf32> to vector<16xf32>
      %swap3A_327 = vector.shape_cast %get3A_322 : vector<16xf32> to vector<1x16xf32>
      tpu.vector_store %arg10[%swap3A_323, %swap3A_324], %swap3A_327 {add = true, strides = array<i32>} : memref<200x128xf32, #tpu.memory_space<vmem>>, vector<1x16xf32>,
      %get3A_328 = arith.index_cast %scan3A_300 : i32 to index
      %get3A_329 = arith.constant 48 : index
      %get3A_330 = tpu.vector_load %arg12[%get3A_328, %get3A_329] {strides = array<i32>} : memref<200x128xf32, #tpu.memory_space<vmem>>, vector<1x16xf32>,
      %get3A_331 = vector.shape_cast %get3A_330 : vector<1x16xf32> to vector<16xf32>
      %swap3A_332 = arith.index_cast %scan3A_300 : i32 to index
      %swap3A_333 = arith.constant 48 : index
      %swap3A_334 = tpu.vector_load %arg10[%swap3A_332, %swap3A_333] {strides = array<i32>} : memref<200x128xf32, #tpu.memory_space<vmem>>, vector<1x16xf32>,
      %swap3A_335 = vector.shape_cast %swap3A_334 : vector<1x16xf32> to vector<16xf32>
      %swap3A_336 = vector.shape_cast %get3A_331 : vector<16xf32> to vector<1x16xf32>
      tpu.vector_store %arg10[%swap3A_332, %swap3A_333], %swap3A_336 {add = true, strides = array<i32>} : memref<200x128xf32, #tpu.memory_space<vmem>>, vector<1x16xf32>,
      %get3A_337 = arith.index_cast %scan3A_300 : i32 to index
      %get3A_338 = arith.constant 64 : index
      %get3A_339 = tpu.vector_load %arg12[%get3A_337, %get3A_338] {strides = array<i32>} : memref<200x128xf32, #tpu.memory_space<vmem>>, vector<1x16xf32>,
      %get3A_340 = vector.shape_cast %get3A_339 : vector<1x16xf32> to vector<16xf32>
      %swap3A_341 = arith.index_cast %scan3A_300 : i32 to index
      %swap3A_342 = arith.constant 64 : index
      %swap3A_343 = tpu.vector_load %arg10[%swap3A_341, %swap3A_342] {strides = array<i32>} : memref<200x128xf32, #tpu.memory_space<vmem>>, vector<1x16xf32>,
      %swap3A_344 = vector.shape_cast %swap3A_343 : vector<1x16xf32> to vector<16xf32>
      %swap3A_345 = vector.shape_cast %get3A_340 : vector<16xf32> to vector<1x16xf32>
      tpu.vector_store %arg10[%swap3A_341, %swap3A_342], %swap3A_345 {add = true, strides = array<i32>} : memref<200x128xf32, #tpu.memory_space<vmem>>, vector<1x16xf32>,
      %get3A_346 = arith.index_cast %scan3A_300 : i32 to index
      %get3A_347 = arith.constant 80 : index
      %get3A_348 = tpu.vector_load %arg12[%get3A_346, %get3A_347] {strides = array<i32>} : memref<200x128xf32, #tpu.memory_space<vmem>>, vector<1x16xf32>,
      %get3A_349 = vector.shape_cast %get3A_348 : vector<1x16xf32> to vector<16xf32>
      %swap3A_350 = arith.index_cast %scan3A_300 : i32 to index
      %swap3A_351 = arith.constant 80 : index
      %swap3A_352 = tpu.vector_load %arg10[%swap3A_350, %swap3A_351] {strides = array<i32>} : memref<200x128xf32, #tpu.memory_space<vmem>>, vector<1x16xf32>,
      %swap3A_353 = vector.shape_cast %swap3A_352 : vector<1x16xf32> to vector<16xf32>
      %swap3A_354 = vector.shape_cast %get3A_349 : vector<16xf32> to vector<1x16xf32>
      tpu.vector_store %arg10[%swap3A_350, %swap3A_351], %swap3A_354 {add = true, strides = array<i32>} : memref<200x128xf32, #tpu.memory_space<vmem>>, vector<1x16xf32>,
      %get3A_355 = arith.index_cast %scan3A_300 : i32 to index
      %get3A_356 = arith.constant 96 : index
      %get3A_357 = tpu.vector_load %arg12[%get3A_355, %get3A_356] {strides = array<i32>} : memref<200x128xf32, #tpu.memory_space<vmem>>, vector<1x16xf32>,
      %get3A_358 = vector.shape_cast %get3A_357 : vector<1x16xf32> to vector<16xf32>
      %swap3A_359 = arith.index_cast %scan3A_300 : i32 to index
      %swap3A_360 = arith.constant 96 : index
      %swap3A_361 = tpu.vector_load %arg10[%swap3A_359, %swap3A_360] {strides = array<i32>} : memref<200x128xf32, #tpu.memory_space<vmem>>, vector<1x16xf32>,
      %swap3A_362 = vector.shape_cast %swap3A_361 : vector<1x16xf32> to vector<16xf32>
      %swap3A_363 = vector.shape_cast %get3A_358 : vector<16xf32> to vector<1x16xf32>
      tpu.vector_store %arg10[%swap3A_359, %swap3A_360], %swap3A_363 {add = true, strides = array<i32>} : memref<200x128xf32, #tpu.memory_space<vmem>>, vector<1x16xf32>,
      %get3A_364 = arith.index_cast %scan3A_300 : i32 to index
      %get3A_365 = arith.constant 112 : index
      %get3A_366 = tpu.vector_load %arg12[%get3A_364, %get3A_365] {strides = array<i32>} : memref<200x128xf32, #tpu.memory_space<vmem>>, vector<1x16xf32>,
      %get3A_367 = vector.shape_cast %get3A_366 : vector<1x16xf32> to vector<16xf32>
      %swap3A_368 = arith.index_cast %scan3A_300 : i32 to index
      %swap3A_369 = arith.constant 112 : index
      %swap3A_370 = tpu.vector_load %arg10[%swap3A_368, %swap3A_369] {strides = array<i32>} : memref<200x128xf32, #tpu.memory_space<vmem>>, vector<1x16xf32>,
      %swap3A_371 = vector.shape_cast %swap3A_370 : vector<1x16xf32> to vector<16xf32>
      %swap3A_372 = vector.shape_cast %get3A_367 : vector<16xf32> to vector<1x16xf32>
      tpu.vector_store %arg10[%swap3A_368, %swap3A_369], %swap3A_372 {add = true, strides = array<i32>} : memref<200x128xf32, #tpu.memory_space<vmem>>, vector<1x16xf32>,
    }
    %scan3A_45 = arith.constant 200 : i32
    %add3A_46 = arith.constant 127 : i32
    %add3A_47 = arith.addi %mul3A_2, %add3A_46 : i32
    %dma_start3A_48 = arith.constant 0 : i32
    %dma_start3A_49 = arith.constant 0 : i32
    %dma_start3A_50 = tpu.memref_slice %arg5[%add3A_47, %dma_start3A_48, %dma_start3A_49] : memref<4096x200x128xf32, #tpu.memory_space<hbm>> -> memref<1x200x128xf32, #tpu.memory_space<hbm>>
    %dma_start3A_51 = tpu.memref_squeeze %dma_start3A_50 : memref<1x200x128xf32, #tpu.memory_space<hbm>> -> memref<200x128xf32, #tpu.memory_space<hbm>>
    %dma_start3A_52 = arith.constant 0 : i32
    %dma_start3A_53 = arith.constant 0 : i32
    %dma_start3A_54 = tpu.memref_slice %arg5[%add3A_47, %dma_start3A_52, %dma_start3A_53] : memref<4096x200x128xf32, #tpu.memory_space<hbm>> -> memref<1x200x128xf32, #tpu.memory_space<hbm>>
    %dma_start3A_55 = tpu.memref_squeeze %dma_start3A_54 : memref<1x200x128xf32, #tpu.memory_space<hbm>> -> memref<200x128xf32, #tpu.memory_space<hbm>>
    tpu.enqueue_dma source(%arg10 : memref<200x128xf32, #tpu.memory_space<vmem>>) target(%dma_start3A_55 : memref<200x128xf32, #tpu.memory_space<hbm>>) target_semaphore(%arg17 : memref<!tpu.dma_semaphore, #tpu.memory_space<semaphore_mem>>)
    %dma_wait3A_56 = arith.constant 0 : i32
    %dma_wait3A_57 = arith.constant 0 : i32
    %dma_wait3A_58 = tpu.memref_slice %arg5[%mul3A_2, %dma_wait3A_56, %dma_wait3A_57] : memref<4096x200x128xf32, #tpu.memory_space<hbm>> -> memref<1x200x128xf32, #tpu.memory_space<hbm>>
    %dma_wait3A_59 = tpu.memref_squeeze %dma_wait3A_58 : memref<1x200x128xf32, #tpu.memory_space<hbm>> -> memref<200x128xf32, #tpu.memory_space<hbm>>
    %dma_wait3A_60 = arith.constant 0 : i32
    %dma_wait3A_61 = arith.constant 0 : i32
    %dma_wait3A_62 = tpu.memref_slice %arg5[%mul3A_2, %dma_wait3A_60, %dma_wait3A_61] : memref<4096x200x128xf32, #tpu.memory_space<hbm>> -> memref<1x200x128xf32, #tpu.memory_space<hbm>>
    %dma_wait3A_63 = tpu.memref_squeeze %dma_wait3A_62 : memref<1x200x128xf32, #tpu.memory_space<hbm>> -> memref<200x128xf32, #tpu.memory_space<hbm>>
    tpu.wait_dma2 semaphore(%arg18 : memref<!tpu.dma_semaphore, #tpu.memory_space<semaphore_mem>>) src(%arg11 : memref<200x128xf32, #tpu.memory_space<vmem>>) dst(%dma_wait3A_63 : memref<200x128xf32, #tpu.memory_space<hbm>>)
    %dma_wait3A_64 = arith.constant 0 : i32
    %dma_wait3A_65 = arith.constant 0 : i32
    %dma_wait3A_66 = tpu.memref_slice %arg5[%mul3A_2, %dma_wait3A_64, %dma_wait3A_65] : memref<4096x200x128xf32, #tpu.memory_space<hbm>> -> memref<1x200x128xf32, #tpu.memory_space<hbm>>
    %dma_wait3A_67 = tpu.memref_squeeze %dma_wait3A_66 : memref<1x200x128xf32, #tpu.memory_space<hbm>> -> memref<200x128xf32, #tpu.memory_space<hbm>>
    %dma_wait3A_68 = arith.constant 0 : i32
    %dma_wait3A_69 = arith.constant 0 : i32
    %dma_wait3A_70 = tpu.memref_slice %arg5[%mul3A_2, %dma_wait3A_68, %dma_wait3A_69] : memref<4096x200x128xf32, #tpu.memory_space<hbm>> -> memref<1x200x128xf32, #tpu.memory_space<hbm>>
    %dma_wait3A_71 = tpu.memref_squeeze %dma_wait3A_70 : memref<1x200x128xf32, #tpu.memory_space<hbm>> -> memref<200x128xf32, #tpu.memory_space<hbm>>
    tpu.wait_dma2 semaphore(%arg16 : memref<!tpu.dma_semaphore, #tpu.memory_space<semaphore_mem>>) src(%arg9 : memref<200x128xf32, #tpu.memory_space<vmem>>) dst(%dma_wait3A_71 : memref<200x128xf32, #tpu.memory_space<hbm>>)
    %dma_wait3A_72 = arith.constant 0 : i32
    %dma_wait3A_73 = arith.constant 0 : i32
    %dma_wait3A_74 = tpu.memref_slice %arg5[%mul3A_2, %dma_wait3A_72, %dma_wait3A_73] : memref<4096x200x128xf32, #tpu.memory_space<hbm>> -> memref<1x200x128xf32, #tpu.memory_space<hbm>>
    %dma_wait3A_75 = tpu.memref_squeeze %dma_wait3A_74 : memref<1x200x128xf32, #tpu.memory_space<hbm>> -> memref<200x128xf32, #tpu.memory_space<hbm>>
    %dma_wait3A_76 = arith.constant 0 : i32
    %dma_wait3A_77 = arith.constant 0 : i32
    %dma_wait3A_78 = tpu.memref_slice %arg5[%mul3A_2, %dma_wait3A_76, %dma_wait3A_77] : memref<4096x200x128xf32, #tpu.memory_space<hbm>> -> memref<1x200x128xf32, #tpu.memory_space<hbm>>
    %dma_wait3A_79 = tpu.memref_squeeze %dma_wait3A_78 : memref<1x200x128xf32, #tpu.memory_space<hbm>> -> memref<200x128xf32, #tpu.memory_space<hbm>>
    tpu.wait_dma2 semaphore(%arg17 : memref<!tpu.dma_semaphore, #tpu.memory_space<semaphore_mem>>) src(%arg10 : memref<200x128xf32, #tpu.memory_space<vmem>>) dst(%dma_wait3A_79 : memref<200x128xf32, #tpu.memory_space<hbm>>)
    return
  }
}

</mosaic_0001>

<sc_bundles>
// kernel: kernel.3.cloned.1.call-start
scs
__scs_entry_jumppad:
0x0: {  	(pc) =	sbr.rel $0x88, $3  }
0x1: {  	(tag) =	ssettag $0x0;
	lr =	simm.s32 $0x1  }
0x2: {  	[smem:$0x3F9F] =	sst lr;
	_ =	strace $0xD0000000  }
0x3: {  	_ = 	snop  }
0x4: {  	_ = 	snop  }
0x5: {  	_ = 	snop  }
0x6: {  	_ = 	snop  }
0x7: {  	_ = 	snop  }
__scs_overlays_trampoline_lowered:
0x8: {  	[smem:$0x3FAE] =	sst s0  }
0x9: {  	[smem:$0x3FAF] =	sst s1  }
0xa: {  	[smem:$0x3FB0] =	sst s2  }
0xb: {  	[smem:$0x3FB1] =	sst s3  }
0xc: {  	[smem:$0x3FB2] =	sst s4  }
0xd: {  	[smem:$0x3FB3] =	sst s5  }
0xe: {  	[smem:$0x3FB4] =	sst s6  }
0xf: {  	[smem:$0x3FB5] =	sst s7  }
0x10: {  	[smem:$0x3FB6] =	sst s8  }
0x11: {  	[smem:$0x3FB7] =	sst s9;
	s0 =	simm.s32 @!p0 $0x0  }
0x12: {  	s1 =	sld [smem:$0x3F9D];
	s0 =	simm.s32 @p0 $0x1  }
0x13: {  	[smem:$0x3FB8] =	sst s0;
	s0 =	simm.s32 @!p1 $0x0  }
0x14: {  	s2 =	sld [smem:$0x3F9C];
	s0 =	simm.s32 @p1 $0x1  }
0x15: {  	[smem:$0x3FB9] =	sst s0;
	s0 =	simm.s32 @!p2 $0x0  }
0x16: {  	s3 =	sld [smem:$0x3FDB];
	s0 =	simm.s32 @p2 $0x1  }
0x17: {  	s4 =	simm.s32 $0x1BF5;
	[smem:$0x3FBB] =	sst s0  }
0x18: {  	s0 =	sld [smem:$0x3F9E];
	_ =	swait.ge [sflag:s4], $0x0  }
0x19: {  	s7 =	sld [smem:$0x3F9F]  }
0x1a: {  	s8 =	sadd.s32 $0xFFFFE003, lr  }
0x1b: {  	s9 =	sadd.s32 $0xFFFFFEF7, lr;
	s5 =	simm.s32 $0xFFFFFFFF;
	p2 =	slt.u32 s8, $0xFFFFF086  }
0x1c: {  	p1 =	slt.u32 s9, $0xF7A;
	s5 =	simm.s32 @!p2 $0x0  }
0x1d: {  	s5 =	simm.s32 @p1 $0x1;
	p0 =	seq.s32 s7, s2  }
0x1e: {  	s7 =	smul.u32 @!p0 $0xF7A, s2;
	p2 =	seq.s32 @!p0 s5, $0x0  }
0x1f: {  	s9 =	smul.u32 $0xF7A, s1;
	s8 =	simm.s32 @!p0 $0x1BF5;
	p2 =	por !p2, p0  }
0x20: {  	[sflag:s8] =	ssyncset.s32 @!p0 $0xFFFFF086;
	s6 =	sadd.s32 @!p0 s3, s7;
	s7 =	simm.s32 @!p0 $0x108  }
0x21: {  	s3 =	sadd.s32 s3, s9;
	s6 =	sadd.s32 @!p0 $0x88, s6;
	s7 =	simm.s32 @p2 $0x1082  }
0x22: {  	[simem:s7], [sflag:s8] =	dma.local @!p0 [hbm:s6], $0xF7A  }
0x23: {  	s9 =	sor.u32 $0xD0000000, s2;
	s6 =	simm.s32 $0x108;
	_ =	swait.ge @!p0 [sflag:s8], $0x0  }
0x24: {  	s3 =	sadd.s32 $0x88, s3;
	s6 =	simm.s32 @!p1 $0x1082;
	[sflag:s4] =	ssyncset.s32 $0xFFFFF086  }
0x25: {  	[simem:s6], [sflag:s4] =	dma.local [hbm:s3], $0xF7A  }
0x26: {  	[smem:$0x3F9F] =	sst s1;
	(tag) =	ssettag s2;
	_ =	strace s9  }
0x27: {  	s1 =	sld [smem:$0x3FAF]  }
0x28: {  	s2 =	sld [smem:$0x3FB0]  }
0x29: {  	s4 =	sld [smem:$0x3FB2]  }
0x2a: {  	p0 =	seq.s32 s5, $0x0;
	s5 =	sld [smem:$0x3FB3]  }
0x2b: {  	s6 =	sld [smem:$0x3FB4]  }
0x2c: {  	s7 =	sld [smem:$0x3FB5]  }
0x2d: {  	s3 =	simm.s32 $0x108;
	s8 =	sld [smem:$0x3FB6]  }
0x2e: {  	s3 =	simm.s32 @!p0 $0x1082;
	s9 =	sld [smem:$0x3FB7]  }
0x2f: {  	lr =	sadd.s32 s0, s3;
	s0 =	sld [smem:$0x3FAE]  }
0x30: {  	s3 =	sld [smem:$0x3FB1]  }
0x31: {  	[smem:$0x3FBA] =	sst s10  }
0x32: {  	s10 =	sld [smem:$0x3FB8];
	_ =	sdelay $0x3  }
0x33: {  	p0 =	seq.s32 s10, $0x1;
	s10 =	sld [smem:$0x3FBA];
	_ =	sdelay $0x3  }
0x34: {  	[smem:$0x3FBA] =	sst s10  }
0x35: {  	s10 =	sld [smem:$0x3FB9];
	_ =	sdelay $0x3  }
0x36: {  	p1 =	seq.s32 s10, $0x1;
	s10 =	sld [smem:$0x3FBA];
	_ =	sdelay $0x3  }
0x37: {  	[smem:$0x3FBA] =	sst s10  }
0x38: {  	s10 =	sld [smem:$0x3FBB]  }
0x39: {  	_ = 	snop;
	(pc) =	sbr.ind lr, $3  }
0x3a: {  	_ = 	snop  }
0x3b: {  	_ = 	snop  }
0x3c: {  	p2 =	seq.s32 s10, $0x1;
	s10 =	sld [smem:$0x3FBA]  }
0x3d: {  	_ =	shalt  }
0x3e: {  	_ =	shalt  }
0x3f: {  	_ =	shalt  }
0x40: {  	_ =	shalt  }
0x41: {  	_ =	shalt  }
0x42: {  	_ =	shalt  }
0x43: {  	_ =	shalt  }
0x44: {  	_ =	shalt  }
0x45: {  	_ =	shalt  }
0x46: {  	_ =	shalt  }
0x47: {  	_ =	shalt  }
0x48: {  	_ =	shalt  }
0x49: {  	_ =	shalt  }
0x4a: {  	_ =	shalt  }
0x4b: {  	_ =	shalt  }
0x4c: {  	_ =	shalt  }
0x4d: {  	_ =	shalt  }
0x4e: {  	_ =	shalt  }
0x4f: {  	_ =	shalt  }
0x50: {  	_ =	shalt  }
0x51: {  	_ =	shalt  }
0x52: {  	_ =	shalt  }
0x53: {  	_ =	shalt  }
0x54: {  	_ =	shalt  }
0x55: {  	_ =	shalt  }
0x56: {  	_ =	shalt  }
0x57: {  	_ =	shalt  }
0x58: {  	_ =	shalt  }
0x59: {  	_ =	shalt  }
0x5a: {  	_ =	shalt  }
0x5b: {  	_ =	shalt  }
0x5c: {  	_ =	shalt  }
0x5d: {  	_ =	shalt  }
0x5e: {  	_ =	shalt  }
0x5f: {  	_ =	shalt  }
0x60: {  	_ =	shalt  }
0x61: {  	_ =	shalt  }
0x62: {  	_ =	shalt  }
0x63: {  	_ =	shalt  }
0x64: {  	_ =	shalt  }
0x65: {  	_ =	shalt  }
0x66: {  	_ =	shalt  }
0x67: {  	_ =	shalt  }
0x68: {  	_ =	shalt  }
0x69: {  	_ =	shalt  }
0x6a: {  	_ =	shalt  }
0x6b: {  	_ =	shalt  }
0x6c: {  	_ =	shalt  }
0x6d: {  	_ =	shalt  }
0x6e: {  	_ =	shalt  }
0x6f: {  	_ =	shalt  }
0x70: {  	_ =	shalt  }
0x71: {  	_ =	shalt  }
0x72: {  	_ =	shalt  }
0x73: {  	_ =	shalt  }
0x74: {  	_ =	shalt  }
0x75: {  	_ =	shalt  }
0x76: {  	_ =	shalt  }
0x77: {  	_ =	shalt  }
0x78: {  	_ =	shalt  }
0x79: {  	_ =	shalt  }
0x7a: {  	_ =	shalt  }
0x7b: {  	_ =	shalt  }
0x7c: {  	_ =	shalt  }
0x7d: {  	_ =	shalt  }
0x7e: {  	_ =	shalt  }
0x7f: {  	_ =	shalt  }
0x80: {  	_ =	shalt  }
0x81: {  	_ =	shalt  }
0x82: {  	_ =	shalt  }
0x83: {  	_ =	shalt  }
0x84: {  	_ =	shalt  }
0x85: {  	_ =	shalt  }
0x86: {  	_ =	shalt  }
0x87: {  	_ =	shalt  }
.Lfunc_end0:
.L_simem_size_0:
called_computation_lowered:
.L_overlay_start_0:
0x88: {  	s2 =	sld [smem:$0x3FD9]  }
0x89: {  	s3 =	sld [smem:$0x3FFE];
	_ =	sdelay $0x1  }
0x8a: {  	s1 =	srdreg.scid  }
0x8b: {  	s0 =	sand.u32 $0x1, s1  }
0x8c: {  	s17 =	sshll.u32 s0, $0xA;
	s2 =	sadd.s32 s3, s2  }
0x8d: {  	s2 =	sadd.s32 s2, s17  }
0x8e: {  	[smem:$0x3FC6] =	sst s2  }
0x8f: {  	_ = 	snop  }
0x90: {  	s2 =	sld [smem:$0x3FC8]  }
0x91: {  	s18 =	sld [smem:$0x3FD0];
	(tm) =	ssettm $0x1  }
0x92: {  	s4 =	sld [smem:$0x3FFB];
	_ =	sdelay $0x3  }
0x93: {  	_ =	strace s4  }
0x94: {  	s4 =	sld [smem:$0x3FFC];
	_ =	sdelay $0x3  }
0x95: {  	_ =	strace s4  }
0x96: {  	s4 =	sld [smem:$0x3FFD];
	_ =	sdelay $0x3  }
0x97: {  	_ =	strace s4  }
0x98: {  	_ =	strace $0x8FFFFFFF  }
0x99: {  	s19 =	sld [smem:$0x3FDB];
	_ =	sdelay $0x1  }
0x9a: {  	s5 =	simm.s32 $_scs_section_size  }
0x9b: {  	s6 =	simm.s32 $_size__tile_overlayer_lowered;
	s7 =	simm.s32 $_tile_overlayer_lowered  }
0x9c: {  	s22 =	simm.s32 $0x1BFF;
	s21 =	sshll.u32 s7, $0x1;
	s4 =	sadd.s32 s5, s19  }
0x9d: {  	s8 =	simm.s32 $0x0;
	s20 =	sshll.u32 s6, $0x1;
	s6 =	sadd.s32 s21, s4  }
0x9e: {  	[timem:s8], [sflag:s22] =	dma.local [hbm:s6], s20  }
0x9f: {  	_ =	swait.ge [sflag:s22], s20  }
0xa0: {  	s5 =	ssub.s32 $0x0, s20;
	[sflag:s22] =	ssyncset.done $0x0  }
0xa1: {  	[sflag:s22] =	ssyncadd.s32 s5;
	_ =	sdelay $0x1  }
0xa2: {  	s23 =	simm.s32 $0x1B8B  }
0xa3: {  	_ =	swait.ge [sflag:s23], $0x1  }
0xa4: {  	[sflag:s23] =	ssyncset.done $0x0  }
0xa5: {  	s25 =	simm.s32 $0x1B8E;
	s24 =	sld [smem:$0x3FFE];
	[sflag:s23] =	ssyncadd.s32 $0xFFFFFFFF  }
0xa6: {  	s26 =	simm.s32 $execute0_lowered;
	[smem:$0x3FD2] =	sst s25  }
0xa7: {  	s6 =	sshll.u32 s26, $0x1;
	_ =	strace $0x80000046;
	[dreg:$0x1] =	wrdreg $0xFFFFFFFF  }
0xa8: {  	s28 =	simm.s32 $_size_execute0_lowered;
	s4 =	sadd.s32 s4, s6;
	[dreg:$0x0] =	wrdreg $0x0  }
0xa9: {  	s6 =	sshll.u32 s28, $0x1;
	[dreg:$0x2] =	wrdreg s4  }
0xaa: {  	[dreg:$0x3] =	wrdreg s6  }
0xab: {  	[dreg:$0x4] =	wrdreg $0xC0  }
0xac: {  	_ =	task [dreg:s8], $0x5FFFF  }
0xad: {  	[dreg:$0x1] =	wrdreg $0xFFFFFFFF  }
0xae: {  	[dreg:$0x0] =	wrdreg $0x60  }
0xaf: {  	[dreg:$0x2] =	wrdreg s24  }
0xb0: {  	[dreg:$0x3] =	wrdreg s2  }
0xb1: {  	[dreg:$0x4] =	wrdreg s18  }
0xb2: {  	[dreg:$0x5] =	wrdreg $0x9  }
0xb3: {  	_ =	task.clear_ibuf [dreg:s8], $0x6FFFF;
	_ =	strace $0x90000046  }
0xb4: {  	s29 =	simm.s32 $0x9;
	_ =	strace $0x80000048  }
0xb5: {  	_ =	swait.ge [sflag:s29], $0x1  }
0xb6: {  	[sflag:s29] =	ssyncadd.s32 $0xFFFFFFFF  }
0xb7: {  	_ =	strace $0x90000048  }
0xb8: {  	_ =	sfence  }
0xb9: {  	s30 =	sld [smem:$0x0];
	_ =	sdelay $0x2  }
0xba: {  	s31 =	sshll.u32 s1, $0xD;
	s1 =	sshrl.u32 s1, $0x2  }
0xbb: {  	s3 =	sand.u32 $0x4000, s31;
	s1 =	sadd.s32 s1, s30  }
0xbc: {  	s0 =	sor.u32 s3, s0;
	s1 =	sshll.u32 s1, $0x11  }
0xbd: {  	s0 =	sor.u32 s1, s0  }
0xbe: {  	s0 =	sadd.s32 $0x8F2B, s0  }
0xbf: {  	[sflag:s0] =	ssyncadd.remote.s32 $0x1  }
0xc0: {  	_ =	sfence.sel $0xFFFF  }
0xc1: {  	[dreg:$0x0] =	wrdreg $0xFFFFFFFF;
	(pc) =	sbr.abs _section_cstart, $3  }
0xc2: {  	[dreg:$0x1] =	wrdreg $0xFFFFFFFF  }
0xc3: {  	_ =	task.clear_ibuf [dreg:s8], $0x2FFFF;
	_ =	strace $0x9FFFFFFF  }
0xc4: {  	(tm) =	ssettm $0x7FFFFFFF  }
0xc5: {  	_ =	shalt  }
tec
execute0_lowered:
.L_overlay_start_1:
0x0: {  	(tag) =	ssettag $0x1  }
0x1: {  	s0 =	rddreg [dreg:$0x0]  }
0x2: {  	s1 =	rddreg [dreg:$0x1]  }
0x3: {  	s3 =	rddreg [dreg:$0x2]  }
0x4: {  	s2 =	srdreg.scid;
	s4 =	simm.s32 $0x0;
	s5 =	stileid.u32  }
0x5: {  	s17 =	simm.s32 $0xA;
	s18 =	simm.s32 $0x80;
	s19 =	simm.s32 $0x400  }
0x6: {  	s20 =	simm.s32 $0x100;
	s21 =	simm.s32 $0x200;
	s28 =	simm.s32 $0x2  }
0x7: {  	s29 =	simm.s32 $0x4;
	s30 =	simm.s32 $0x7;
	s31 =	simm.s32 $0x3  }
0x8: {  	s16 =	simm.s32 $0x6;
	s2 =	sand.u32 $0x1, s2;
	[smem:$0x7FF] =	sst s4  }
0x9: {  	s5 =	sshll.u32 s5, $0x8;
	s6 =	sshll.u32 s2, $0x7;
	_ =	strace $0x80000047  }
0xa: {  	s2 =	ssub.s32 $0x2, s2;
	s5 =	sor.u32 s6, s5;
	s6 =	sadd.s32 $0x600, s0  }
0xb: {  	s0 =	sadd.s32 $0x20600, s0;
	s22 =	sshrl.u32 s2, $0x1;
	s7 =	smul.u32 $0x6400, s5  }
0xc: {  	[dreg:$0x4] =	wrdreg s0;
	s8 =	sshll.u32 s5, $0x5;
	s0 =	ssub.s32 s2, s22  }
0xd: {  	s11 =	sor.u32 $0x1, s5;
	s12 =	sor.u32 $0x2, s5;
	s8 =	sadd.s32 s6, s8  }
0xe: {  	s22 =	simm.s32 $0xC8;
	s0 =	smax.u32 s0, $0x1;
	[dreg:$0x5] =	wrdreg s8  }
0xf: {  	s23 =	sshrl.u32 s7, $0x3;
	s24 =	sadd.s32 $0x10, s8;
	[dreg:$0xa] =	wrdreg s0  }
0x10: {  	s25 =	sadd.s32 $0x20, s8;
	s0 =	simm.s32 $0x5;
	[dreg:$0x6] =	wrdreg s24  }
0x11: {  	s7 =	simm.s32 $0x0;
	[dreg:$0x7] =	wrdreg s25;
	s2 =	sadd.s32 s3, s23  }
0x12: {  	s23 =	simm.s32 $0x300;
	s24 =	simm.s32 $0x6700;
	s26 =	sadd.s32 $0x62700, s2  }
0x13: {  	s25 =	simm.s32 $0x1;
	s2 =	sadd.s32 $0x63380, s2;
	[dreg:$0x8] =	wrdreg s26  }
0x14: {  	[dreg:$0x9] =	wrdreg s2;
	s26 =	simm.s32 $0xCB00;
	s2 =	simm.s32 $0x8  }
.LBB2_1:
0x15: {  	s8 =	rddreg [dreg:$0x4];
	s9 =	simm.s32 $0x12F00  }
0x16: {  	[tilespmem:s9], [sflag:$0xA] =	stream.linear.gather [hbm4b:s8+s4], $0x6400, $0x38;
	[tilespmem:$0x19300] =	vst v63  }
0x17: {  	_ =	swait.ge [sflag:s17], $0x6400  }
0x18: {  	[sflag:s17] =	ssyncset.done $0x0  }
0x19: {  	s13 =	rddreg [dreg:$0x5];
	[sflag:s17] =	ssyncadd.s32 $0xFFFF9C00  }
0x1a: {  	[tilespmem:s4], [sflag:$0xA] =	stream.strided.gather [hbm4b:s13+s18], $0x100, s19, s18, $0x38;
	[tilespmem:$0x19300] =	vst v63  }
0x1b: {  	_ =	swait.ge [sflag:s17], $0x100  }
0x1c: {  	[sflag:s17] =	ssyncset.done $0x0  }
0x1d: {  	s14 =	rddreg [dreg:$0x6];
	[sflag:s17] =	ssyncadd.s32 $0xFFFFFF00  }
0x1e: {  	[tilespmem:s20], [sflag:$0xA] =	stream.strided.gather [hbm4b:s14+s18], $0x100, s19, s18, $0x38;
	[tilespmem:$0x19300] =	vst v63  }
0x1f: {  	_ =	swait.ge [sflag:s17], $0x100  }
0x20: {  	[sflag:s17] =	ssyncset.done $0x0  }
0x21: {  	s15 =	rddreg [dreg:$0x7];
	[sflag:s17] =	ssyncadd.s32 $0xFFFFFF00  }
0x22: {  	[tilespmem:s21], [sflag:$0xA] =	stream.strided.gather [hbm4b:s15+s18], $0x100, s19, s18, $0x38;
	[tilespmem:$0x19300] =	vst v63  }
0x23: {  	_ =	swait.ge [sflag:s17], $0x100  }
0x24: {  	[sflag:s17] =	ssyncset.done $0x0  }
0x25: {  	[sflag:s17] =	ssyncadd.s32 $0xFFFFFF00  }
0x26: {  	[tilespmem:s23], [sflag:$0x1] =	stream.indirect.gather [hbm4b:s1+s22], $0x80, s4, s22, $0xb8;
	[tilespmem:$0x19300] =	vst v63  }
0x27: {  	s9 =	simm.s32 $0x0  }
0x28: {  	[tilespmem:s24], [sflag:$0x2] =	stream.indirect.gather [hbm4b:s1+s22], $0x80, s20, s22, $0xb8;
	[tilespmem:$0x19300] =	vst v63  }
.LBB2_2:
0x29: {  	s10 =	smul.u32 $0x3, s9;
	_ =	sdelay $0x1  }
0x2a: {  	s13 =	sadd.s32 $0x3, s10  }
0x2b: {  	s14 =	sadd.s32 s5, s13;
	s13 =	sshll.u32 s13, $0x4  }
0x2c: {  	_ =	swait.ge [sflag:s25], $0x6400;
	s14 =	sshll.u32 s14, $0x5;
	s13 =	sand.u32 $0x70, s13  }
0x2d: {  	[sflag:s25] =	ssyncset.done $0x0;
	s14 =	sand.u32 $0x3FF00, s14;
	s13 =	sadd.s32 s6, s13  }
0x2e: {  	s15 =	simm.s32 $0x0;
	[sflag:s25] =	ssyncadd.s32 $0xFFFF9C00;
	s13 =	sadd.s32 s14, s13  }
0x2f: {  	[tilespmem:s15], [sflag:$0x7] =	stream.strided.gather [hbm4b:s13+s18], $0x100, s19, s18, $0x38;
	[tilespmem:$0x19300] =	vst v63  }
0x30: {  	s13 =	simm.s32 $0x0  }
0x31: {  	v0 =	vld [tilespmem:s13+$0x130F0]  }
0x32: {  	v1 =	vld [tilespmem:s13+$0x12F00]  }
0x33: {  	v2 =	vld [tilespmem:s13+$0x12F10]  }
0x34: {  	v3 =	vld [tilespmem:s13+$0x12F20]  }
0x35: {  	v4 =	vld [tilespmem:s13+$0x12F30]  }
0x36: {  	v5 =	vld [tilespmem:s13+$0x12F40]  }
0x37: {  	v6 =	vld [tilespmem:s13+$0x12F50]  }
0x38: {  	v7 =	vld [tilespmem:s13+$0x12F60]  }
0x39: {  	v8 =	vld [tilespmem:s13+$0x12F70]  }
0x3a: {  	v9 =	vld [tilespmem:s13+$0x12F80]  }
0x3b: {  	v10 =	vld [tilespmem:s13+$0x12F90]  }
0x3c: {  	v11 =	vld [tilespmem:s13+$0x12FA0]  }
0x3d: {  	v12 =	vld [tilespmem:s13+$0x12FB0]  }
0x3e: {  	v13 =	vld [tilespmem:s13+$0x12FC0]  }
0x3f: {  	v14 =	vld [tilespmem:s13+$0x12FD0]  }
0x40: {  	v15 =	vld [tilespmem:s13+$0x12FE0]  }
0x41: {  	v16 =	vld [tilespmem:s13+$0x12FF0]  }
0x42: {  	v17 =	vld [tilespmem:s13+$0x13000]  }
0x43: {  	v18 =	vld [tilespmem:s13+$0x13010]  }
0x44: {  	v19 =	vld [tilespmem:s13+$0x13020]  }
0x45: {  	v20 =	vld [tilespmem:s13+$0x13030]  }
0x46: {  	v21 =	vld [tilespmem:s13+$0x13040]  }
0x47: {  	v22 =	vld [tilespmem:s13+$0x13050]  }
0x48: {  	v23 =	vld [tilespmem:s13+$0x13060]  }
0x49: {  	v24 =	vld [tilespmem:s13+$0x13070]  }
0x4a: {  	v25 =	vld [tilespmem:s13+$0x13080]  }
0x4b: {  	v26 =	vld [tilespmem:s13+$0x13090]  }
0x4c: {  	v27 =	vld [tilespmem:s13+$0x130A0]  }
0x4d: {  	v28 =	vld [tilespmem:s13+$0x130B0]  }
0x4e: {  	v29 =	vld [tilespmem:s13+$0x130C0]  }
0x4f: {  	v30 =	vld [tilespmem:s13+$0x130D0]  }
0x50: {  	[tilespmem:s13+$0x4F0] =	vst.add.f32.msk $0xffff, v0  }
0x51: {  	v0 =	vld [tilespmem:s13+$0x130E0]  }
0x52: {  	[tilespmem:s13+$0x300] =	vst.add.f32.msk $0xffff, v1  }
0x53: {  	[tilespmem:s13+$0x310] =	vst.add.f32.msk $0xffff, v2  }
0x54: {  	[tilespmem:s13+$0x320] =	vst.add.f32.msk $0xffff, v3  }
0x55: {  	[tilespmem:s13+$0x330] =	vst.add.f32.msk $0xffff, v4  }
0x56: {  	[tilespmem:s13+$0x340] =	vst.add.f32.msk $0xffff, v5  }
0x57: {  	[tilespmem:s13+$0x350] =	vst.add.f32.msk $0xffff, v6  }
0x58: {  	[tilespmem:s13+$0x360] =	vst.add.f32.msk $0xffff, v7  }
0x59: {  	[tilespmem:s13+$0x370] =	vst.add.f32.msk $0xffff, v8  }
0x5a: {  	[tilespmem:s13+$0x380] =	vst.add.f32.msk $0xffff, v9  }
0x5b: {  	[tilespmem:s13+$0x390] =	vst.add.f32.msk $0xffff, v10  }
0x5c: {  	[tilespmem:s13+$0x3A0] =	vst.add.f32.msk $0xffff, v11  }
0x5d: {  	[tilespmem:s13+$0x3B0] =	vst.add.f32.msk $0xffff, v12  }
0x5e: {  	[tilespmem:s13+$0x3C0] =	vst.add.f32.msk $0xffff, v13  }
0x5f: {  	[tilespmem:s13+$0x3D0] =	vst.add.f32.msk $0xffff, v14  }
0x60: {  	[tilespmem:s13+$0x3E0] =	vst.add.f32.msk $0xffff, v15  }
0x61: {  	[tilespmem:s13+$0x3F0] =	vst.add.f32.msk $0xffff, v16  }
0x62: {  	[tilespmem:s13+$0x400] =	vst.add.f32.msk $0xffff, v17  }
0x63: {  	[tilespmem:s13+$0x410] =	vst.add.f32.msk $0xffff, v18  }
0x64: {  	[tilespmem:s13+$0x420] =	vst.add.f32.msk $0xffff, v19  }
0x65: {  	[tilespmem:s13+$0x430] =	vst.add.f32.msk $0xffff, v20  }
0x66: {  	[tilespmem:s13+$0x440] =	vst.add.f32.msk $0xffff, v21  }
0x67: {  	[tilespmem:s13+$0x450] =	vst.add.f32.msk $0xffff, v22  }
0x68: {  	[tilespmem:s13+$0x460] =	vst.add.f32.msk $0xffff, v23  }
0x69: {  	[tilespmem:s13+$0x470] =	vst.add.f32.msk $0xffff, v24  }
0x6a: {  	[tilespmem:s13+$0x480] =	vst.add.f32.msk $0xffff, v25  }
0x6b: {  	[tilespmem:s13+$0x490] =	vst.add.f32.msk $0xffff, v26  }
0x6c: {  	[tilespmem:s13+$0x4A0] =	vst.add.f32.msk $0xffff, v27  }
0x6d: {  	[tilespmem:s13+$0x4B0] =	vst.add.f32.msk $0xffff, v28  }
0x6e: {  	[tilespmem:s13+$0x4C0] =	vst.add.f32.msk $0xffff, v29  }
0x6f: {  	s14 =	simm.s32 $0x0;
	s15 =	simm.s32 $0x800;
	[tilespmem:s13+$0x4D0] =	vst.add.f32.msk $0xffff, v30  }
.LBB2_3:
0x70: {  	s14 =	sadd.s32 $0x4, s14;
	[tilespmem:s13+$0x4E0] =	vst.add.f32.msk $0xffff, v0;
	s13 =	sshra.s32 s15, $0x2  }
0x71: {  	v0 =	vld [tilespmem:s13+$0x130F0];
	p0 =	slt.u32 s14, $0xC4  }
0x72: {  	v1 =	vld [tilespmem:s13+$0x12F00]  }
0x73: {  	v2 =	vld [tilespmem:s13+$0x12F10]  }
0x74: {  	v3 =	vld [tilespmem:s13+$0x12F20]  }
0x75: {  	v4 =	vld [tilespmem:s13+$0x12F30]  }
0x76: {  	[tilespmem:s13+$0x4F0] =	vst.add.f32.msk $0xffff, v0  }
0x77: {  	v5 =	vld [tilespmem:s13+$0x12F40]  }
0x78: {  	v6 =	vld [tilespmem:s13+$0x12F50]  }
0x79: {  	v7 =	vld [tilespmem:s13+$0x12F60]  }
0x7a: {  	v8 =	vld [tilespmem:s13+$0x12F70]  }
0x7b: {  	v9 =	vld [tilespmem:s13+$0x12F80]  }
0x7c: {  	v10 =	vld [tilespmem:s13+$0x12F90]  }
0x7d: {  	v11 =	vld [tilespmem:s13+$0x12FA0]  }
0x7e: {  	v12 =	vld [tilespmem:s13+$0x12FB0]  }
0x7f: {  	v13 =	vld [tilespmem:s13+$0x12FC0]  }
0x80: {  	v14 =	vld [tilespmem:s13+$0x12FD0]  }
0x81: {  	v15 =	vld [tilespmem:s13+$0x12FE0]  }
0x82: {  	v16 =	vld [tilespmem:s13+$0x12FF0]  }
0x83: {  	v17 =	vld [tilespmem:s13+$0x13000]  }
0x84: {  	v18 =	vld [tilespmem:s13+$0x13010]  }
0x85: {  	v19 =	vld [tilespmem:s13+$0x13020]  }
0x86: {  	v20 =	vld [tilespmem:s13+$0x13030]  }
0x87: {  	v21 =	vld [tilespmem:s13+$0x13040]  }
0x88: {  	v22 =	vld [tilespmem:s13+$0x13050]  }
0x89: {  	v23 =	vld [tilespmem:s13+$0x13060]  }
0x8a: {  	v24 =	vld [tilespmem:s13+$0x13070]  }
0x8b: {  	v25 =	vld [tilespmem:s13+$0x13080]  }
0x8c: {  	v26 =	vld [tilespmem:s13+$0x13090]  }
0x8d: {  	v27 =	vld [tilespmem:s13+$0x130A0]  }
0x8e: {  	v28 =	vld [tilespmem:s13+$0x130B0]  }
0x8f: {  	v29 =	vld [tilespmem:s13+$0x130C0]  }
0x90: {  	v30 =	vld [tilespmem:s13+$0x130D0]  }
0x91: {  	v0 =	vld [tilespmem:s13+$0x130E0]  }
0x92: {  	[tilespmem:s13+$0x300] =	vst.add.f32.msk $0xffff, v1  }
0x93: {  	[tilespmem:s13+$0x310] =	vst.add.f32.msk $0xffff, v2  }
0x94: {  	[tilespmem:s13+$0x320] =	vst.add.f32.msk $0xffff, v3  }
0x95: {  	[tilespmem:s13+$0x330] =	vst.add.f32.msk $0xffff, v4  }
0x96: {  	[tilespmem:s13+$0x340] =	vst.add.f32.msk $0xffff, v5  }
0x97: {  	[tilespmem:s13+$0x350] =	vst.add.f32.msk $0xffff, v6  }
0x98: {  	[tilespmem:s13+$0x360] =	vst.add.f32.msk $0xffff, v7  }
0x99: {  	[tilespmem:s13+$0x370] =	vst.add.f32.msk $0xffff, v8  }
0x9a: {  	[tilespmem:s13+$0x380] =	vst.add.f32.msk $0xffff, v9  }
0x9b: {  	[tilespmem:s13+$0x390] =	vst.add.f32.msk $0xffff, v10  }
0x9c: {  	[tilespmem:s13+$0x3A0] =	vst.add.f32.msk $0xffff, v11  }
0x9d: {  	[tilespmem:s13+$0x3B0] =	vst.add.f32.msk $0xffff, v12  }
0x9e: {  	[tilespmem:s13+$0x3C0] =	vst.add.f32.msk $0xffff, v13  }
0x9f: {  	[tilespmem:s13+$0x3D0] =	vst.add.f32.msk $0xffff, v14  }
0xa0: {  	[tilespmem:s13+$0x3E0] =	vst.add.f32.msk $0xffff, v15  }
0xa1: {  	[tilespmem:s13+$0x3F0] =	vst.add.f32.msk $0xffff, v16  }
0xa2: {  	[tilespmem:s13+$0x400] =	vst.add.f32.msk $0xffff, v17  }
0xa3: {  	[tilespmem:s13+$0x410] =	vst.add.f32.msk $0xffff, v18  }
0xa4: {  	[tilespmem:s13+$0x420] =	vst.add.f32.msk $0xffff, v19  }
0xa5: {  	[tilespmem:s13+$0x430] =	vst.add.f32.msk $0xffff, v20  }
0xa6: {  	[tilespmem:s13+$0x440] =	vst.add.f32.msk $0xffff, v21  }
0xa7: {  	[tilespmem:s13+$0x450] =	vst.add.f32.msk $0xffff, v22  }
0xa8: {  	[tilespmem:s13+$0x460] =	vst.add.f32.msk $0xffff, v23  }
0xa9: {  	[tilespmem:s13+$0x470] =	vst.add.f32.msk $0xffff, v24  }
0xaa: {  	[tilespmem:s13+$0x480] =	vst.add.f32.msk $0xffff, v25  }
.Ltmp0:
0xab: {  	[tilespmem:s13+$0x490] =	vst.add.f32.msk $0xffff, v26;
	(pc) =	sbr.rel @p0 .LBB2_3-.Ltmp0, $4  }
0xac: {  	[tilespmem:s13+$0x4A0] =	vst.add.f32.msk $0xffff, v27  }
0xad: {  	[tilespmem:s13+$0x4B0] =	vst.add.f32.msk $0xffff, v28  }
0xae: {  	[tilespmem:s13+$0x4C0] =	vst.add.f32.msk $0xffff, v29  }
0xaf: {  	s15 =	sadd.s32 $0x800, s15;
	[tilespmem:s13+$0x4D0] =	vst.add.f32.msk $0xffff, v30  }
0xb0: {  	s14 =	sadd.s32 s5, s10  }
0xb1: {  	s14 =	smul.u32 $0xC80, s14  }
0xb2: {  	p0 =	seq.s32 s9, $0x0  }
0xb3: {  	[tilespmem:s13+$0x4E0] =	vst.add.f32.msk $0xffff, v0;
	s13 =	simm.s32 @!p0 $0x6;
	s8 =	sadd.s32 s3, s14  }
0xb4: {  	[hbm4b:s8+s4] =	stream.linear.scatter [tilespmem:s23], [sflag:$0x4], $0x6400, $0x38;
	[tilespmem:$0x19300] =	vst v63  }
0xb5: {  	_ =	swait.ge @!p0 [sflag:s13], $0x6400  }
0xb6: {  	[sflag:s13] =	ssyncset.done @!p0 $0x0  }
0xb7: {  	[sflag:s13] =	ssyncadd.s32 @!p0 $0xFFFF9C00;
	s13 =	simm.s32 @!p0 $0x9  }
0xb8: {  	_ =	swait.ge @!p0 [sflag:s13], $0x100  }
0xb9: {  	s14 =	sadd.s32 $0x4, s10;
	[sflag:s13] =	ssyncset.done @!p0 $0x0  }
0xba: {  	s15 =	sadd.s32 s5, s14;
	[sflag:s13] =	ssyncadd.s32 @!p0 $0xFFFFFF00;
	s13 =	sshll.u32 s14, $0x4  }
0xbb: {  	[tilespmem:s26], [sflag:$0x3] =	stream.indirect.gather [hbm4b:s1+s22], $0x80, s21, s22, $0xb8;
	[tilespmem:$0x19300] =	vst v63  }
0xbc: {  	s14 =	sshll.u32 s15, $0x5;
	s13 =	sand.u32 $0x70, s13;
	_ =	swait.ge [sflag:s28], $0x6400  }
0xbd: {  	s14 =	sand.u32 $0x3FF00, s14;
	s13 =	sadd.s32 s6, s13;
	[sflag:s28] =	ssyncset.done $0x0  }
0xbe: {  	s13 =	sadd.s32 s14, s13;
	[sflag:s28] =	ssyncadd.s32 $0xFFFF9C00  }
0xbf: {  	[tilespmem:s20], [sflag:$0x8] =	stream.strided.gather [hbm4b:s13+s18], $0x100, s19, s18, $0x38;
	[tilespmem:$0x19300] =	vst v63  }
0xc0: {  	s13 =	simm.s32 $0x0  }
0xc1: {  	v0 =	vld [tilespmem:s13+$0x130F0]  }
0xc2: {  	v1 =	vld [tilespmem:s13+$0x12F00]  }
0xc3: {  	v2 =	vld [tilespmem:s13+$0x12F10]  }
0xc4: {  	v3 =	vld [tilespmem:s13+$0x12F20]  }
0xc5: {  	v4 =	vld [tilespmem:s13+$0x12F30]  }
0xc6: {  	v5 =	vld [tilespmem:s13+$0x12F40]  }
0xc7: {  	v6 =	vld [tilespmem:s13+$0x12F50]  }
0xc8: {  	v7 =	vld [tilespmem:s13+$0x12F60]  }
0xc9: {  	v8 =	vld [tilespmem:s13+$0x12F70]  }
0xca: {  	v9 =	vld [tilespmem:s13+$0x12F80]  }
0xcb: {  	v10 =	vld [tilespmem:s13+$0x12F90]  }
0xcc: {  	v11 =	vld [tilespmem:s13+$0x12FA0]  }
0xcd: {  	v12 =	vld [tilespmem:s13+$0x12FB0]  }
0xce: {  	v13 =	vld [tilespmem:s13+$0x12FC0]  }
0xcf: {  	v14 =	vld [tilespmem:s13+$0x12FD0]  }
0xd0: {  	v15 =	vld [tilespmem:s13+$0x12FE0]  }
0xd1: {  	v16 =	vld [tilespmem:s13+$0x12FF0]  }
0xd2: {  	v17 =	vld [tilespmem:s13+$0x13000]  }
0xd3: {  	v18 =	vld [tilespmem:s13+$0x13010]  }
0xd4: {  	v19 =	vld [tilespmem:s13+$0x13020]  }
0xd5: {  	v20 =	vld [tilespmem:s13+$0x13030]  }
0xd6: {  	v21 =	vld [tilespmem:s13+$0x13040]  }
0xd7: {  	v22 =	vld [tilespmem:s13+$0x13050]  }
0xd8: {  	v23 =	vld [tilespmem:s13+$0x13060]  }
0xd9: {  	v24 =	vld [tilespmem:s13+$0x13070]  }
0xda: {  	v25 =	vld [tilespmem:s13+$0x13080]  }
0xdb: {  	v26 =	vld [tilespmem:s13+$0x13090]  }
0xdc: {  	v27 =	vld [tilespmem:s13+$0x130A0]  }
0xdd: {  	v28 =	vld [tilespmem:s13+$0x130B0]  }
0xde: {  	v29 =	vld [tilespmem:s13+$0x130C0]  }
0xdf: {  	v30 =	vld [tilespmem:s13+$0x130D0]  }
0xe0: {  	[tilespmem:s13+$0x68F0] =	vst.add.f32.msk $0xffff, v0  }
0xe1: {  	v0 =	vld [tilespmem:s13+$0x130E0]  }
0xe2: {  	[tilespmem:s13+$0x6700] =	vst.add.f32.msk $0xffff, v1  }
0xe3: {  	[tilespmem:s13+$0x6710] =	vst.add.f32.msk $0xffff, v2  }
0xe4: {  	[tilespmem:s13+$0x6720] =	vst.add.f32.msk $0xffff, v3  }
0xe5: {  	[tilespmem:s13+$0x6730] =	vst.add.f32.msk $0xffff, v4  }
0xe6: {  	[tilespmem:s13+$0x6740] =	vst.add.f32.msk $0xffff, v5  }
0xe7: {  	[tilespmem:s13+$0x6750] =	vst.add.f32.msk $0xffff, v6  }
0xe8: {  	[tilespmem:s13+$0x6760] =	vst.add.f32.msk $0xffff, v7  }
0xe9: {  	[tilespmem:s13+$0x6770] =	vst.add.f32.msk $0xffff, v8  }
0xea: {  	[tilespmem:s13+$0x6780] =	vst.add.f32.msk $0xffff, v9  }
0xeb: {  	[tilespmem:s13+$0x6790] =	vst.add.f32.msk $0xffff, v10  }
0xec: {  	[tilespmem:s13+$0x67A0] =	vst.add.f32.msk $0xffff, v11  }
0xed: {  	[tilespmem:s13+$0x67B0] =	vst.add.f32.msk $0xffff, v12  }
0xee: {  	[tilespmem:s13+$0x67C0] =	vst.add.f32.msk $0xffff, v13  }
0xef: {  	[tilespmem:s13+$0x67D0] =	vst.add.f32.msk $0xffff, v14  }
0xf0: {  	[tilespmem:s13+$0x67E0] =	vst.add.f32.msk $0xffff, v15  }
0xf1: {  	[tilespmem:s13+$0x67F0] =	vst.add.f32.msk $0xffff, v16  }
0xf2: {  	[tilespmem:s13+$0x6800] =	vst.add.f32.msk $0xffff, v17  }
0xf3: {  	[tilespmem:s13+$0x6810] =	vst.add.f32.msk $0xffff, v18  }
0xf4: {  	[tilespmem:s13+$0x6820] =	vst.add.f32.msk $0xffff, v19  }
0xf5: {  	[tilespmem:s13+$0x6830] =	vst.add.f32.msk $0xffff, v20  }
0xf6: {  	[tilespmem:s13+$0x6840] =	vst.add.f32.msk $0xffff, v21  }
0xf7: {  	[tilespmem:s13+$0x6850] =	vst.add.f32.msk $0xffff, v22  }
0xf8: {  	[tilespmem:s13+$0x6860] =	vst.add.f32.msk $0xffff, v23  }
0xf9: {  	[tilespmem:s13+$0x6870] =	vst.add.f32.msk $0xffff, v24  }
0xfa: {  	[tilespmem:s13+$0x6880] =	vst.add.f32.msk $0xffff, v25  }
0xfb: {  	[tilespmem:s13+$0x6890] =	vst.add.f32.msk $0xffff, v26  }
0xfc: {  	[tilespmem:s13+$0x68A0] =	vst.add.f32.msk $0xffff, v27  }
0xfd: {  	[tilespmem:s13+$0x68B0] =	vst.add.f32.msk $0xffff, v28  }
0xfe: {  	[tilespmem:s13+$0x68C0] =	vst.add.f32.msk $0xffff, v29  }
0xff: {  	s15 =	simm.s32 $0x800;
	s14 =	simm.s32 $0x0;
	[tilespmem:s13+$0x68D0] =	vst.add.f32.msk $0xffff, v30  }
.LBB2_5:
0x100: {  	s14 =	sadd.s32 $0x4, s14;
	[tilespmem:s13+$0x68E0] =	vst.add.f32.msk $0xffff, v0;
	s13 =	sshra.s32 s15, $0x2  }
0x101: {  	v0 =	vld [tilespmem:s13+$0x130F0];
	p0 =	slt.u32 s14, $0xC4  }
0x102: {  	v1 =	vld [tilespmem:s13+$0x12F00]  }
0x103: {  	v2 =	vld [tilespmem:s13+$0x12F10]  }
0x104: {  	v3 =	vld [tilespmem:s13+$0x12F20]  }
0x105: {  	v4 =	vld [tilespmem:s13+$0x12F30]  }
0x106: {  	[tilespmem:s13+$0x68F0] =	vst.add.f32.msk $0xffff, v0  }
0x107: {  	v5 =	vld [tilespmem:s13+$0x12F40]  }
0x108: {  	v6 =	vld [tilespmem:s13+$0x12F50]  }
0x109: {  	v7 =	vld [tilespmem:s13+$0x12F60]  }
0x10a: {  	v8 =	vld [tilespmem:s13+$0x12F70]  }
0x10b: {  	v9 =	vld [tilespmem:s13+$0x12F80]  }
0x10c: {  	v10 =	vld [tilespmem:s13+$0x12F90]  }
0x10d: {  	v11 =	vld [tilespmem:s13+$0x12FA0]  }
0x10e: {  	v12 =	vld [tilespmem:s13+$0x12FB0]  }
0x10f: {  	v13 =	vld [tilespmem:s13+$0x12FC0]  }
0x110: {  	v14 =	vld [tilespmem:s13+$0x12FD0]  }
0x111: {  	v15 =	vld [tilespmem:s13+$0x12FE0]  }
0x112: {  	v16 =	vld [tilespmem:s13+$0x12FF0]  }
0x113: {  	v17 =	vld [tilespmem:s13+$0x13000]  }
0x114: {  	v18 =	vld [tilespmem:s13+$0x13010]  }
0x115: {  	v19 =	vld [tilespmem:s13+$0x13020]  }
0x116: {  	v20 =	vld [tilespmem:s13+$0x13030]  }
0x117: {  	v21 =	vld [tilespmem:s13+$0x13040]  }
0x118: {  	v22 =	vld [tilespmem:s13+$0x13050]  }
0x119: {  	v23 =	vld [tilespmem:s13+$0x13060]  }
0x11a: {  	v24 =	vld [tilespmem:s13+$0x13070]  }
0x11b: {  	v25 =	vld [tilespmem:s13+$0x13080]  }
0x11c: {  	v26 =	vld [tilespmem:s13+$0x13090]  }
0x11d: {  	v27 =	vld [tilespmem:s13+$0x130A0]  }
0x11e: {  	v28 =	vld [tilespmem:s13+$0x130B0]  }
0x11f: {  	v29 =	vld [tilespmem:s13+$0x130C0]  }
0x120: {  	v30 =	vld [tilespmem:s13+$0x130D0]  }
0x121: {  	v0 =	vld [tilespmem:s13+$0x130E0]  }
0x122: {  	[tilespmem:s13+$0x6700] =	vst.add.f32.msk $0xffff, v1  }
0x123: {  	[tilespmem:s13+$0x6710] =	vst.add.f32.msk $0xffff, v2  }
0x124: {  	[tilespmem:s13+$0x6720] =	vst.add.f32.msk $0xffff, v3  }
0x125: {  	[tilespmem:s13+$0x6730] =	vst.add.f32.msk $0xffff, v4  }
0x126: {  	[tilespmem:s13+$0x6740] =	vst.add.f32.msk $0xffff, v5  }
0x127: {  	[tilespmem:s13+$0x6750] =	vst.add.f32.msk $0xffff, v6  }
0x128: {  	[tilespmem:s13+$0x6760] =	vst.add.f32.msk $0xffff, v7  }
0x129: {  	[tilespmem:s13+$0x6770] =	vst.add.f32.msk $0xffff, v8  }
0x12a: {  	[tilespmem:s13+$0x6780] =	vst.add.f32.msk $0xffff, v9  }
0x12b: {  	[tilespmem:s13+$0x6790] =	vst.add.f32.msk $0xffff, v10  }
0x12c: {  	[tilespmem:s13+$0x67A0] =	vst.add.f32.msk $0xffff, v11  }
0x12d: {  	[tilespmem:s13+$0x67B0] =	vst.add.f32.msk $0xffff, v12  }
0x12e: {  	[tilespmem:s13+$0x67C0] =	vst.add.f32.msk $0xffff, v13  }
0x12f: {  	[tilespmem:s13+$0x67D0] =	vst.add.f32.msk $0xffff, v14  }
0x130: {  	[tilespmem:s13+$0x67E0] =	vst.add.f32.msk $0xffff, v15  }
0x131: {  	[tilespmem:s13+$0x67F0] =	vst.add.f32.msk $0xffff, v16  }
0x132: {  	[tilespmem:s13+$0x6800] =	vst.add.f32.msk $0xffff, v17  }
0x133: {  	[tilespmem:s13+$0x6810] =	vst.add.f32.msk $0xffff, v18  }
0x134: {  	[tilespmem:s13+$0x6820] =	vst.add.f32.msk $0xffff, v19  }
0x135: {  	[tilespmem:s13+$0x6830] =	vst.add.f32.msk $0xffff, v20  }
0x136: {  	[tilespmem:s13+$0x6840] =	vst.add.f32.msk $0xffff, v21  }
0x137: {  	[tilespmem:s13+$0x6850] =	vst.add.f32.msk $0xffff, v22  }
0x138: {  	[tilespmem:s13+$0x6860] =	vst.add.f32.msk $0xffff, v23  }
0x139: {  	[tilespmem:s13+$0x6870] =	vst.add.f32.msk $0xffff, v24  }
0x13a: {  	[tilespmem:s13+$0x6880] =	vst.add.f32.msk $0xffff, v25  }
.Ltmp1:
0x13b: {  	[tilespmem:s13+$0x6890] =	vst.add.f32.msk $0xffff, v26;
	(pc) =	sbr.rel @p0 .LBB2_5-.Ltmp1, $4  }
0x13c: {  	[tilespmem:s13+$0x68A0] =	vst.add.f32.msk $0xffff, v27  }
0x13d: {  	[tilespmem:s13+$0x68B0] =	vst.add.f32.msk $0xffff, v28  }
0x13e: {  	[tilespmem:s13+$0x68C0] =	vst.add.f32.msk $0xffff, v29  }
0x13f: {  	s15 =	sadd.s32 $0x800, s15;
	[tilespmem:s13+$0x68D0] =	vst.add.f32.msk $0xffff, v30  }
0x140: {  	s14 =	sadd.s32 s10, s11  }
0x141: {  	s14 =	smul.u32 $0xC80, s14;
	_ =	sdelay $0x1  }
0x142: {  	[tilespmem:s13+$0x68E0] =	vst.add.f32.msk $0xffff, v0;
	s15 =	sadd.s32 s3, s14  }
0x143: {  	[hbm4b:s15+s4] =	stream.linear.scatter [tilespmem:s24], [sflag:$0x5], $0x6400, $0x38;
	[tilespmem:$0x19300] =	vst v63  }
0x144: {  	_ =	swait.ge [sflag:s29], $0x6400  }
0x145: {  	[sflag:s29] =	ssyncset.done $0x0  }
0x146: {  	p0 =	seq.s32 s9, $0x29;
	[sflag:s29] =	ssyncadd.s32 $0xFFFF9C00  }
0x147: {  	s13 =	sadd.s32 @!p0 $0x5, s10;
	_ =	swait.ge [sflag:s30], $0x100  }
0x148: {  	s8 =	simm.s32 @!p0 $0x200;
	s14 =	sadd.s32 @!p0 s5, s13;
	[sflag:s30] =	ssyncset.done $0x0  }
0x149: {  	s13 =	sshll.u32 @!p0 s13, $0x4;
	s14 =	sshll.u32 @!p0 s14, $0x5;
	[sflag:s30] =	ssyncadd.s32 $0xFFFFFF00  }
0x14a: {  	[tilespmem:s23], [sflag:$0x1] =	stream.indirect.gather [hbm4b:s1+s22], $0x80, s4, s22, $0xb8;
	[tilespmem:$0x19300] =	vst v63  }
0x14b: {  	s13 =	sand.u32 @!p0 $0x70, s13;
	s15 =	simm.s32 @!p0 $0x400;
	_ =	swait.ge [sflag:s31], $0x6400  }
0x14c: {  	s14 =	sand.u32 @!p0 $0x3FF00, s14;
	s13 =	sadd.s32 @!p0 s6, s13;
	[sflag:s31] =	ssyncset.done $0x0  }
0x14d: {  	s13 =	sadd.s32 @!p0 s14, s13;
	s14 =	simm.s32 @!p0 $0x80;
	[sflag:s31] =	ssyncadd.s32 $0xFFFF9C00  }
0x14e: {  	[tilespmem:s8], [sflag:$0x9] =	stream.strided.gather @!p0 [hbm4b:s13+s14], $0x100, s15, s14, $0x38;
	[tilespmem:$0x19300] =	vst v63  }
0x14f: {  	s13 =	simm.s32 $0x0  }
0x150: {  	v0 =	vld [tilespmem:s13+$0x130F0]  }
0x151: {  	v1 =	vld [tilespmem:s13+$0x12F00]  }
0x152: {  	v2 =	vld [tilespmem:s13+$0x12F10]  }
0x153: {  	v3 =	vld [tilespmem:s13+$0x12F20]  }
0x154: {  	v4 =	vld [tilespmem:s13+$0x12F30]  }
0x155: {  	v5 =	vld [tilespmem:s13+$0x12F40]  }
0x156: {  	v6 =	vld [tilespmem:s13+$0x12F50]  }
0x157: {  	v7 =	vld [tilespmem:s13+$0x12F60]  }
0x158: {  	v8 =	vld [tilespmem:s13+$0x12F70]  }
0x159: {  	v9 =	vld [tilespmem:s13+$0x12F80]  }
0x15a: {  	v10 =	vld [tilespmem:s13+$0x12F90]  }
0x15b: {  	v11 =	vld [tilespmem:s13+$0x12FA0]  }
0x15c: {  	v12 =	vld [tilespmem:s13+$0x12FB0]  }
0x15d: {  	v13 =	vld [tilespmem:s13+$0x12FC0]  }
0x15e: {  	v14 =	vld [tilespmem:s13+$0x12FD0]  }
0x15f: {  	v15 =	vld [tilespmem:s13+$0x12FE0]  }
0x160: {  	v16 =	vld [tilespmem:s13+$0x12FF0]  }
0x161: {  	v17 =	vld [tilespmem:s13+$0x13000]  }
0x162: {  	v18 =	vld [tilespmem:s13+$0x13010]  }
0x163: {  	v19 =	vld [tilespmem:s13+$0x13020]  }
0x164: {  	v20 =	vld [tilespmem:s13+$0x13030]  }
0x165: {  	v21 =	vld [tilespmem:s13+$0x13040]  }
0x166: {  	v22 =	vld [tilespmem:s13+$0x13050]  }
0x167: {  	v23 =	vld [tilespmem:s13+$0x13060]  }
0x168: {  	v24 =	vld [tilespmem:s13+$0x13070]  }
0x169: {  	v25 =	vld [tilespmem:s13+$0x13080]  }
0x16a: {  	v26 =	vld [tilespmem:s13+$0x13090]  }
0x16b: {  	v27 =	vld [tilespmem:s13+$0x130A0]  }
0x16c: {  	v28 =	vld [tilespmem:s13+$0x130B0]  }
0x16d: {  	v29 =	vld [tilespmem:s13+$0x130C0]  }
0x16e: {  	v30 =	vld [tilespmem:s13+$0x130D0]  }
0x16f: {  	[tilespmem:s13+$0xCCF0] =	vst.add.f32.msk $0xffff, v0  }
0x170: {  	v0 =	vld [tilespmem:s13+$0x130E0]  }
0x171: {  	[tilespmem:s13+$0xCB00] =	vst.add.f32.msk $0xffff, v1  }
0x172: {  	[tilespmem:s13+$0xCB10] =	vst.add.f32.msk $0xffff, v2  }
0x173: {  	[tilespmem:s13+$0xCB20] =	vst.add.f32.msk $0xffff, v3  }
0x174: {  	[tilespmem:s13+$0xCB30] =	vst.add.f32.msk $0xffff, v4  }
0x175: {  	[tilespmem:s13+$0xCB40] =	vst.add.f32.msk $0xffff, v5  }
0x176: {  	[tilespmem:s13+$0xCB50] =	vst.add.f32.msk $0xffff, v6  }
0x177: {  	[tilespmem:s13+$0xCB60] =	vst.add.f32.msk $0xffff, v7  }
0x178: {  	[tilespmem:s13+$0xCB70] =	vst.add.f32.msk $0xffff, v8  }
0x179: {  	[tilespmem:s13+$0xCB80] =	vst.add.f32.msk $0xffff, v9  }
0x17a: {  	[tilespmem:s13+$0xCB90] =	vst.add.f32.msk $0xffff, v10  }
0x17b: {  	[tilespmem:s13+$0xCBA0] =	vst.add.f32.msk $0xffff, v11  }
0x17c: {  	[tilespmem:s13+$0xCBB0] =	vst.add.f32.msk $0xffff, v12  }
0x17d: {  	[tilespmem:s13+$0xCBC0] =	vst.add.f32.msk $0xffff, v13  }
0x17e: {  	[tilespmem:s13+$0xCBD0] =	vst.add.f32.msk $0xffff, v14  }
0x17f: {  	[tilespmem:s13+$0xCBE0] =	vst.add.f32.msk $0xffff, v15  }
0x180: {  	[tilespmem:s13+$0xCBF0] =	vst.add.f32.msk $0xffff, v16  }
0x181: {  	[tilespmem:s13+$0xCC00] =	vst.add.f32.msk $0xffff, v17  }
0x182: {  	[tilespmem:s13+$0xCC10] =	vst.add.f32.msk $0xffff, v18  }
0x183: {  	[tilespmem:s13+$0xCC20] =	vst.add.f32.msk $0xffff, v19  }
0x184: {  	[tilespmem:s13+$0xCC30] =	vst.add.f32.msk $0xffff, v20  }
0x185: {  	[tilespmem:s13+$0xCC40] =	vst.add.f32.msk $0xffff, v21  }
0x186: {  	[tilespmem:s13+$0xCC50] =	vst.add.f32.msk $0xffff, v22  }
0x187: {  	[tilespmem:s13+$0xCC60] =	vst.add.f32.msk $0xffff, v23  }
0x188: {  	[tilespmem:s13+$0xCC70] =	vst.add.f32.msk $0xffff, v24  }
0x189: {  	[tilespmem:s13+$0xCC80] =	vst.add.f32.msk $0xffff, v25  }
0x18a: {  	[tilespmem:s13+$0xCC90] =	vst.add.f32.msk $0xffff, v26  }
0x18b: {  	[tilespmem:s13+$0xCCA0] =	vst.add.f32.msk $0xffff, v27  }
0x18c: {  	[tilespmem:s13+$0xCCB0] =	vst.add.f32.msk $0xffff, v28  }
0x18d: {  	[tilespmem:s13+$0xCCC0] =	vst.add.f32.msk $0xffff, v29  }
0x18e: {  	s14 =	simm.s32 $0x0;
	s15 =	simm.s32 $0x800;
	[tilespmem:s13+$0xCCD0] =	vst.add.f32.msk $0xffff, v30  }
.LBB2_7:
0x18f: {  	s14 =	sadd.s32 $0x4, s14;
	[tilespmem:s13+$0xCCE0] =	vst.add.f32.msk $0xffff, v0;
	s13 =	sshra.s32 s15, $0x2  }
0x190: {  	v0 =	vld [tilespmem:s13+$0x130F0];
	p0 =	slt.u32 s14, $0xC4  }
0x191: {  	v1 =	vld [tilespmem:s13+$0x12F00]  }
0x192: {  	v2 =	vld [tilespmem:s13+$0x12F10]  }
0x193: {  	v3 =	vld [tilespmem:s13+$0x12F20]  }
0x194: {  	v4 =	vld [tilespmem:s13+$0x12F30]  }
0x195: {  	[tilespmem:s13+$0xCCF0] =	vst.add.f32.msk $0xffff, v0  }
0x196: {  	v5 =	vld [tilespmem:s13+$0x12F40]  }
0x197: {  	v6 =	vld [tilespmem:s13+$0x12F50]  }
0x198: {  	v7 =	vld [tilespmem:s13+$0x12F60]  }
0x199: {  	v8 =	vld [tilespmem:s13+$0x12F70]  }
0x19a: {  	v9 =	vld [tilespmem:s13+$0x12F80]  }
0x19b: {  	v10 =	vld [tilespmem:s13+$0x12F90]  }
0x19c: {  	v11 =	vld [tilespmem:s13+$0x12FA0]  }
0x19d: {  	v12 =	vld [tilespmem:s13+$0x12FB0]  }
0x19e: {  	v13 =	vld [tilespmem:s13+$0x12FC0]  }
0x19f: {  	v14 =	vld [tilespmem:s13+$0x12FD0]  }
0x1a0: {  	v15 =	vld [tilespmem:s13+$0x12FE0]  }
0x1a1: {  	v16 =	vld [tilespmem:s13+$0x12FF0]  }
0x1a2: {  	v17 =	vld [tilespmem:s13+$0x13000]  }
0x1a3: {  	v18 =	vld [tilespmem:s13+$0x13010]  }
0x1a4: {  	v19 =	vld [tilespmem:s13+$0x13020]  }
0x1a5: {  	v20 =	vld [tilespmem:s13+$0x13030]  }
0x1a6: {  	v21 =	vld [tilespmem:s13+$0x13040]  }
0x1a7: {  	v22 =	vld [tilespmem:s13+$0x13050]  }
0x1a8: {  	v23 =	vld [tilespmem:s13+$0x13060]  }
0x1a9: {  	v24 =	vld [tilespmem:s13+$0x13070]  }
0x1aa: {  	v25 =	vld [tilespmem:s13+$0x13080]  }
0x1ab: {  	v26 =	vld [tilespmem:s13+$0x13090]  }
0x1ac: {  	v27 =	vld [tilespmem:s13+$0x130A0]  }
0x1ad: {  	v28 =	vld [tilespmem:s13+$0x130B0]  }
0x1ae: {  	v29 =	vld [tilespmem:s13+$0x130C0]  }
0x1af: {  	v30 =	vld [tilespmem:s13+$0x130D0]  }
0x1b0: {  	v0 =	vld [tilespmem:s13+$0x130E0]  }
0x1b1: {  	[tilespmem:s13+$0xCB00] =	vst.add.f32.msk $0xffff, v1  }
0x1b2: {  	[tilespmem:s13+$0xCB10] =	vst.add.f32.msk $0xffff, v2  }
0x1b3: {  	[tilespmem:s13+$0xCB20] =	vst.add.f32.msk $0xffff, v3  }
0x1b4: {  	[tilespmem:s13+$0xCB30] =	vst.add.f32.msk $0xffff, v4  }
0x1b5: {  	[tilespmem:s13+$0xCB40] =	vst.add.f32.msk $0xffff, v5  }
0x1b6: {  	[tilespmem:s13+$0xCB50] =	vst.add.f32.msk $0xffff, v6  }
0x1b7: {  	[tilespmem:s13+$0xCB60] =	vst.add.f32.msk $0xffff, v7  }
0x1b8: {  	[tilespmem:s13+$0xCB70] =	vst.add.f32.msk $0xffff, v8  }
0x1b9: {  	[tilespmem:s13+$0xCB80] =	vst.add.f32.msk $0xffff, v9  }
0x1ba: {  	[tilespmem:s13+$0xCB90] =	vst.add.f32.msk $0xffff, v10  }
0x1bb: {  	[tilespmem:s13+$0xCBA0] =	vst.add.f32.msk $0xffff, v11  }
0x1bc: {  	[tilespmem:s13+$0xCBB0] =	vst.add.f32.msk $0xffff, v12  }
0x1bd: {  	[tilespmem:s13+$0xCBC0] =	vst.add.f32.msk $0xffff, v13  }
0x1be: {  	[tilespmem:s13+$0xCBD0] =	vst.add.f32.msk $0xffff, v14  }
0x1bf: {  	[tilespmem:s13+$0xCBE0] =	vst.add.f32.msk $0xffff, v15  }
0x1c0: {  	[tilespmem:s13+$0xCBF0] =	vst.add.f32.msk $0xffff, v16  }
0x1c1: {  	[tilespmem:s13+$0xCC00] =	vst.add.f32.msk $0xffff, v17  }
0x1c2: {  	[tilespmem:s13+$0xCC10] =	vst.add.f32.msk $0xffff, v18  }
0x1c3: {  	[tilespmem:s13+$0xCC20] =	vst.add.f32.msk $0xffff, v19  }
0x1c4: {  	[tilespmem:s13+$0xCC30] =	vst.add.f32.msk $0xffff, v20  }
0x1c5: {  	[tilespmem:s13+$0xCC40] =	vst.add.f32.msk $0xffff, v21  }
0x1c6: {  	[tilespmem:s13+$0xCC50] =	vst.add.f32.msk $0xffff, v22  }
0x1c7: {  	[tilespmem:s13+$0xCC60] =	vst.add.f32.msk $0xffff, v23  }
0x1c8: {  	[tilespmem:s13+$0xCC70] =	vst.add.f32.msk $0xffff, v24  }
0x1c9: {  	[tilespmem:s13+$0xCC80] =	vst.add.f32.msk $0xffff, v25  }
.Ltmp2:
0x1ca: {  	[tilespmem:s13+$0xCC90] =	vst.add.f32.msk $0xffff, v26;
	(pc) =	sbr.rel @p0 .LBB2_7-.Ltmp2, $4  }
0x1cb: {  	[tilespmem:s13+$0xCCA0] =	vst.add.f32.msk $0xffff, v27  }
0x1cc: {  	[tilespmem:s13+$0xCCB0] =	vst.add.f32.msk $0xffff, v28  }
0x1cd: {  	[tilespmem:s13+$0xCCC0] =	vst.add.f32.msk $0xffff, v29  }
0x1ce: {  	s15 =	sadd.s32 $0x800, s15;
	[tilespmem:s13+$0xCCD0] =	vst.add.f32.msk $0xffff, v30  }
0x1cf: {  	s8 =	sadd.s32 s10, s12  }
0x1d0: {  	s8 =	smul.u32 $0xC80, s8;
	_ =	sdelay $0x1  }
0x1d1: {  	[tilespmem:s13+$0xCCE0] =	vst.add.f32.msk $0xffff, v0;
	s8 =	sadd.s32 s3, s8  }
0x1d2: {  	[hbm4b:s8+s4] =	stream.linear.scatter [tilespmem:s26], [sflag:$0x6], $0x6400, $0x38;
	[tilespmem:$0x19300] =	vst v63  }
0x1d3: {  	s9 =	sadd.s32 $0x1, s9;
	_ =	swait.ge [sflag:s0], $0x6400  }
0x1d4: {  	p0 =	sne.s32 s9, $0x2A;
	[sflag:s0] =	ssyncset.done $0x0  }
.Ltmp3:
0x1d5: {  	[sflag:s0] =	ssyncadd.s32 $0xFFFF9C00;
	(pc) =	sbr.rel @p0 .LBB2_2-.Ltmp3, $4  }
0x1d6: {  	_ =	swait.ge [sflag:s2], $0x100  }
0x1d7: {  	[sflag:s2] =	ssyncset.done $0x0  }
0x1d8: {  	[sflag:s2] =	ssyncadd.s32 $0xFFFFFF00  }
0x1d9: {  	[tilespmem:s24], [sflag:$0x2] =	stream.indirect.gather [hbm4b:s1+s22], $0x80, s20, s22, $0xb8;
	[tilespmem:$0x19300] =	vst v63  }
0x1da: {  	_ =	swait.ge [sflag:s25], $0x6400  }
0x1db: {  	[sflag:s25] =	ssyncset.done $0x0  }
0x1dc: {  	s9 =	simm.s32 $0x0;
	[sflag:s25] =	ssyncadd.s32 $0xFFFF9C00  }
0x1dd: {  	v0 =	vld [tilespmem:s9+$0x130F0]  }
0x1de: {  	v1 =	vld [tilespmem:s9+$0x12F00]  }
0x1df: {  	v2 =	vld [tilespmem:s9+$0x12F10]  }
0x1e0: {  	v3 =	vld [tilespmem:s9+$0x12F20]  }
0x1e1: {  	v4 =	vld [tilespmem:s9+$0x12F30]  }
0x1e2: {  	v5 =	vld [tilespmem:s9+$0x12F40]  }
0x1e3: {  	v6 =	vld [tilespmem:s9+$0x12F50]  }
0x1e4: {  	v7 =	vld [tilespmem:s9+$0x12F60]  }
0x1e5: {  	v8 =	vld [tilespmem:s9+$0x12F70]  }
0x1e6: {  	v9 =	vld [tilespmem:s9+$0x12F80]  }
0x1e7: {  	v10 =	vld [tilespmem:s9+$0x12F90]  }
0x1e8: {  	v11 =	vld [tilespmem:s9+$0x12FA0]  }
0x1e9: {  	v12 =	vld [tilespmem:s9+$0x12FB0]  }
0x1ea: {  	v13 =	vld [tilespmem:s9+$0x12FC0]  }
0x1eb: {  	v14 =	vld [tilespmem:s9+$0x12FD0]  }
0x1ec: {  	v15 =	vld [tilespmem:s9+$0x12FE0]  }
0x1ed: {  	v16 =	vld [tilespmem:s9+$0x12FF0]  }
0x1ee: {  	v17 =	vld [tilespmem:s9+$0x13000]  }
0x1ef: {  	v18 =	vld [tilespmem:s9+$0x13010]  }
0x1f0: {  	v19 =	vld [tilespmem:s9+$0x13020]  }
0x1f1: {  	v20 =	vld [tilespmem:s9+$0x13030]  }
0x1f2: {  	v21 =	vld [tilespmem:s9+$0x13040]  }
0x1f3: {  	v22 =	vld [tilespmem:s9+$0x13050]  }
0x1f4: {  	v23 =	vld [tilespmem:s9+$0x13060]  }
0x1f5: {  	v24 =	vld [tilespmem:s9+$0x13070]  }
0x1f6: {  	v25 =	vld [tilespmem:s9+$0x13080]  }
0x1f7: {  	v26 =	vld [tilespmem:s9+$0x13090]  }
0x1f8: {  	v27 =	vld [tilespmem:s9+$0x130A0]  }
0x1f9: {  	v28 =	vld [tilespmem:s9+$0x130B0]  }
0x1fa: {  	v29 =	vld [tilespmem:s9+$0x130C0]  }
0x1fb: {  	v30 =	vld [tilespmem:s9+$0x130D0]  }
0x1fc: {  	[tilespmem:s9+$0x4F0] =	vst.add.f32.msk $0xffff, v0  }
0x1fd: {  	v0 =	vld [tilespmem:s9+$0x130E0]  }
0x1fe: {  	[tilespmem:s9+$0x300] =	vst.add.f32.msk $0xffff, v1  }
0x1ff: {  	[tilespmem:s9+$0x310] =	vst.add.f32.msk $0xffff, v2  }
0x200: {  	[tilespmem:s9+$0x320] =	vst.add.f32.msk $0xffff, v3  }
0x201: {  	[tilespmem:s9+$0x330] =	vst.add.f32.msk $0xffff, v4  }
0x202: {  	[tilespmem:s9+$0x340] =	vst.add.f32.msk $0xffff, v5  }
0x203: {  	[tilespmem:s9+$0x350] =	vst.add.f32.msk $0xffff, v6  }
0x204: {  	[tilespmem:s9+$0x360] =	vst.add.f32.msk $0xffff, v7  }
0x205: {  	[tilespmem:s9+$0x370] =	vst.add.f32.msk $0xffff, v8  }
0x206: {  	[tilespmem:s9+$0x380] =	vst.add.f32.msk $0xffff, v9  }
0x207: {  	[tilespmem:s9+$0x390] =	vst.add.f32.msk $0xffff, v10  }
0x208: {  	[tilespmem:s9+$0x3A0] =	vst.add.f32.msk $0xffff, v11  }
0x209: {  	[tilespmem:s9+$0x3B0] =	vst.add.f32.msk $0xffff, v12  }
0x20a: {  	[tilespmem:s9+$0x3C0] =	vst.add.f32.msk $0xffff, v13  }
0x20b: {  	[tilespmem:s9+$0x3D0] =	vst.add.f32.msk $0xffff, v14  }
0x20c: {  	[tilespmem:s9+$0x3E0] =	vst.add.f32.msk $0xffff, v15  }
0x20d: {  	[tilespmem:s9+$0x3F0] =	vst.add.f32.msk $0xffff, v16  }
0x20e: {  	[tilespmem:s9+$0x400] =	vst.add.f32.msk $0xffff, v17  }
0x20f: {  	[tilespmem:s9+$0x410] =	vst.add.f32.msk $0xffff, v18  }
0x210: {  	[tilespmem:s9+$0x420] =	vst.add.f32.msk $0xffff, v19  }
0x211: {  	[tilespmem:s9+$0x430] =	vst.add.f32.msk $0xffff, v20  }
0x212: {  	[tilespmem:s9+$0x440] =	vst.add.f32.msk $0xffff, v21  }
0x213: {  	[tilespmem:s9+$0x450] =	vst.add.f32.msk $0xffff, v22  }
0x214: {  	[tilespmem:s9+$0x460] =	vst.add.f32.msk $0xffff, v23  }
0x215: {  	[tilespmem:s9+$0x470] =	vst.add.f32.msk $0xffff, v24  }
0x216: {  	[tilespmem:s9+$0x480] =	vst.add.f32.msk $0xffff, v25  }
0x217: {  	[tilespmem:s9+$0x490] =	vst.add.f32.msk $0xffff, v26  }
0x218: {  	[tilespmem:s9+$0x4A0] =	vst.add.f32.msk $0xffff, v27  }
0x219: {  	[tilespmem:s9+$0x4B0] =	vst.add.f32.msk $0xffff, v28  }
0x21a: {  	[tilespmem:s9+$0x4C0] =	vst.add.f32.msk $0xffff, v29  }
0x21b: {  	s10 =	simm.s32 $0x0;
	s13 =	simm.s32 $0x800;
	[tilespmem:s9+$0x4D0] =	vst.add.f32.msk $0xffff, v30  }
.LBB2_10:
0x21c: {  	s10 =	sadd.s32 $0x4, s10;
	[tilespmem:s9+$0x4E0] =	vst.add.f32.msk $0xffff, v0;
	s9 =	sshra.s32 s13, $0x2  }
0x21d: {  	v0 =	vld [tilespmem:s9+$0x130F0];
	p0 =	slt.u32 s10, $0xC4  }
0x21e: {  	v1 =	vld [tilespmem:s9+$0x12F00]  }
0x21f: {  	v2 =	vld [tilespmem:s9+$0x12F10]  }
0x220: {  	v3 =	vld [tilespmem:s9+$0x12F20]  }
0x221: {  	v4 =	vld [tilespmem:s9+$0x12F30]  }
0x222: {  	[tilespmem:s9+$0x4F0] =	vst.add.f32.msk $0xffff, v0  }
0x223: {  	v5 =	vld [tilespmem:s9+$0x12F40]  }
0x224: {  	v6 =	vld [tilespmem:s9+$0x12F50]  }
0x225: {  	v7 =	vld [tilespmem:s9+$0x12F60]  }
0x226: {  	v8 =	vld [tilespmem:s9+$0x12F70]  }
0x227: {  	v9 =	vld [tilespmem:s9+$0x12F80]  }
0x228: {  	v10 =	vld [tilespmem:s9+$0x12F90]  }
0x229: {  	v11 =	vld [tilespmem:s9+$0x12FA0]  }
0x22a: {  	v12 =	vld [tilespmem:s9+$0x12FB0]  }
0x22b: {  	v13 =	vld [tilespmem:s9+$0x12FC0]  }
0x22c: {  	v14 =	vld [tilespmem:s9+$0x12FD0]  }
0x22d: {  	v15 =	vld [tilespmem:s9+$0x12FE0]  }
0x22e: {  	v16 =	vld [tilespmem:s9+$0x12FF0]  }
0x22f: {  	v17 =	vld [tilespmem:s9+$0x13000]  }
0x230: {  	v18 =	vld [tilespmem:s9+$0x13010]  }
0x231: {  	v19 =	vld [tilespmem:s9+$0x13020]  }
0x232: {  	v20 =	vld [tilespmem:s9+$0x13030]  }
0x233: {  	v21 =	vld [tilespmem:s9+$0x13040]  }
0x234: {  	v22 =	vld [tilespmem:s9+$0x13050]  }
0x235: {  	v23 =	vld [tilespmem:s9+$0x13060]  }
0x236: {  	v24 =	vld [tilespmem:s9+$0x13070]  }
0x237: {  	v25 =	vld [tilespmem:s9+$0x13080]  }
0x238: {  	v26 =	vld [tilespmem:s9+$0x13090]  }
0x239: {  	v27 =	vld [tilespmem:s9+$0x130A0]  }
0x23a: {  	v28 =	vld [tilespmem:s9+$0x130B0]  }
0x23b: {  	v29 =	vld [tilespmem:s9+$0x130C0]  }
0x23c: {  	v30 =	vld [tilespmem:s9+$0x130D0]  }
0x23d: {  	v0 =	vld [tilespmem:s9+$0x130E0]  }
0x23e: {  	[tilespmem:s9+$0x300] =	vst.add.f32.msk $0xffff, v1  }
0x23f: {  	[tilespmem:s9+$0x310] =	vst.add.f32.msk $0xffff, v2  }
0x240: {  	[tilespmem:s9+$0x320] =	vst.add.f32.msk $0xffff, v3  }
0x241: {  	[tilespmem:s9+$0x330] =	vst.add.f32.msk $0xffff, v4  }
0x242: {  	[tilespmem:s9+$0x340] =	vst.add.f32.msk $0xffff, v5  }
0x243: {  	[tilespmem:s9+$0x350] =	vst.add.f32.msk $0xffff, v6  }
0x244: {  	[tilespmem:s9+$0x360] =	vst.add.f32.msk $0xffff, v7  }
0x245: {  	[tilespmem:s9+$0x370] =	vst.add.f32.msk $0xffff, v8  }
0x246: {  	[tilespmem:s9+$0x380] =	vst.add.f32.msk $0xffff, v9  }
0x247: {  	[tilespmem:s9+$0x390] =	vst.add.f32.msk $0xffff, v10  }
0x248: {  	[tilespmem:s9+$0x3A0] =	vst.add.f32.msk $0xffff, v11  }
0x249: {  	[tilespmem:s9+$0x3B0] =	vst.add.f32.msk $0xffff, v12  }
0x24a: {  	[tilespmem:s9+$0x3C0] =	vst.add.f32.msk $0xffff, v13  }
0x24b: {  	[tilespmem:s9+$0x3D0] =	vst.add.f32.msk $0xffff, v14  }
0x24c: {  	[tilespmem:s9+$0x3E0] =	vst.add.f32.msk $0xffff, v15  }
0x24d: {  	[tilespmem:s9+$0x3F0] =	vst.add.f32.msk $0xffff, v16  }
0x24e: {  	[tilespmem:s9+$0x400] =	vst.add.f32.msk $0xffff, v17  }
0x24f: {  	[tilespmem:s9+$0x410] =	vst.add.f32.msk $0xffff, v18  }
0x250: {  	[tilespmem:s9+$0x420] =	vst.add.f32.msk $0xffff, v19  }
0x251: {  	[tilespmem:s9+$0x430] =	vst.add.f32.msk $0xffff, v20  }
0x252: {  	[tilespmem:s9+$0x440] =	vst.add.f32.msk $0xffff, v21  }
0x253: {  	[tilespmem:s9+$0x450] =	vst.add.f32.msk $0xffff, v22  }
0x254: {  	[tilespmem:s9+$0x460] =	vst.add.f32.msk $0xffff, v23  }
0x255: {  	[tilespmem:s9+$0x470] =	vst.add.f32.msk $0xffff, v24  }
0x256: {  	[tilespmem:s9+$0x480] =	vst.add.f32.msk $0xffff, v25  }
.Ltmp4:
0x257: {  	[tilespmem:s9+$0x490] =	vst.add.f32.msk $0xffff, v26;
	(pc) =	sbr.rel @p0 .LBB2_10-.Ltmp4, $4  }
0x258: {  	[tilespmem:s9+$0x4A0] =	vst.add.f32.msk $0xffff, v27  }
0x259: {  	[tilespmem:s9+$0x4B0] =	vst.add.f32.msk $0xffff, v28  }
0x25a: {  	[tilespmem:s9+$0x4C0] =	vst.add.f32.msk $0xffff, v29  }
0x25b: {  	s13 =	sadd.s32 $0x800, s13;
	[tilespmem:s9+$0x4D0] =	vst.add.f32.msk $0xffff, v30  }
0x25c: {  	[tilespmem:s9+$0x4E0] =	vst.add.f32.msk $0xffff, v0;
	s8 =	simm.s32 $0x0;
	s15 =	rddreg [dreg:$0x8]  }
0x25d: {  	[hbm4b:s15+s8] =	stream.linear.scatter [tilespmem:s23], [sflag:$0x4], $0x6400, $0x38;
	[tilespmem:$0x19300] =	vst v63  }
0x25e: {  	_ =	swait.ge [sflag:s28], $0x6400  }
0x25f: {  	[sflag:s28] =	ssyncset.done $0x0  }
0x260: {  	s9 =	simm.s32 $0x0;
	[sflag:s28] =	ssyncadd.s32 $0xFFFF9C00  }
0x261: {  	v0 =	vld [tilespmem:s9+$0x130F0]  }
0x262: {  	v1 =	vld [tilespmem:s9+$0x12F00]  }
0x263: {  	v2 =	vld [tilespmem:s9+$0x12F10]  }
0x264: {  	v3 =	vld [tilespmem:s9+$0x12F20]  }
0x265: {  	v4 =	vld [tilespmem:s9+$0x12F30]  }
0x266: {  	v5 =	vld [tilespmem:s9+$0x12F40]  }
0x267: {  	v6 =	vld [tilespmem:s9+$0x12F50]  }
0x268: {  	v7 =	vld [tilespmem:s9+$0x12F60]  }
0x269: {  	v8 =	vld [tilespmem:s9+$0x12F70]  }
0x26a: {  	v9 =	vld [tilespmem:s9+$0x12F80]  }
0x26b: {  	v10 =	vld [tilespmem:s9+$0x12F90]  }
0x26c: {  	v11 =	vld [tilespmem:s9+$0x12FA0]  }
0x26d: {  	v12 =	vld [tilespmem:s9+$0x12FB0]  }
0x26e: {  	v13 =	vld [tilespmem:s9+$0x12FC0]  }
0x26f: {  	v14 =	vld [tilespmem:s9+$0x12FD0]  }
0x270: {  	v15 =	vld [tilespmem:s9+$0x12FE0]  }
0x271: {  	v16 =	vld [tilespmem:s9+$0x12FF0]  }
0x272: {  	v17 =	vld [tilespmem:s9+$0x13000]  }
0x273: {  	v18 =	vld [tilespmem:s9+$0x13010]  }
0x274: {  	v19 =	vld [tilespmem:s9+$0x13020]  }
0x275: {  	v20 =	vld [tilespmem:s9+$0x13030]  }
0x276: {  	v21 =	vld [tilespmem:s9+$0x13040]  }
0x277: {  	v22 =	vld [tilespmem:s9+$0x13050]  }
0x278: {  	v23 =	vld [tilespmem:s9+$0x13060]  }
0x279: {  	v24 =	vld [tilespmem:s9+$0x13070]  }
0x27a: {  	v25 =	vld [tilespmem:s9+$0x13080]  }
0x27b: {  	v26 =	vld [tilespmem:s9+$0x13090]  }
0x27c: {  	v27 =	vld [tilespmem:s9+$0x130A0]  }
0x27d: {  	v28 =	vld [tilespmem:s9+$0x130B0]  }
0x27e: {  	v29 =	vld [tilespmem:s9+$0x130C0]  }
0x27f: {  	v30 =	vld [tilespmem:s9+$0x130D0]  }
0x280: {  	[tilespmem:s9+$0x68F0] =	vst.add.f32.msk $0xffff, v0  }
0x281: {  	v0 =	vld [tilespmem:s9+$0x130E0]  }
0x282: {  	[tilespmem:s9+$0x6700] =	vst.add.f32.msk $0xffff, v1  }
0x283: {  	[tilespmem:s9+$0x6710] =	vst.add.f32.msk $0xffff, v2  }
0x284: {  	[tilespmem:s9+$0x6720] =	vst.add.f32.msk $0xffff, v3  }
0x285: {  	[tilespmem:s9+$0x6730] =	vst.add.f32.msk $0xffff, v4  }
0x286: {  	[tilespmem:s9+$0x6740] =	vst.add.f32.msk $0xffff, v5  }
0x287: {  	[tilespmem:s9+$0x6750] =	vst.add.f32.msk $0xffff, v6  }
0x288: {  	[tilespmem:s9+$0x6760] =	vst.add.f32.msk $0xffff, v7  }
0x289: {  	[tilespmem:s9+$0x6770] =	vst.add.f32.msk $0xffff, v8  }
0x28a: {  	[tilespmem:s9+$0x6780] =	vst.add.f32.msk $0xffff, v9  }
0x28b: {  	[tilespmem:s9+$0x6790] =	vst.add.f32.msk $0xffff, v10  }
0x28c: {  	[tilespmem:s9+$0x67A0] =	vst.add.f32.msk $0xffff, v11  }
0x28d: {  	[tilespmem:s9+$0x67B0] =	vst.add.f32.msk $0xffff, v12  }
0x28e: {  	[tilespmem:s9+$0x67C0] =	vst.add.f32.msk $0xffff, v13  }
0x28f: {  	[tilespmem:s9+$0x67D0] =	vst.add.f32.msk $0xffff, v14  }
0x290: {  	[tilespmem:s9+$0x67E0] =	vst.add.f32.msk $0xffff, v15  }
0x291: {  	[tilespmem:s9+$0x67F0] =	vst.add.f32.msk $0xffff, v16  }
0x292: {  	[tilespmem:s9+$0x6800] =	vst.add.f32.msk $0xffff, v17  }
0x293: {  	[tilespmem:s9+$0x6810] =	vst.add.f32.msk $0xffff, v18  }
0x294: {  	[tilespmem:s9+$0x6820] =	vst.add.f32.msk $0xffff, v19  }
0x295: {  	[tilespmem:s9+$0x6830] =	vst.add.f32.msk $0xffff, v20  }
0x296: {  	[tilespmem:s9+$0x6840] =	vst.add.f32.msk $0xffff, v21  }
0x297: {  	[tilespmem:s9+$0x6850] =	vst.add.f32.msk $0xffff, v22  }
0x298: {  	[tilespmem:s9+$0x6860] =	vst.add.f32.msk $0xffff, v23  }
0x299: {  	[tilespmem:s9+$0x6870] =	vst.add.f32.msk $0xffff, v24  }
0x29a: {  	[tilespmem:s9+$0x6880] =	vst.add.f32.msk $0xffff, v25  }
0x29b: {  	[tilespmem:s9+$0x6890] =	vst.add.f32.msk $0xffff, v26  }
0x29c: {  	[tilespmem:s9+$0x68A0] =	vst.add.f32.msk $0xffff, v27  }
0x29d: {  	[tilespmem:s9+$0x68B0] =	vst.add.f32.msk $0xffff, v28  }
0x29e: {  	[tilespmem:s9+$0x68C0] =	vst.add.f32.msk $0xffff, v29  }
0x29f: {  	s10 =	simm.s32 $0x0;
	s13 =	simm.s32 $0x800;
	[tilespmem:s9+$0x68D0] =	vst.add.f32.msk $0xffff, v30  }
.LBB2_12:
0x2a0: {  	s10 =	sadd.s32 $0x4, s10;
	[tilespmem:s9+$0x68E0] =	vst.add.f32.msk $0xffff, v0;
	s9 =	sshra.s32 s13, $0x2  }
0x2a1: {  	v0 =	vld [tilespmem:s9+$0x130F0];
	p0 =	slt.u32 s10, $0xC4  }
0x2a2: {  	v1 =	vld [tilespmem:s9+$0x12F00]  }
0x2a3: {  	v2 =	vld [tilespmem:s9+$0x12F10]  }
0x2a4: {  	v3 =	vld [tilespmem:s9+$0x12F20]  }
0x2a5: {  	v4 =	vld [tilespmem:s9+$0x12F30]  }
0x2a6: {  	[tilespmem:s9+$0x68F0] =	vst.add.f32.msk $0xffff, v0  }
0x2a7: {  	v5 =	vld [tilespmem:s9+$0x12F40]  }
0x2a8: {  	v6 =	vld [tilespmem:s9+$0x12F50]  }
0x2a9: {  	v7 =	vld [tilespmem:s9+$0x12F60]  }
0x2aa: {  	v8 =	vld [tilespmem:s9+$0x12F70]  }
0x2ab: {  	v9 =	vld [tilespmem:s9+$0x12F80]  }
0x2ac: {  	v10 =	vld [tilespmem:s9+$0x12F90]  }
0x2ad: {  	v11 =	vld [tilespmem:s9+$0x12FA0]  }
0x2ae: {  	v12 =	vld [tilespmem:s9+$0x12FB0]  }
0x2af: {  	v13 =	vld [tilespmem:s9+$0x12FC0]  }
0x2b0: {  	v14 =	vld [tilespmem:s9+$0x12FD0]  }
0x2b1: {  	v15 =	vld [tilespmem:s9+$0x12FE0]  }
0x2b2: {  	v16 =	vld [tilespmem:s9+$0x12FF0]  }
0x2b3: {  	v17 =	vld [tilespmem:s9+$0x13000]  }
0x2b4: {  	v18 =	vld [tilespmem:s9+$0x13010]  }
0x2b5: {  	v19 =	vld [tilespmem:s9+$0x13020]  }
0x2b6: {  	v20 =	vld [tilespmem:s9+$0x13030]  }
0x2b7: {  	v21 =	vld [tilespmem:s9+$0x13040]  }
0x2b8: {  	v22 =	vld [tilespmem:s9+$0x13050]  }
0x2b9: {  	v23 =	vld [tilespmem:s9+$0x13060]  }
0x2ba: {  	v24 =	vld [tilespmem:s9+$0x13070]  }
0x2bb: {  	v25 =	vld [tilespmem:s9+$0x13080]  }
0x2bc: {  	v26 =	vld [tilespmem:s9+$0x13090]  }
0x2bd: {  	v27 =	vld [tilespmem:s9+$0x130A0]  }
0x2be: {  	v28 =	vld [tilespmem:s9+$0x130B0]  }
0x2bf: {  	v29 =	vld [tilespmem:s9+$0x130C0]  }
0x2c0: {  	v30 =	vld [tilespmem:s9+$0x130D0]  }
0x2c1: {  	v0 =	vld [tilespmem:s9+$0x130E0]  }
0x2c2: {  	[tilespmem:s9+$0x6700] =	vst.add.f32.msk $0xffff, v1  }
0x2c3: {  	[tilespmem:s9+$0x6710] =	vst.add.f32.msk $0xffff, v2  }
0x2c4: {  	[tilespmem:s9+$0x6720] =	vst.add.f32.msk $0xffff, v3  }
0x2c5: {  	[tilespmem:s9+$0x6730] =	vst.add.f32.msk $0xffff, v4  }
0x2c6: {  	[tilespmem:s9+$0x6740] =	vst.add.f32.msk $0xffff, v5  }
0x2c7: {  	[tilespmem:s9+$0x6750] =	vst.add.f32.msk $0xffff, v6  }
0x2c8: {  	[tilespmem:s9+$0x6760] =	vst.add.f32.msk $0xffff, v7  }
0x2c9: {  	[tilespmem:s9+$0x6770] =	vst.add.f32.msk $0xffff, v8  }
0x2ca: {  	[tilespmem:s9+$0x6780] =	vst.add.f32.msk $0xffff, v9  }
0x2cb: {  	[tilespmem:s9+$0x6790] =	vst.add.f32.msk $0xffff, v10  }
0x2cc: {  	[tilespmem:s9+$0x67A0] =	vst.add.f32.msk $0xffff, v11  }
0x2cd: {  	[tilespmem:s9+$0x67B0] =	vst.add.f32.msk $0xffff, v12  }
0x2ce: {  	[tilespmem:s9+$0x67C0] =	vst.add.f32.msk $0xffff, v13  }
0x2cf: {  	[tilespmem:s9+$0x67D0] =	vst.add.f32.msk $0xffff, v14  }
0x2d0: {  	[tilespmem:s9+$0x67E0] =	vst.add.f32.msk $0xffff, v15  }
0x2d1: {  	[tilespmem:s9+$0x67F0] =	vst.add.f32.msk $0xffff, v16  }
0x2d2: {  	[tilespmem:s9+$0x6800] =	vst.add.f32.msk $0xffff, v17  }
0x2d3: {  	[tilespmem:s9+$0x6810] =	vst.add.f32.msk $0xffff, v18  }
0x2d4: {  	[tilespmem:s9+$0x6820] =	vst.add.f32.msk $0xffff, v19  }
0x2d5: {  	[tilespmem:s9+$0x6830] =	vst.add.f32.msk $0xffff, v20  }
0x2d6: {  	[tilespmem:s9+$0x6840] =	vst.add.f32.msk $0xffff, v21  }
0x2d7: {  	[tilespmem:s9+$0x6850] =	vst.add.f32.msk $0xffff, v22  }
0x2d8: {  	[tilespmem:s9+$0x6860] =	vst.add.f32.msk $0xffff, v23  }
0x2d9: {  	[tilespmem:s9+$0x6870] =	vst.add.f32.msk $0xffff, v24  }
0x2da: {  	[tilespmem:s9+$0x6880] =	vst.add.f32.msk $0xffff, v25  }
.Ltmp5:
0x2db: {  	[tilespmem:s9+$0x6890] =	vst.add.f32.msk $0xffff, v26;
	(pc) =	sbr.rel @p0 .LBB2_12-.Ltmp5, $4  }
0x2dc: {  	[tilespmem:s9+$0x68A0] =	vst.add.f32.msk $0xffff, v27  }
0x2dd: {  	[tilespmem:s9+$0x68B0] =	vst.add.f32.msk $0xffff, v28  }
0x2de: {  	[tilespmem:s9+$0x68C0] =	vst.add.f32.msk $0xffff, v29  }
0x2df: {  	s13 =	sadd.s32 $0x800, s13;
	[tilespmem:s9+$0x68D0] =	vst.add.f32.msk $0xffff, v30  }
0x2e0: {  	[tilespmem:s9+$0x68E0] =	vst.add.f32.msk $0xffff, v0;
	s8 =	rddreg [dreg:$0x9]  }
0x2e1: {  	[hbm4b:s8+s4] =	stream.linear.scatter [tilespmem:s24], [sflag:$0x5], $0x6400, $0x38;
	[tilespmem:$0x19300] =	vst v63  }
0x2e2: {  	_ =	swait.ge [sflag:s16], $0x6400  }
0x2e3: {  	[sflag:s16] =	ssyncset.done $0x0  }
0x2e4: {  	[sflag:s16] =	ssyncadd.s32 $0xFFFF9C00  }
0x2e5: {  	_ =	swait.ge [sflag:s29], $0x6400  }
0x2e6: {  	[sflag:s29] =	ssyncset.done $0x0  }
0x2e7: {  	[sflag:s29] =	ssyncadd.s32 $0xFFFF9C00  }
0x2e8: {  	_ =	swait.ge [sflag:s0], $0x6400  }
0x2e9: {  	s7 =	sadd.s32 $0x1, s7;
	s15 =	rddreg [dreg:$0xa]  }
0x2ea: {  	p0 =	sne.s32 s7, s15  }
.Ltmp6:
0x2eb: {  	_ = 	snop;
	(pc) =	sbr.rel @p0 .LBB2_1-.Ltmp6, $3  }
0x2ec: {  	_ =	sdelay $0x1  }
0x2ed: {  	[sflag:s0] =	ssyncset.done $0x0  }
0x2ee: {  	[sflag:s0] =	ssyncadd.s32 $0xFFFF9C00  }
0x2ef: {  	_ =	sfence.sel $0x180000  }
0x2f0: {  	[bflag:$0x0] =	sbarrier.arrive $0xFFFF  }
0x2f1: {  	_ =	strace $0x90000047  }
0x2f2: {  	s0 =	stileid.u32;
	[bflag:$0x2] =	sbarrier.arrive $0xFFFF  }
0x2f3: {  	p0 =	sne.s32 s0, $0x0;
	s0 =	rddreg [dreg:$0x3]  }
0x2f4: {  	s0 =	sadd.s32 @!p0 $0x100000, s0  }
0x2f5: {  	[sflag:s0] =	ssyncadd.tile.s32 @!p0 $0x1;
	_ =	shalt  }
.Lfunc_end2:
_tile_overlayer_lowered:
.L_overlay_start_2:
0x2f6: {  	(tag) =	ssettag $0x2  }
0x2f7: {  	s0 =	rddreg [dreg:$0x0];
	s2 =	stileid.u32  }
0x2f8: {  	s1 =	rddreg [dreg:$0x1];
	p0 =	sne.s32 s2, $0x0  }
0x2f9: {  	s3 =	rddreg [dreg:$0x2];
	[bflag:$0x3] =	sbarrier.arrive $0xFFFF;
	s2 =	simm.s32 @!p0 $0x1C0A  }
0x2fa: {  	[timem:s3], [sflag:s2] =	dma.local @!p0 [hbm:s0], s1  }
0x2fb: {  	s0 =	simm.s32 @!p0 $0xA  }
0x2fc: {  	_ =	swait.ge @!p0 [sflag:s0], s1  }
0x2fd: {  	s1 =	ssub.s32 @!p0 $0x0, s1;
	[sflag:s0] =	ssyncset.done @!p0 $0x0  }
0x2fe: {  	[sflag:s0] =	ssyncadd.s32 @!p0 s1  }
0x2ff: {  	[bflag:$0x3] =	sbarrier.arrive $0xFFFF  }
0x300: {  	_ =	shalt  }

</sc_bundles>
